<compile_context>
chip_gen: v7x
topology: tpu7x:2x2x1
jax: 0.10.2.dev20260603
libtpu: 0.0.44.dev20260713+nightly
codegen_flags: <defaults>
</compile_context>

<pallas_src>
import functools

import jax
import jax.numpy as jnp
from jax import lax
from jax.experimental import pallas as pl
from jax.experimental.pallas import tpu as pltpu
from jax.experimental.pallas import tpu_sc as plsc

N_NODES = 10000
N_EDGES = 320000
IN_DIM = 128
HIDDEN = 256
OUT_DIM = 128
D = 128

NC, NS = 2, 16
NW = NC * NS
CHUNK = 128
NCHUNK = 80
E_PAD = NW * NCHUNK * CHUNK
TCHUNK = E_PAD // CHUNK
N_PAD = 10240
RPT = N_PAD // NS
NDCH = 2 * E_PAD // (NW * CHUNK)

DH = D // 2
CPS = TCHUNK // NS

_MESH = plsc.VectorSubcoreMesh(
    core_axis_name="c", subcore_axis_name="s", num_cores=NC, num_subcores=NS
)


@functools.partial(
    pl.kernel,
    out_type=jax.ShapeDtypeStruct((NC, 2, N_PAD), jnp.float32),
    mesh=_MESH,
    scratch_types=[
        pltpu.VMEM((NCHUNK, 2, CHUNK), jnp.int32),
        pltpu.VMEM((CHUNK,), jnp.float32),
        pltpu.VMEM_SHARED((N_PAD,), jnp.float32),
        pltpu.VMEM_SHARED((N_PAD,), jnp.float32),
        pltpu.SemaphoreType.DMA,
    ],
)
def _sc_degrees(eidx_hbm, zeros_hbm, degs_hbm, idxb, ones_v,
                deg_out_sh, deg_in_sh, ssem):
    c = lax.axis_index("c")
    s = lax.axis_index("s")
    for k in range(CHUNK // 16):
        ones_v[pl.ds(k * 16, 16)] = jnp.full((16,), 1.0, jnp.float32)

    @pl.when(s == 0)
    def _():
        pltpu.sync_copy(zeros_hbm, deg_out_sh)

    @pl.when(s == 1)
    def _():
        pltpu.sync_copy(zeros_hbm, deg_in_sh)

    plsc.subcore_barrier()
    b0 = (s * NC + c) * NCHUNK
    pltpu.sync_copy(eidx_hbm.at[pl.ds(b0, NCHUNK)], idxb)

    def step(i, carry):
        pltpu.async_copy(ones_v, deg_out_sh.at[idxb.at[i, 0]], ssem, add=True)
        pltpu.async_copy(ones_v, deg_in_sh.at[idxb.at[i, 1]], ssem, add=True)

        @pl.when(i >= 4)
        def _():
            pltpu.make_async_copy(ones_v, deg_out_sh.at[idxb.at[0, 0]], ssem).wait()
            pltpu.make_async_copy(ones_v, deg_out_sh.at[idxb.at[0, 0]], ssem).wait()

        return carry

    lax.fori_loop(0, NCHUNK, step, 0)
    for _k in range(8):
        pltpu.make_async_copy(ones_v, deg_out_sh.at[idxb.at[0, 0]], ssem).wait()
    plsc.subcore_barrier()

    @pl.when(s == 0)
    def _():
        pltpu.sync_copy(deg_out_sh, degs_hbm.at[c, 0])

    @pl.when(s == 1)
    def _():
        pltpu.sync_copy(deg_in_sh, degs_hbm.at[c, 1])


@functools.partial(
    pl.kernel,
    out_type=jax.ShapeDtypeStruct((NC, N_PAD, DH), jnp.float32),
    mesh=_MESH,
    scratch_types=[
        pltpu.VMEM((4, 2, CHUNK), jnp.int32),
        pltpu.VMEM((4, CHUNK, DH), jnp.float32),
        pltpu.VMEM_SHARED((N_PAD, DH), jnp.float32),
        pltpu.VMEM_SHARED((N_PAD, DH), jnp.float32),
        pltpu.SemaphoreType.DMA((4,)),
        pltpu.SemaphoreType.DMA((4,)),
        pltpu.SemaphoreType.DMA((4,)),
    ],
    compiler_params=pltpu.CompilerParams(use_tc_tiling_on_sc=False),
)
def _sc_edge_pass(table_hbm, eidx_hbm, zrows_hbm, parts_hbm,
                  idx2, rows, table_sh, accum_sh, gsem, ssem, isem):
    c = lax.axis_index("c")
    s = lax.axis_index("s")
    r0 = s * RPT
    pltpu.sync_copy(table_hbm.at[c, pl.ds(r0, RPT)], table_sh.at[pl.ds(r0, RPT)])
    pltpu.sync_copy(zrows_hbm.at[pl.ds(r0, RPT)], accum_sh.at[pl.ds(r0, RPT)])
    plsc.subcore_barrier()
    b0 = s * CPS

    def gather(i_slot, chunk):
        pltpu.async_copy(table_sh.at[idx2.at[i_slot, 0]], rows.at[i_slot],
                         gsem.at[i_slot])

    def wait_gather(i_slot):
        pltpu.make_async_copy(table_sh.at[idx2.at[i_slot, 0]], rows.at[i_slot],
                              gsem.at[i_slot]).wait()

    def scatter(i_slot):
        pltpu.async_copy(rows.at[i_slot], accum_sh.at[idx2.at[i_slot, 1]],
                         ssem.at[i_slot], add=True)

    def wait_scatter(i_slot):
        pltpu.make_async_copy(rows.at[i_slot], accum_sh.at[idx2.at[i_slot, 1]],
                              ssem.at[i_slot]).wait()

    def load_idx(i_slot, chunk):
        pltpu.async_copy(eidx_hbm.at[chunk], idx2.at[i_slot], isem.at[i_slot])

    def wait_idx(i_slot):
        pltpu.make_async_copy(eidx_hbm.at[0], idx2.at[i_slot],
                              isem.at[i_slot]).wait()

    pltpu.sync_copy(eidx_hbm.at[b0], idx2.at[0])
    load_idx(1, b0 + 1)
    gather(0, b0)

    def step(g, carry):
        i0 = 4 * g
        for b in range(4):
            i = i0 + b
            wait_gather(b)
            scatter(b)
            if b < 2:
                @pl.when(g > 0)
                def _():
                    wait_scatter((b + 2) % 4)
            else:
                wait_scatter((b + 2) % 4)
            load_idx((b + 2) % 4, b0 + i + 2)
            wait_idx((b + 1) % 4)
            gather((b + 1) % 4, b0 + i + 1)
        return carry

    lax.fori_loop(0, CPS // 4, step, 0)
    wait_scatter(2)
    wait_scatter(3)
    wait_gather(0)
    wait_idx(1)
    plsc.subcore_barrier()
    pltpu.sync_copy(accum_sh.at[pl.ds(r0, RPT)], parts_hbm.at[c, pl.ds(r0, RPT)])


def _tc_prep_body(degs_ref, feat_ref, dout_ref, din_ref, hs_ref):
    deg_o = degs_ref[0, 0, :N_NODES] + degs_ref[1, 0, :N_NODES]
    deg_i = degs_ref[0, 1, :N_NODES] + degs_ref[1, 1, :N_NODES]
    dout = lax.rsqrt(jnp.maximum(deg_o, 1.0))
    din = lax.rsqrt(jnp.maximum(deg_i, 1.0))
    dout_ref[...] = dout
    din_ref[...] = din
    hs = feat_ref[...] * dout[:, None]
    hs_ref[0, :N_NODES] = hs[:, :DH]
    hs_ref[1, :N_NODES] = hs[:, DH:]


_tc_prep = pl.pallas_call(
    _tc_prep_body,
    out_shape=(
        jax.ShapeDtypeStruct((N_NODES,), jnp.float32),
        jax.ShapeDtypeStruct((N_NODES,), jnp.float32),
        jax.ShapeDtypeStruct((NC, N_PAD, DH), jnp.float32),
    ),
)


def _tc_mid_body(p_ref, din_ref, dout_ref, W1_ref, b1_ref, g1_ref, be1_ref,
                 a1_ref, W2_ref, t2_ref):
    din = din_ref[...][:, None]
    a0 = p_ref[0, :N_NODES] * din
    a1 = p_ref[1, :N_NODES] * din
    z = (jnp.dot(a0, W1_ref[:DH], preferred_element_type=jnp.float32)
         + jnp.dot(a1, W1_ref[DH:], preferred_element_type=jnp.float32)
         + b1_ref[...])
    mean = jnp.mean(z, axis=0)
    zc = z - mean
    var = jnp.mean(zc * zc, axis=0)
    zn = zc * lax.rsqrt(var + 1e-5) * g1_ref[...] + be1_ref[...]
    h1 = jnp.where(zn > 0, zn, zn * a1_ref[...])
    hs2 = h1 * dout_ref[...][:, None]
    t2_ref[0, :N_NODES] = jnp.dot(hs2, W2_ref[:, :DH],
                                  preferred_element_type=jnp.float32)
    t2_ref[1, :N_NODES] = jnp.dot(hs2, W2_ref[:, DH:],
                                  preferred_element_type=jnp.float32)


_tc_mid = pl.pallas_call(
    _tc_mid_body,
    out_shape=jax.ShapeDtypeStruct((NC, N_PAD, DH), jnp.float32),
)


def _tc_out_body(p_ref, din_ref, b2_ref, g2_ref, be2_ref, a2_ref, out_ref):
    zh = jnp.concatenate([p_ref[0, :N_NODES], p_ref[1, :N_NODES]], axis=1)
    z = zh * din_ref[...][:, None] + b2_ref[...]
    mean = jnp.mean(z, axis=0)
    zc = z - mean
    var = jnp.mean(zc * zc, axis=0)
    zn = zc * lax.rsqrt(var + 1e-5) * g2_ref[...] + be2_ref[...]
    out_ref[...] = jnp.where(zn > 0, zn, zn * a2_ref[...])


_tc_out = pl.pallas_call(
    _tc_out_body,
    out_shape=jax.ShapeDtypeStruct((N_NODES, OUT_DIM), jnp.float32),
)


def kernel(feat, edge_index, W1, b1, gamma1, beta1, a1, W2, b2, gamma2, beta2, a2):
    src = edge_index[0].astype(jnp.int32)
    dst = edge_index[1].astype(jnp.int32)
    n_pad_e = E_PAD - N_EDGES

    src_p = jnp.concatenate([src, jnp.full((n_pad_e,), N_NODES, jnp.int32)])
    dst_p = jnp.concatenate([dst, jnp.full((n_pad_e,), N_PAD - 1, jnp.int32)])
    eidx = jnp.stack([src_p.reshape(-1, CHUNK), dst_p.reshape(-1, CHUNK)], 1)
    eidx = jnp.concatenate([eidx, jnp.zeros((2, 2, CHUNK), jnp.int32)])

    zeros1 = jnp.zeros((N_PAD,), jnp.float32)
    zrows = jnp.zeros((N_PAD, DH), jnp.float32)

    degs = _sc_degrees(eidx, zeros1)
    dout_inv, din_inv, hscaled = _tc_prep(degs, feat)
    p1 = _sc_edge_pass(hscaled, eidx, zrows)
    t2 = _tc_mid(p1, din_inv, dout_inv, W1, b1, gamma1, beta1,
                 a1.reshape(1, 1), W2)
    p2 = _sc_edge_pass(t2, eidx, zrows)
    return _tc_out(p2, din_inv, b2, gamma2, beta2, a2.reshape(1, 1))

# --- scband reference (transcript-rebuilt; emitter-appended) ---
"""Pipeline reference for scband-encoder1-13743895347449 (READ-ONLY COPY).

The authoritative reference and input builder live on the scoring server;
editing this copy changes nothing except your own understanding.
"""

import jax, jax.numpy as jnp
import numpy as np

N_NODES = 10000
N_EDGES = 320000
IN_DIM = 128
HIDDEN = 256
OUT_DIM = 128


def setup_inputs(seed: int = 0) -> dict:
    key = jax.random.key(seed)
    ks = [jax.random.fold_in(key, i) for i in range(12)]
    feat = jax.random.normal(ks[0], (N_NODES, IN_DIM), dtype=jnp.float32)
    edge_index = jax.random.randint(ks[1], (2, N_EDGES), 0, N_NODES, dtype=jnp.int64)
    # layer 1: GraphConv(IN_DIM -> HIDDEN), BatchNorm(HIDDEN), PReLU
    W1 = jax.random.normal(ks[2], (IN_DIM, HIDDEN), dtype=jnp.float32) * (1.0 / np.sqrt(IN_DIM))
    b1 = jnp.zeros((HIDDEN,), dtype=jnp.float32)
    gamma1 = jnp.ones((HIDDEN,), dtype=jnp.float32)
    beta1 = jnp.zeros((HIDDEN,), dtype=jnp.float32)
    a1 = jnp.asarray(0.25, dtype=jnp.float32)
    # layer 2: GraphConv(HIDDEN -> OUT_DIM), BatchNorm(OUT_DIM), PReLU
    W2 = jax.random.normal(ks[3], (HIDDEN, OUT_DIM), dtype=jnp.float32) * (1.0 / np.sqrt(HIDDEN))
    b2 = jnp.zeros((OUT_DIM,), dtype=jnp.float32)
    gamma2 = jnp.ones((OUT_DIM,), dtype=jnp.float32)
    beta2 = jnp.zeros((OUT_DIM,), dtype=jnp.float32)
    a2 = jnp.asarray(0.25, dtype=jnp.float32)
    return {"feat": feat, "edge_index": edge_index,
            "W1": W1, "b1": b1, "gamma1": gamma1, "beta1": beta1, "a1": a1,
            "W2": W2, "b2": b2, "gamma2": gamma2, "beta2": beta2, "a2": a2}


def _graph_conv(h, src, dst, W, b, n_nodes):
    # DGL GraphConv with norm='both': D_out^{-1/2} on src, scatter-add, D_in^{-1/2} on dst, then linear.
    deg_out = jnp.clip(jnp.bincount(src, length=n_nodes), 1).astype(h.dtype)
    deg_in = jnp.clip(jnp.bincount(dst, length=n_nodes), 1).astype(h.dtype)
    h = h * (deg_out ** -0.5)[:, None]
    msg = jnp.take(h, src, axis=0)
    agg = jax.ops.segment_sum(msg, dst, num_segments=n_nodes)
    agg = agg * (deg_in ** -0.5)[:, None]
    return agg @ W + b


def _batch_norm(h, gamma, beta, eps=1e-5):
    mean = jnp.mean(h, axis=0)
    var = jnp.mean((h - mean) ** 2, axis=0)
    return (h - mean) * jax.lax.rsqrt(var + eps) * gamma + beta


def _prelu(h, a):
    return jnp.where(h > 0, h, a * h)


def reference(feat, edge_index, W1, b1, gamma1, beta1, a1, W2, b2, gamma2, beta2, a2):
    src = edge_index[0]
    dst = edge_index[1]
    h = feat  # dropout in eval mode = identity
    h = _graph_conv(h, src, dst, W1, b1, N_NODES)
    h = _batch_norm(h, gamma1, beta1)
    h = _prelu(h, a1)
    h = _graph_conv(h, src, dst, W2, b2, N_NODES)
    h = _batch_norm(h, gamma2, beta2)
    h = _prelu(h, a2)
    return h

if __name__ == "__main__":
    import jax
    _d = setup_inputs()
    print(jax.jit(kernel)(*tuple(_d.values())))

</pallas_src>

<mosaic_0001>
#map = affine_map<(d0, d1) -> (0, 0, 0)>
#map1 = affine_map<(d0, d1) -> (0, 0)>
module attributes {stable_mosaic.version = 14 : i64} {
  func.func @_sc_edge_pass(%arg0: i32, %arg1: i32, %arg2: memref<2x10240x64xf32, #tpu.memory_space<hbm>>, %arg3: memref<2562x2x128xi32, #tpu.memory_space<hbm>>, %arg4: memref<10240x64xf32, #tpu.memory_space<hbm>>, %arg5: memref<2x10240x64xf32, #tpu.memory_space<hbm>>, %arg6: memref<4x2x128xi32, #tpu.memory_space<vmem>>, %arg7: memref<4x128x64xf32, #tpu.memory_space<vmem>>, %arg8: memref<10240x64xf32, #tpu.memory_space<vmem_shared>>, %arg9: memref<10240x64xf32, #tpu.memory_space<vmem_shared>>, %arg10: memref<4x!tpu.dma_semaphore, #tpu.memory_space<semaphore_mem>>, %arg11: memref<4x!tpu.dma_semaphore, #tpu.memory_space<semaphore_mem>>, %arg12: memref<4x!tpu.dma_semaphore, #tpu.memory_space<semaphore_mem>>) attributes {dimension_semantics = [#tpu.dimension_semantics<core_parallel>, #tpu.dimension_semantics<subcore_parallel>], iteration_bounds = array<i64: 2, 16>, scalar_prefetch = 0 : i64, scratch_operands = 7 : i64, tpu.core_type = #tpu.core_type<sc_vector_subcore>, window_params = [{transform_indices = #map}, {transform_indices = #map}, {transform_indices = #map1}, {transform_indices = #map}]} {
    %mul3A = arith.constant 640 : i32
    %mul3A_0 = arith.muli %arg1, %mul3A : i32
    "tpu.region"() ({
      %run_scoped3A_113 = tpu.sem_alloc : memref<!tpu.dma_semaphore, #tpu.memory_space<semaphore_mem>>
      %dma_start3A_114 = arith.constant 0 : i32
      %dma_start3A_115 = tpu.memref_slice %arg8[%mul3A_0, %dma_start3A_114] : memref<10240x64xf32, #tpu.memory_space<vmem_shared>> -> memref<640x64xf32, #tpu.memory_space<vmem_shared>>
      %dma_start3A_116 = arith.constant 0 : i32
      %dma_start3A_117 = tpu.memref_slice %arg2[%arg0, %mul3A_0, %dma_start3A_116] : memref<2x10240x64xf32, #tpu.memory_space<hbm>> -> memref<1x640x64xf32, #tpu.memory_space<hbm>>
      %dma_start3A_118 = tpu.memref_squeeze %dma_start3A_117 : memref<1x640x64xf32, #tpu.memory_space<hbm>> -> memref<640x64xf32, #tpu.memory_space<hbm>>
      tpu.enqueue_dma source(%dma_start3A_118 : memref<640x64xf32, #tpu.memory_space<hbm>>) target(%dma_start3A_115 : memref<640x64xf32, #tpu.memory_space<vmem_shared>>) target_semaphore(%run_scoped3A_113 : memref<!tpu.dma_semaphore, #tpu.memory_space<semaphore_mem>>)
      %dma_wait3A_119 = arith.constant 0 : i32
      %dma_wait3A_120 = tpu.memref_slice %arg8[%mul3A_0, %dma_wait3A_119] : memref<10240x64xf32, #tpu.memory_space<vmem_shared>> -> memref<640x64xf32, #tpu.memory_space<vmem_shared>>
      %dma_wait3A_121 = arith.constant 0 : i32
      %dma_wait3A_122 = tpu.memref_slice %arg2[%arg0, %mul3A_0, %dma_wait3A_121] : memref<2x10240x64xf32, #tpu.memory_space<hbm>> -> memref<1x640x64xf32, #tpu.memory_space<hbm>>
      %dma_wait3A_123 = tpu.memref_squeeze %dma_wait3A_122 : memref<1x640x64xf32, #tpu.memory_space<hbm>> -> memref<640x64xf32, #tpu.memory_space<hbm>>
      tpu.wait_dma2 semaphore(%run_scoped3A_113 : memref<!tpu.dma_semaphore, #tpu.memory_space<semaphore_mem>>) src(%dma_wait3A_123 : memref<640x64xf32, #tpu.memory_space<hbm>>) dst(%dma_wait3A_120 : memref<640x64xf32, #tpu.memory_space<vmem_shared>>)
      tpu.yield
    }) : () -> ()
    "tpu.region"() ({
      %run_scoped3A_113 = tpu.sem_alloc : memref<!tpu.dma_semaphore, #tpu.memory_space<semaphore_mem>>
      %dma_start3A_114 = arith.constant 0 : i32
      %dma_start3A_115 = tpu.memref_slice %arg9[%mul3A_0, %dma_start3A_114] : memref<10240x64xf32, #tpu.memory_space<vmem_shared>> -> memref<640x64xf32, #tpu.memory_space<vmem_shared>>
      %dma_start3A_116 = arith.constant 0 : i32
      %dma_start3A_117 = tpu.memref_slice %arg4[%mul3A_0, %dma_start3A_116] : memref<10240x64xf32, #tpu.memory_space<hbm>> -> memref<640x64xf32, #tpu.memory_space<hbm>>
      tpu.enqueue_dma source(%dma_start3A_117 : memref<640x64xf32, #tpu.memory_space<hbm>>) target(%dma_start3A_115 : memref<640x64xf32, #tpu.memory_space<vmem_shared>>) target_semaphore(%run_scoped3A_113 : memref<!tpu.dma_semaphore, #tpu.memory_space<semaphore_mem>>)
      %dma_wait3A_118 = arith.constant 0 : i32
      %dma_wait3A_119 = tpu.memref_slice %arg9[%mul3A_0, %dma_wait3A_118] : memref<10240x64xf32, #tpu.memory_space<vmem_shared>> -> memref<640x64xf32, #tpu.memory_space<vmem_shared>>
      %dma_wait3A_120 = arith.constant 0 : i32
      %dma_wait3A_121 = tpu.memref_slice %arg4[%mul3A_0, %dma_wait3A_120] : memref<10240x64xf32, #tpu.memory_space<hbm>> -> memref<640x64xf32, #tpu.memory_space<hbm>>
      tpu.wait_dma2 semaphore(%run_scoped3A_113 : memref<!tpu.dma_semaphore, #tpu.memory_space<semaphore_mem>>) src(%dma_wait3A_121 : memref<640x64xf32, #tpu.memory_space<hbm>>) dst(%dma_wait3A_119 : memref<640x64xf32, #tpu.memory_space<vmem_shared>>)
      tpu.yield
    }) : () -> ()
    %barrier3A = arith.constant 0 : index
    tpu.barrier barrier_id(%barrier3A)
    %mul3A_1 = arith.constant 160 : i32
    %mul3A_2 = arith.muli %arg1, %mul3A_1 : i32
    %run_scoped3A = arith.constant 0 : i32
    "tpu.region"() ({
      %run_scoped3A_113 = tpu.sem_alloc : memref<!tpu.dma_semaphore, #tpu.memory_space<semaphore_mem>>
      %dma_start3A_114 = arith.constant 0 : i32
      %dma_start3A_115 = arith.constant 0 : i32
      %dma_start3A_116 = tpu.memref_slice %arg6[%run_scoped3A, %dma_start3A_114, %dma_start3A_115] : memref<4x2x128xi32, #tpu.memory_space<vmem>> -> memref<1x2x128xi32, #tpu.memory_space<vmem>>
      %dma_start3A_117 = tpu.memref_squeeze %dma_start3A_116 : memref<1x2x128xi32, #tpu.memory_space<vmem>> -> memref<2x128xi32, #tpu.memory_space<vmem>>
      %dma_start3A_118 = arith.constant 0 : i32
      %dma_start3A_119 = arith.constant 0 : i32
      %dma_start3A_120 = tpu.memref_slice %arg3[%mul3A_2, %dma_start3A_118, %dma_start3A_119] : memref<2562x2x128xi32, #tpu.memory_space<hbm>> -> memref<1x2x128xi32, #tpu.memory_space<hbm>>
      %dma_start3A_121 = tpu.memref_squeeze %dma_start3A_120 : memref<1x2x128xi32, #tpu.memory_space<hbm>> -> memref<2x128xi32, #tpu.memory_space<hbm>>
      %dma_start3A_122 = arith.constant 0 : i32
      %dma_start3A_123 = arith.constant 0 : i32
      %dma_start3A_124 = tpu.memref_slice %arg6[%run_scoped3A, %dma_start3A_122, %dma_start3A_123] : memref<4x2x128xi32, #tpu.memory_space<vmem>> -> memref<1x2x128xi32, #tpu.memory_space<vmem>>
      %dma_start3A_125 = tpu.memref_squeeze %dma_start3A_124 : memref<1x2x128xi32, #tpu.memory_space<vmem>> -> memref<2x128xi32, #tpu.memory_space<vmem>>
      %dma_start3A_126 = arith.constant 0 : i32
      %dma_start3A_127 = arith.constant 0 : i32
      %dma_start3A_128 = tpu.memref_slice %arg3[%mul3A_2, %dma_start3A_126, %dma_start3A_127] : memref<2562x2x128xi32, #tpu.memory_space<hbm>> -> memref<1x2x128xi32, #tpu.memory_space<hbm>>
      %dma_start3A_129 = tpu.memref_squeeze %dma_start3A_128 : memref<1x2x128xi32, #tpu.memory_space<hbm>> -> memref<2x128xi32, #tpu.memory_space<hbm>>
      tpu.enqueue_dma source(%dma_start3A_129 : memref<2x128xi32, #tpu.memory_space<hbm>>) target(%dma_start3A_125 : memref<2x128xi32, #tpu.memory_space<vmem>>) target_semaphore(%run_scoped3A_113 : memref<!tpu.dma_semaphore, #tpu.memory_space<semaphore_mem>>)
      %dma_wait3A_130 = arith.constant 0 : i32
      %dma_wait3A_131 = arith.constant 0 : i32
      %dma_wait3A_132 = tpu.memref_slice %arg6[%run_scoped3A, %dma_wait3A_130, %dma_wait3A_131] : memref<4x2x128xi32, #tpu.memory_space<vmem>> -> memref<1x2x128xi32, #tpu.memory_space<vmem>>
      %dma_wait3A_133 = tpu.memref_squeeze %dma_wait3A_132 : memref<1x2x128xi32, #tpu.memory_space<vmem>> -> memref<2x128xi32, #tpu.memory_space<vmem>>
      %dma_wait3A_134 = arith.constant 0 : i32
      %dma_wait3A_135 = arith.constant 0 : i32
      %dma_wait3A_136 = tpu.memref_slice %arg3[%mul3A_2, %dma_wait3A_134, %dma_wait3A_135] : memref<2562x2x128xi32, #tpu.memory_space<hbm>> -> memref<1x2x128xi32, #tpu.memory_space<hbm>>
      %dma_wait3A_137 = tpu.memref_squeeze %dma_wait3A_136 : memref<1x2x128xi32, #tpu.memory_space<hbm>> -> memref<2x128xi32, #tpu.memory_space<hbm>>
      %dma_wait3A_138 = arith.constant 0 : i32
      %dma_wait3A_139 = arith.constant 0 : i32
      %dma_wait3A_140 = tpu.memref_slice %arg6[%run_scoped3A, %dma_wait3A_138, %dma_wait3A_139] : memref<4x2x128xi32, #tpu.memory_space<vmem>> -> memref<1x2x128xi32, #tpu.memory_space<vmem>>
      %dma_wait3A_141 = tpu.memref_squeeze %dma_wait3A_140 : memref<1x2x128xi32, #tpu.memory_space<vmem>> -> memref<2x128xi32, #tpu.memory_space<vmem>>
      %dma_wait3A_142 = arith.constant 0 : i32
      %dma_wait3A_143 = arith.constant 0 : i32
      %dma_wait3A_144 = tpu.memref_slice %arg3[%mul3A_2, %dma_wait3A_142, %dma_wait3A_143] : memref<2562x2x128xi32, #tpu.memory_space<hbm>> -> memref<1x2x128xi32, #tpu.memory_space<hbm>>
      %dma_wait3A_145 = tpu.memref_squeeze %dma_wait3A_144 : memref<1x2x128xi32, #tpu.memory_space<hbm>> -> memref<2x128xi32, #tpu.memory_space<hbm>>
      tpu.wait_dma2 semaphore(%run_scoped3A_113 : memref<!tpu.dma_semaphore, #tpu.memory_space<semaphore_mem>>) src(%dma_wait3A_145 : memref<2x128xi32, #tpu.memory_space<hbm>>) dst(%dma_wait3A_141 : memref<2x128xi32, #tpu.memory_space<vmem>>)
      tpu.yield
    }) : () -> ()
    %add3A = arith.constant 1 : i32
    %add3A_3 = arith.addi %mul3A_2, %add3A : i32
    %dma_start3A = arith.constant 1 : i32
    %dma_start3A_4 = arith.constant 1 : i32
    %dma_start3A_5 = arith.constant 0 : i32
    %dma_start3A_6 = arith.constant 0 : i32
    %dma_start3A_7 = tpu.memref_slice %arg6[%dma_start3A, %dma_start3A_5, %dma_start3A_6] : memref<4x2x128xi32, #tpu.memory_space<vmem>> -> memref<1x2x128xi32, #tpu.memory_space<vmem>>
    %dma_start3A_8 = tpu.memref_squeeze %dma_start3A_7 : memref<1x2x128xi32, #tpu.memory_space<vmem>> -> memref<2x128xi32, #tpu.memory_space<vmem>>
    %dma_start3A_9 = arith.constant 0 : i32
    %dma_start3A_10 = arith.constant 0 : i32
    %dma_start3A_11 = tpu.memref_slice %arg3[%add3A_3, %dma_start3A_9, %dma_start3A_10] : memref<2562x2x128xi32, #tpu.memory_space<hbm>> -> memref<1x2x128xi32, #tpu.memory_space<hbm>>
    %dma_start3A_12 = tpu.memref_squeeze %dma_start3A_11 : memref<1x2x128xi32, #tpu.memory_space<hbm>> -> memref<2x128xi32, #tpu.memory_space<hbm>>
    %dma_start3A_13 = tpu.memref_slice %arg12[%dma_start3A_4] : memref<4x!tpu.dma_semaphore, #tpu.memory_space<semaphore_mem>> -> memref<1x!tpu.dma_semaphore, #tpu.memory_space<semaphore_mem>>
    %dma_start3A_14 = tpu.memref_squeeze %dma_start3A_13 : memref<1x!tpu.dma_semaphore, #tpu.memory_space<semaphore_mem>> -> memref<!tpu.dma_semaphore, #tpu.memory_space<semaphore_mem>>
    %dma_start3A_15 = arith.constant 0 : i32
    %dma_start3A_16 = arith.constant 0 : i32
    %dma_start3A_17 = tpu.memref_slice %arg6[%dma_start3A, %dma_start3A_15, %dma_start3A_16] : memref<4x2x128xi32, #tpu.memory_space<vmem>> -> memref<1x2x128xi32, #tpu.memory_space<vmem>>
    %dma_start3A_18 = tpu.memref_squeeze %dma_start3A_17 : memref<1x2x128xi32, #tpu.memory_space<vmem>> -> memref<2x128xi32, #tpu.memory_space<vmem>>
    %dma_start3A_19 = arith.constant 0 : i32
    %dma_start3A_20 = arith.constant 0 : i32
    %dma_start3A_21 = tpu.memref_slice %arg3[%add3A_3, %dma_start3A_19, %dma_start3A_20] : memref<2562x2x128xi32, #tpu.memory_space<hbm>> -> memref<1x2x128xi32, #tpu.memory_space<hbm>>
    %dma_start3A_22 = tpu.memref_squeeze %dma_start3A_21 : memref<1x2x128xi32, #tpu.memory_space<hbm>> -> memref<2x128xi32, #tpu.memory_space<hbm>>
    tpu.enqueue_dma source(%dma_start3A_22 : memref<2x128xi32, #tpu.memory_space<hbm>>) target(%dma_start3A_18 : memref<2x128xi32, #tpu.memory_space<vmem>>) target_semaphore(%dma_start3A_14 : memref<!tpu.dma_semaphore, #tpu.memory_space<semaphore_mem>>)
    %dma_start3A_23 = arith.constant 0 : i32
    %dma_start3A_24 = arith.constant 0 : i32
    %dma_start3A_25 = arith.constant 0 : i32
    %dma_start3A_26 = arith.constant 0 : i32
    %dma_start3A_27 = arith.constant 0 : i32
    %dma_start3A_28 = arith.constant 0 : i32
    %dma_start3A_29 = tpu.memref_slice %arg7[%dma_start3A_25, %dma_start3A_27, %dma_start3A_28] : memref<4x128x64xf32, #tpu.memory_space<vmem>> -> memref<1x128x64xf32, #tpu.memory_space<vmem>>
    %dma_start3A_30 = tpu.memref_squeeze %dma_start3A_29 : memref<1x128x64xf32, #tpu.memory_space<vmem>> -> memref<128x64xf32, #tpu.memory_space<vmem>>
    %dma_start3A_31 = arith.constant 0 : i32
    %dma_start3A_32 = tpu.memref_slice %arg6[%dma_start3A_23, %dma_start3A_24, %dma_start3A_31] : memref<4x2x128xi32, #tpu.memory_space<vmem>> -> memref<1x1x128xi32, #tpu.memory_space<vmem>>
    %dma_start3A_33 = tpu.memref_squeeze %dma_start3A_32 : memref<1x1x128xi32, #tpu.memory_space<vmem>> -> memref<128xi32, #tpu.memory_space<vmem>>
    %dma_start3A_34 = arith.constant 0 : i32
    %dma_start3A_35 = arith.constant 0 : i32
    %dma_start3A_36 = tpu.memref_slice %arg8[%dma_start3A_34, %dma_start3A_35] : memref<10240x64xf32, #tpu.memory_space<vmem_shared>> -> memref<10240x64xf32, #tpu.memory_space<vmem_shared>>
    %dma_start3A_37 = tpu.memref_slice %arg10[%dma_start3A_26] : memref<4x!tpu.dma_semaphore, #tpu.memory_space<semaphore_mem>> -> memref<1x!tpu.dma_semaphore, #tpu.memory_space<semaphore_mem>>
    %dma_start3A_38 = tpu.memref_squeeze %dma_start3A_37 : memref<1x!tpu.dma_semaphore, #tpu.memory_space<semaphore_mem>> -> memref<!tpu.dma_semaphore, #tpu.memory_space<semaphore_mem>>
    tpu.enqueue_indirect_dma source(%dma_start3A_36 : memref<10240x64xf32, #tpu.memory_space<vmem_shared>>) target(%dma_start3A_30 : memref<128x64xf32, #tpu.memory_space<vmem>>) offsets(%dma_start3A_33 : memref<128xi32, #tpu.memory_space<vmem>>) semaphore(%dma_start3A_38 : memref<!tpu.dma_semaphore, #tpu.memory_space<semaphore_mem>>)
    %scan3A = arith.constant 0 : i32
    %scan3A_39 = arith.constant 0 : i32
    %scan3A_40 = arith.constant 40 : i32
    %scan3A_41 = arith.addi %scan3A_39, %scan3A_40 : i32
    %scan3A_42 = arith.constant 1 : i32
    scf.for %scan3A_113 = %scan3A_39 to %scan3A_41 step %scan3A_42  : i32 {
      %mul3A_114 = arith.constant 4 : i32
      %mul3A_115 = arith.muli %mul3A_114, %scan3A_113 : i32
      %add3A_116 = arith.constant 0 : i32
      %add3A_117 = arith.addi %mul3A_115, %add3A_116 : i32
      %dma_wait3A_118 = arith.constant 0 : i32
      %dma_wait3A_119 = arith.constant 0 : i32
      %dma_wait3A_120 = arith.constant 0 : i32
      %dma_wait3A_121 = arith.constant 0 : i32
      %dma_wait3A_122 = arith.constant 0 : i32
      %dma_wait3A_123 = arith.constant 0 : i32
      %dma_wait3A_124 = tpu.memref_slice %arg7[%dma_wait3A_120, %dma_wait3A_122, %dma_wait3A_123] : memref<4x128x64xf32, #tpu.memory_space<vmem>> -> memref<1x128x64xf32, #tpu.memory_space<vmem>>
      %dma_wait3A_125 = tpu.memref_squeeze %dma_wait3A_124 : memref<1x128x64xf32, #tpu.memory_space<vmem>> -> memref<128x64xf32, #tpu.memory_space<vmem>>
      %dma_wait3A_126 = arith.constant 0 : i32
      %dma_wait3A_127 = tpu.memref_slice %arg6[%dma_wait3A_118, %dma_wait3A_119, %dma_wait3A_126] : memref<4x2x128xi32, #tpu.memory_space<vmem>> -> memref<1x1x128xi32, #tpu.memory_space<vmem>>
      %dma_wait3A_128 = tpu.memref_squeeze %dma_wait3A_127 : memref<1x1x128xi32, #tpu.memory_space<vmem>> -> memref<128xi32, #tpu.memory_space<vmem>>
      %dma_wait3A_129 = arith.constant 0 : i32
      %dma_wait3A_130 = arith.constant 0 : i32
      %dma_wait3A_131 = tpu.memref_slice %arg8[%dma_wait3A_129, %dma_wait3A_130] : memref<10240x64xf32, #tpu.memory_space<vmem_shared>> -> memref<10240x64xf32, #tpu.memory_space<vmem_shared>>
      %dma_wait3A_132 = tpu.memref_slice %arg10[%dma_wait3A_121] : memref<4x!tpu.dma_semaphore, #tpu.memory_space<semaphore_mem>> -> memref<1x!tpu.dma_semaphore, #tpu.memory_space<semaphore_mem>>
      %dma_wait3A_133 = tpu.memref_squeeze %dma_wait3A_132 : memref<1x!tpu.dma_semaphore, #tpu.memory_space<semaphore_mem>> -> memref<!tpu.dma_semaphore, #tpu.memory_space<semaphore_mem>>
      tpu.wait_indirect_dma semaphore(%dma_wait3A_133 : memref<!tpu.dma_semaphore, #tpu.memory_space<semaphore_mem>>) src(%dma_wait3A_131 : memref<10240x64xf32, #tpu.memory_space<vmem_shared>>) dst(%dma_wait3A_125 : memref<128x64xf32, #tpu.memory_space<vmem>>)
      %dma_start3A_134 = arith.constant 0 : i32
      %dma_start3A_135 = arith.constant 0 : i32
      %dma_start3A_136 = arith.constant 1 : i32
      %dma_start3A_137 = arith.constant 0 : i32
      %dma_start3A_138 = arith.constant 0 : i32
      %dma_start3A_139 = arith.constant 0 : i32
      %dma_start3A_140 = tpu.memref_slice %arg7[%dma_start3A_134, %dma_start3A_138, %dma_start3A_139] : memref<4x128x64xf32, #tpu.memory_space<vmem>> -> memref<1x128x64xf32, #tpu.memory_space<vmem>>
      %dma_start3A_141 = tpu.memref_squeeze %dma_start3A_140 : memref<1x128x64xf32, #tpu.memory_space<vmem>> -> memref<128x64xf32, #tpu.memory_space<vmem>>
      %dma_start3A_142 = arith.constant 0 : i32
      %dma_start3A_143 = tpu.memref_slice %arg6[%dma_start3A_135, %dma_start3A_136, %dma_start3A_142] : memref<4x2x128xi32, #tpu.memory_space<vmem>> -> memref<1x1x128xi32, #tpu.memory_space<vmem>>
      %dma_start3A_144 = tpu.memref_squeeze %dma_start3A_143 : memref<1x1x128xi32, #tpu.memory_space<vmem>> -> memref<128xi32, #tpu.memory_space<vmem>>
      %dma_start3A_145 = arith.constant 0 : i32
      %dma_start3A_146 = arith.constant 0 : i32
      %dma_start3A_147 = tpu.memref_slice %arg9[%dma_start3A_145, %dma_start3A_146] : memref<10240x64xf32, #tpu.memory_space<vmem_shared>> -> memref<10240x64xf32, #tpu.memory_space<vmem_shared>>
      %dma_start3A_148 = tpu.memref_slice %arg11[%dma_start3A_137] : memref<4x!tpu.dma_semaphore, #tpu.memory_space<semaphore_mem>> -> memref<1x!tpu.dma_semaphore, #tpu.memory_space<semaphore_mem>>
      %dma_start3A_149 = tpu.memref_squeeze %dma_start3A_148 : memref<1x!tpu.dma_semaphore, #tpu.memory_space<semaphore_mem>> -> memref<!tpu.dma_semaphore, #tpu.memory_space<semaphore_mem>>
      tpu.enqueue_indirect_dma source(%dma_start3A_141 : memref<128x64xf32, #tpu.memory_space<vmem>>) target(%dma_start3A_147 : memref<10240x64xf32, #tpu.memory_space<vmem_shared>>) offsets(%dma_start3A_144 : memref<128xi32, #tpu.memory_space<vmem>>) semaphore(%dma_start3A_149 : memref<!tpu.dma_semaphore, #tpu.memory_space<semaphore_mem>>) {add = true}
      %gt3A = arith.constant 0 : i32
      %gt3A_150 = arith.cmpi sgt, %scan3A_113, %gt3A : i32
      %convert_element_type3A = arith.extui %gt3A_150 : i1 to i32
      %cond3A = arith.constant 0 : i32
      %cond3A_151 = arith.cmpi ne, %convert_element_type3A, %cond3A : i32
      scf.if %cond3A_151 {
        %dma_wait3A_543 = arith.constant 2 : i32
        %dma_wait3A_544 = arith.constant 2 : i32
        %dma_wait3A_545 = arith.constant 1 : i32
        %dma_wait3A_546 = arith.constant 2 : i32
        %dma_wait3A_547 = arith.constant 0 : i32
        %dma_wait3A_548 = arith.constant 0 : i32
        %dma_wait3A_549 = tpu.memref_slice %arg7[%dma_wait3A_543, %dma_wait3A_547, %dma_wait3A_548] : memref<4x128x64xf32, #tpu.memory_space<vmem>> -> memref<1x128x64xf32, #tpu.memory_space<vmem>>
        %dma_wait3A_550 = tpu.memref_squeeze %dma_wait3A_549 : memref<1x128x64xf32, #tpu.memory_space<vmem>> -> memref<128x64xf32, #tpu.memory_space<vmem>>
        %dma_wait3A_551 = arith.constant 0 : i32
        %dma_wait3A_552 = tpu.memref_slice %arg6[%dma_wait3A_544, %dma_wait3A_545, %dma_wait3A_551] : memref<4x2x128xi32, #tpu.memory_space<vmem>> -> memref<1x1x128xi32, #tpu.memory_space<vmem>>
        %dma_wait3A_553 = tpu.memref_squeeze %dma_wait3A_552 : memref<1x1x128xi32, #tpu.memory_space<vmem>> -> memref<128xi32, #tpu.memory_space<vmem>>
        %dma_wait3A_554 = arith.constant 0 : i32
        %dma_wait3A_555 = arith.constant 0 : i32
        %dma_wait3A_556 = tpu.memref_slice %arg9[%dma_wait3A_554, %dma_wait3A_555] : memref<10240x64xf32, #tpu.memory_space<vmem_shared>> -> memref<10240x64xf32, #tpu.memory_space<vmem_shared>>
        %dma_wait3A_557 = tpu.memref_slice %arg11[%dma_wait3A_546] : memref<4x!tpu.dma_semaphore, #tpu.memory_space<semaphore_mem>> -> memref<1x!tpu.dma_semaphore, #tpu.memory_space<semaphore_mem>>
        %dma_wait3A_558 = tpu.memref_squeeze %dma_wait3A_557 : memref<1x!tpu.dma_semaphore, #tpu.memory_space<semaphore_mem>> -> memref<!tpu.dma_semaphore, #tpu.memory_space<semaphore_mem>>
        tpu.wait_indirect_dma semaphore(%dma_wait3A_558 : memref<!tpu.dma_semaphore, #tpu.memory_space<semaphore_mem>>) src(%dma_wait3A_550 : memref<128x64xf32, #tpu.memory_space<vmem>>) dst(%dma_wait3A_556 : memref<10240x64xf32, #tpu.memory_space<vmem_shared>>)
      } else {
      }
      %add3A_152 = arith.addi %mul3A_2, %add3A_117 : i32
      %add3A_153 = arith.constant 2 : i32
      %add3A_154 = arith.addi %add3A_152, %add3A_153 : i32
      %dma_start3A_155 = arith.constant 2 : i32
      %dma_start3A_156 = arith.constant 2 : i32
      %dma_start3A_157 = arith.constant 0 : i32
      %dma_start3A_158 = arith.constant 0 : i32
      %dma_start3A_159 = tpu.memref_slice %arg6[%dma_start3A_155, %dma_start3A_157, %dma_start3A_158] : memref<4x2x128xi32, #tpu.memory_space<vmem>> -> memref<1x2x128xi32, #tpu.memory_space<vmem>>
      %dma_start3A_160 = tpu.memref_squeeze %dma_start3A_159 : memref<1x2x128xi32, #tpu.memory_space<vmem>> -> memref<2x128xi32, #tpu.memory_space<vmem>>
      %dma_start3A_161 = arith.constant 0 : i32
      %dma_start3A_162 = arith.constant 0 : i32
      %dma_start3A_163 = tpu.memref_slice %arg3[%add3A_154, %dma_start3A_161, %dma_start3A_162] : memref<2562x2x128xi32, #tpu.memory_space<hbm>> -> memref<1x2x128xi32, #tpu.memory_space<hbm>>
      %dma_start3A_164 = tpu.memref_squeeze %dma_start3A_163 : memref<1x2x128xi32, #tpu.memory_space<hbm>> -> memref<2x128xi32, #tpu.memory_space<hbm>>
      %dma_start3A_165 = tpu.memref_slice %arg12[%dma_start3A_156] : memref<4x!tpu.dma_semaphore, #tpu.memory_space<semaphore_mem>> -> memref<1x!tpu.dma_semaphore, #tpu.memory_space<semaphore_mem>>
      %dma_start3A_166 = tpu.memref_squeeze %dma_start3A_165 : memref<1x!tpu.dma_semaphore, #tpu.memory_space<semaphore_mem>> -> memref<!tpu.dma_semaphore, #tpu.memory_space<semaphore_mem>>
      %dma_start3A_167 = arith.constant 0 : i32
      %dma_start3A_168 = arith.constant 0 : i32
      %dma_start3A_169 = tpu.memref_slice %arg6[%dma_start3A_155, %dma_start3A_167, %dma_start3A_168] : memref<4x2x128xi32, #tpu.memory_space<vmem>> -> memref<1x2x128xi32, #tpu.memory_space<vmem>>
      %dma_start3A_170 = tpu.memref_squeeze %dma_start3A_169 : memref<1x2x128xi32, #tpu.memory_space<vmem>> -> memref<2x128xi32, #tpu.memory_space<vmem>>
      %dma_start3A_171 = arith.constant 0 : i32
      %dma_start3A_172 = arith.constant 0 : i32
      %dma_start3A_173 = tpu.memref_slice %arg3[%add3A_154, %dma_start3A_171, %dma_start3A_172] : memref<2562x2x128xi32, #tpu.memory_space<hbm>> -> memref<1x2x128xi32, #tpu.memory_space<hbm>>
      %dma_start3A_174 = tpu.memref_squeeze %dma_start3A_173 : memref<1x2x128xi32, #tpu.memory_space<hbm>> -> memref<2x128xi32, #tpu.memory_space<hbm>>
      tpu.enqueue_dma source(%dma_start3A_174 : memref<2x128xi32, #tpu.memory_space<hbm>>) target(%dma_start3A_170 : memref<2x128xi32, #tpu.memory_space<vmem>>) target_semaphore(%dma_start3A_166 : memref<!tpu.dma_semaphore, #tpu.memory_space<semaphore_mem>>)
      %dma_wait3A_175 = arith.constant 0 : i32
      %dma_wait3A_176 = arith.constant 1 : i32
      %dma_wait3A_177 = arith.constant 1 : i32
      %dma_wait3A_178 = arith.constant 0 : i32
      %dma_wait3A_179 = arith.constant 0 : i32
      %dma_wait3A_180 = tpu.memref_slice %arg6[%dma_wait3A_176, %dma_wait3A_178, %dma_wait3A_179] : memref<4x2x128xi32, #tpu.memory_space<vmem>> -> memref<1x2x128xi32, #tpu.memory_space<vmem>>
      %dma_wait3A_181 = tpu.memref_squeeze %dma_wait3A_180 : memref<1x2x128xi32, #tpu.memory_space<vmem>> -> memref<2x128xi32, #tpu.memory_space<vmem>>
      %dma_wait3A_182 = arith.constant 0 : i32
      %dma_wait3A_183 = arith.constant 0 : i32
      %dma_wait3A_184 = tpu.memref_slice %arg3[%dma_wait3A_175, %dma_wait3A_182, %dma_wait3A_183] : memref<2562x2x128xi32, #tpu.memory_space<hbm>> -> memref<1x2x128xi32, #tpu.memory_space<hbm>>
      %dma_wait3A_185 = tpu.memref_squeeze %dma_wait3A_184 : memref<1x2x128xi32, #tpu.memory_space<hbm>> -> memref<2x128xi32, #tpu.memory_space<hbm>>
      %dma_wait3A_186 = tpu.memref_slice %arg12[%dma_wait3A_177] : memref<4x!tpu.dma_semaphore, #tpu.memory_space<semaphore_mem>> -> memref<1x!tpu.dma_semaphore, #tpu.memory_space<semaphore_mem>>
      %dma_wait3A_187 = tpu.memref_squeeze %dma_wait3A_186 : memref<1x!tpu.dma_semaphore, #tpu.memory_space<semaphore_mem>> -> memref<!tpu.dma_semaphore, #tpu.memory_space<semaphore_mem>>
      %dma_wait3A_188 = arith.constant 0 : i32
      %dma_wait3A_189 = arith.constant 0 : i32
      %dma_wait3A_190 = tpu.memref_slice %arg6[%dma_wait3A_176, %dma_wait3A_188, %dma_wait3A_189] : memref<4x2x128xi32, #tpu.memory_space<vmem>> -> memref<1x2x128xi32, #tpu.memory_space<vmem>>
      %dma_wait3A_191 = tpu.memref_squeeze %dma_wait3A_190 : memref<1x2x128xi32, #tpu.memory_space<vmem>> -> memref<2x128xi32, #tpu.memory_space<vmem>>
      %dma_wait3A_192 = arith.constant 0 : i32
      %dma_wait3A_193 = arith.constant 0 : i32
      %dma_wait3A_194 = tpu.memref_slice %arg3[%dma_wait3A_175, %dma_wait3A_192, %dma_wait3A_193] : memref<2562x2x128xi32, #tpu.memory_space<hbm>> -> memref<1x2x128xi32, #tpu.memory_space<hbm>>
      %dma_wait3A_195 = tpu.memref_squeeze %dma_wait3A_194 : memref<1x2x128xi32, #tpu.memory_space<hbm>> -> memref<2x128xi32, #tpu.memory_space<hbm>>
      tpu.wait_dma2 semaphore(%dma_wait3A_187 : memref<!tpu.dma_semaphore, #tpu.memory_space<semaphore_mem>>) src(%dma_wait3A_195 : memref<2x128xi32, #tpu.memory_space<hbm>>) dst(%dma_wait3A_191 : memref<2x128xi32, #tpu.memory_space<vmem>>)
      %add3A_196 = arith.addi %mul3A_2, %add3A_117 : i32
      %add3A_197 = arith.constant 1 : i32
      %add3A_198 = arith.addi %add3A_196, %add3A_197 : i32
      %dma_start3A_199 = arith.constant 1 : i32
      %dma_start3A_200 = arith.constant 0 : i32
      %dma_start3A_201 = arith.constant 1 : i32
      %dma_start3A_202 = arith.constant 1 : i32
      %dma_start3A_203 = arith.constant 0 : i32
      %dma_start3A_204 = arith.constant 0 : i32
      %dma_start3A_205 = tpu.memref_slice %arg7[%dma_start3A_201, %dma_start3A_203, %dma_start3A_204] : memref<4x128x64xf32, #tpu.memory_space<vmem>> -> memref<1x128x64xf32, #tpu.memory_space<vmem>>
      %dma_start3A_206 = tpu.memref_squeeze %dma_start3A_205 : memref<1x128x64xf32, #tpu.memory_space<vmem>> -> memref<128x64xf32, #tpu.memory_space<vmem>>
      %dma_start3A_207 = arith.constant 0 : i32
      %dma_start3A_208 = tpu.memref_slice %arg6[%dma_start3A_199, %dma_start3A_200, %dma_start3A_207] : memref<4x2x128xi32, #tpu.memory_space<vmem>> -> memref<1x1x128xi32, #tpu.memory_space<vmem>>
      %dma_start3A_209 = tpu.memref_squeeze %dma_start3A_208 : memref<1x1x128xi32, #tpu.memory_space<vmem>> -> memref<128xi32, #tpu.memory_space<vmem>>
      %dma_start3A_210 = arith.constant 0 : i32
      %dma_start3A_211 = arith.constant 0 : i32
      %dma_start3A_212 = tpu.memref_slice %arg8[%dma_start3A_210, %dma_start3A_211] : memref<10240x64xf32, #tpu.memory_space<vmem_shared>> -> memref<10240x64xf32, #tpu.memory_space<vmem_shared>>
      %dma_start3A_213 = tpu.memref_slice %arg10[%dma_start3A_202] : memref<4x!tpu.dma_semaphore, #tpu.memory_space<semaphore_mem>> -> memref<1x!tpu.dma_semaphore, #tpu.memory_space<semaphore_mem>>
      %dma_start3A_214 = tpu.memref_squeeze %dma_start3A_213 : memref<1x!tpu.dma_semaphore, #tpu.memory_space<semaphore_mem>> -> memref<!tpu.dma_semaphore, #tpu.memory_space<semaphore_mem>>
      tpu.enqueue_indirect_dma source(%dma_start3A_212 : memref<10240x64xf32, #tpu.memory_space<vmem_shared>>) target(%dma_start3A_206 : memref<128x64xf32, #tpu.memory_space<vmem>>) offsets(%dma_start3A_209 : memref<128xi32, #tpu.memory_space<vmem>>) semaphore(%dma_start3A_214 : memref<!tpu.dma_semaphore, #tpu.memory_space<semaphore_mem>>)
      %add3A_215 = arith.constant 1 : i32
      %add3A_216 = arith.addi %mul3A_115, %add3A_215 : i32
      %dma_wait3A_217 = arith.constant 1 : i32
      %dma_wait3A_218 = arith.constant 0 : i32
      %dma_wait3A_219 = arith.constant 1 : i32
      %dma_wait3A_220 = arith.constant 1 : i32
      %dma_wait3A_221 = arith.constant 0 : i32
      %dma_wait3A_222 = arith.constant 0 : i32
      %dma_wait3A_223 = tpu.memref_slice %arg7[%dma_wait3A_219, %dma_wait3A_221, %dma_wait3A_222] : memref<4x128x64xf32, #tpu.memory_space<vmem>> -> memref<1x128x64xf32, #tpu.memory_space<vmem>>
      %dma_wait3A_224 = tpu.memref_squeeze %dma_wait3A_223 : memref<1x128x64xf32, #tpu.memory_space<vmem>> -> memref<128x64xf32, #tpu.memory_space<vmem>>
      %dma_wait3A_225 = arith.constant 0 : i32
      %dma_wait3A_226 = tpu.memref_slice %arg6[%dma_wait3A_217, %dma_wait3A_218, %dma_wait3A_225] : memref<4x2x128xi32, #tpu.memory_space<vmem>> -> memref<1x1x128xi32, #tpu.memory_space<vmem>>
      %dma_wait3A_227 = tpu.memref_squeeze %dma_wait3A_226 : memref<1x1x128xi32, #tpu.memory_space<vmem>> -> memref<128xi32, #tpu.memory_space<vmem>>
      %dma_wait3A_228 = arith.constant 0 : i32
      %dma_wait3A_229 = arith.constant 0 : i32
      %dma_wait3A_230 = tpu.memref_slice %arg8[%dma_wait3A_228, %dma_wait3A_229] : memref<10240x64xf32, #tpu.memory_space<vmem_shared>> -> memref<10240x64xf32, #tpu.memory_space<vmem_shared>>
      %dma_wait3A_231 = tpu.memref_slice %arg10[%dma_wait3A_220] : memref<4x!tpu.dma_semaphore, #tpu.memory_space<semaphore_mem>> -> memref<1x!tpu.dma_semaphore, #tpu.memory_space<semaphore_mem>>
      %dma_wait3A_232 = tpu.memref_squeeze %dma_wait3A_231 : memref<1x!tpu.dma_semaphore, #tpu.memory_space<semaphore_mem>> -> memref<!tpu.dma_semaphore, #tpu.memory_space<semaphore_mem>>
      tpu.wait_indirect_dma semaphore(%dma_wait3A_232 : memref<!tpu.dma_semaphore, #tpu.memory_space<semaphore_mem>>) src(%dma_wait3A_230 : memref<10240x64xf32, #tpu.memory_space<vmem_shared>>) dst(%dma_wait3A_224 : memref<128x64xf32, #tpu.memory_space<vmem>>)
      %dma_start3A_233 = arith.constant 1 : i32
      %dma_start3A_234 = arith.constant 1 : i32
      %dma_start3A_235 = arith.constant 1 : i32
      %dma_start3A_236 = arith.constant 1 : i32
      %dma_start3A_237 = arith.constant 0 : i32
      %dma_start3A_238 = arith.constant 0 : i32
      %dma_start3A_239 = tpu.memref_slice %arg7[%dma_start3A_233, %dma_start3A_237, %dma_start3A_238] : memref<4x128x64xf32, #tpu.memory_space<vmem>> -> memref<1x128x64xf32, #tpu.memory_space<vmem>>
      %dma_start3A_240 = tpu.memref_squeeze %dma_start3A_239 : memref<1x128x64xf32, #tpu.memory_space<vmem>> -> memref<128x64xf32, #tpu.memory_space<vmem>>
      %dma_start3A_241 = arith.constant 0 : i32
      %dma_start3A_242 = tpu.memref_slice %arg6[%dma_start3A_234, %dma_start3A_235, %dma_start3A_241] : memref<4x2x128xi32, #tpu.memory_space<vmem>> -> memref<1x1x128xi32, #tpu.memory_space<vmem>>
      %dma_start3A_243 = tpu.memref_squeeze %dma_start3A_242 : memref<1x1x128xi32, #tpu.memory_space<vmem>> -> memref<128xi32, #tpu.memory_space<vmem>>
      %dma_start3A_244 = arith.constant 0 : i32
      %dma_start3A_245 = arith.constant 0 : i32
      %dma_start3A_246 = tpu.memref_slice %arg9[%dma_start3A_244, %dma_start3A_245] : memref<10240x64xf32, #tpu.memory_space<vmem_shared>> -> memref<10240x64xf32, #tpu.memory_space<vmem_shared>>
      %dma_start3A_247 = tpu.memref_slice %arg11[%dma_start3A_236] : memref<4x!tpu.dma_semaphore, #tpu.memory_space<semaphore_mem>> -> memref<1x!tpu.dma_semaphore, #tpu.memory_space<semaphore_mem>>
      %dma_start3A_248 = tpu.memref_squeeze %dma_start3A_247 : memref<1x!tpu.dma_semaphore, #tpu.memory_space<semaphore_mem>> -> memref<!tpu.dma_semaphore, #tpu.memory_space<semaphore_mem>>
      tpu.enqueue_indirect_dma source(%dma_start3A_240 : memref<128x64xf32, #tpu.memory_space<vmem>>) target(%dma_start3A_246 : memref<10240x64xf32, #tpu.memory_space<vmem_shared>>) offsets(%dma_start3A_243 : memref<128xi32, #tpu.memory_space<vmem>>) semaphore(%dma_start3A_248 : memref<!tpu.dma_semaphore, #tpu.memory_space<semaphore_mem>>) {add = true}
      %gt3A_249 = arith.constant 0 : i32
      %gt3A_250 = arith.cmpi sgt, %scan3A_113, %gt3A_249 : i32
      %convert_element_type3A_251 = arith.extui %gt3A_250 : i1 to i32
      %cond3A_252 = arith.constant 0 : i32
      %cond3A_253 = arith.cmpi ne, %convert_element_type3A_251, %cond3A_252 : i32
      scf.if %cond3A_253 {
        %dma_wait3A_543 = arith.constant 3 : i32
        %dma_wait3A_544 = arith.constant 3 : i32
        %dma_wait3A_545 = arith.constant 1 : i32
        %dma_wait3A_546 = arith.constant 3 : i32
        %dma_wait3A_547 = arith.constant 0 : i32
        %dma_wait3A_548 = arith.constant 0 : i32
        %dma_wait3A_549 = tpu.memref_slice %arg7[%dma_wait3A_543, %dma_wait3A_547, %dma_wait3A_548] : memref<4x128x64xf32, #tpu.memory_space<vmem>> -> memref<1x128x64xf32, #tpu.memory_space<vmem>>
        %dma_wait3A_550 = tpu.memref_squeeze %dma_wait3A_549 : memref<1x128x64xf32, #tpu.memory_space<vmem>> -> memref<128x64xf32, #tpu.memory_space<vmem>>
        %dma_wait3A_551 = arith.constant 0 : i32
        %dma_wait3A_552 = tpu.memref_slice %arg6[%dma_wait3A_544, %dma_wait3A_545, %dma_wait3A_551] : memref<4x2x128xi32, #tpu.memory_space<vmem>> -> memref<1x1x128xi32, #tpu.memory_space<vmem>>
        %dma_wait3A_553 = tpu.memref_squeeze %dma_wait3A_552 : memref<1x1x128xi32, #tpu.memory_space<vmem>> -> memref<128xi32, #tpu.memory_space<vmem>>
        %dma_wait3A_554 = arith.constant 0 : i32
        %dma_wait3A_555 = arith.constant 0 : i32
        %dma_wait3A_556 = tpu.memref_slice %arg9[%dma_wait3A_554, %dma_wait3A_555] : memref<10240x64xf32, #tpu.memory_space<vmem_shared>> -> memref<10240x64xf32, #tpu.memory_space<vmem_shared>>
        %dma_wait3A_557 = tpu.memref_slice %arg11[%dma_wait3A_546] : memref<4x!tpu.dma_semaphore, #tpu.memory_space<semaphore_mem>> -> memref<1x!tpu.dma_semaphore, #tpu.memory_space<semaphore_mem>>
        %dma_wait3A_558 = tpu.memref_squeeze %dma_wait3A_557 : memref<1x!tpu.dma_semaphore, #tpu.memory_space<semaphore_mem>> -> memref<!tpu.dma_semaphore, #tpu.memory_space<semaphore_mem>>
        tpu.wait_indirect_dma semaphore(%dma_wait3A_558 : memref<!tpu.dma_semaphore, #tpu.memory_space<semaphore_mem>>) src(%dma_wait3A_550 : memref<128x64xf32, #tpu.memory_space<vmem>>) dst(%dma_wait3A_556 : memref<10240x64xf32, #tpu.memory_space<vmem_shared>>)
      } else {
      }
      %add3A_254 = arith.addi %mul3A_2, %add3A_216 : i32
      %add3A_255 = arith.constant 2 : i32
      %add3A_256 = arith.addi %add3A_254, %add3A_255 : i32
      %dma_start3A_257 = arith.constant 3 : i32
      %dma_start3A_258 = arith.constant 3 : i32
      %dma_start3A_259 = arith.constant 0 : i32
      %dma_start3A_260 = arith.constant 0 : i32
      %dma_start3A_261 = tpu.memref_slice %arg6[%dma_start3A_257, %dma_start3A_259, %dma_start3A_260] : memref<4x2x128xi32, #tpu.memory_space<vmem>> -> memref<1x2x128xi32, #tpu.memory_space<vmem>>
      %dma_start3A_262 = tpu.memref_squeeze %dma_start3A_261 : memref<1x2x128xi32, #tpu.memory_space<vmem>> -> memref<2x128xi32, #tpu.memory_space<vmem>>
      %dma_start3A_263 = arith.constant 0 : i32
      %dma_start3A_264 = arith.constant 0 : i32
      %dma_start3A_265 = tpu.memref_slice %arg3[%add3A_256, %dma_start3A_263, %dma_start3A_264] : memref<2562x2x128xi32, #tpu.memory_space<hbm>> -> memref<1x2x128xi32, #tpu.memory_space<hbm>>
      %dma_start3A_266 = tpu.memref_squeeze %dma_start3A_265 : memref<1x2x128xi32, #tpu.memory_space<hbm>> -> memref<2x128xi32, #tpu.memory_space<hbm>>
      %dma_start3A_267 = tpu.memref_slice %arg12[%dma_start3A_258] : memref<4x!tpu.dma_semaphore, #tpu.memory_space<semaphore_mem>> -> memref<1x!tpu.dma_semaphore, #tpu.memory_space<semaphore_mem>>
      %dma_start3A_268 = tpu.memref_squeeze %dma_start3A_267 : memref<1x!tpu.dma_semaphore, #tpu.memory_space<semaphore_mem>> -> memref<!tpu.dma_semaphore, #tpu.memory_space<semaphore_mem>>
      %dma_start3A_269 = arith.constant 0 : i32
      %dma_start3A_270 = arith.constant 0 : i32
      %dma_start3A_271 = tpu.memref_slice %arg6[%dma_start3A_257, %dma_start3A_269, %dma_start3A_270] : memref<4x2x128xi32, #tpu.memory_space<vmem>> -> memref<1x2x128xi32, #tpu.memory_space<vmem>>
      %dma_start3A_272 = tpu.memref_squeeze %dma_start3A_271 : memref<1x2x128xi32, #tpu.memory_space<vmem>> -> memref<2x128xi32, #tpu.memory_space<vmem>>
      %dma_start3A_273 = arith.constant 0 : i32
      %dma_start3A_274 = arith.constant 0 : i32
      %dma_start3A_275 = tpu.memref_slice %arg3[%add3A_256, %dma_start3A_273, %dma_start3A_274] : memref<2562x2x128xi32, #tpu.memory_space<hbm>> -> memref<1x2x128xi32, #tpu.memory_space<hbm>>
      %dma_start3A_276 = tpu.memref_squeeze %dma_start3A_275 : memref<1x2x128xi32, #tpu.memory_space<hbm>> -> memref<2x128xi32, #tpu.memory_space<hbm>>
      tpu.enqueue_dma source(%dma_start3A_276 : memref<2x128xi32, #tpu.memory_space<hbm>>) target(%dma_start3A_272 : memref<2x128xi32, #tpu.memory_space<vmem>>) target_semaphore(%dma_start3A_268 : memref<!tpu.dma_semaphore, #tpu.memory_space<semaphore_mem>>)
      %dma_wait3A_277 = arith.constant 0 : i32
      %dma_wait3A_278 = arith.constant 2 : i32
      %dma_wait3A_279 = arith.constant 2 : i32
      %dma_wait3A_280 = arith.constant 0 : i32
      %dma_wait3A_281 = arith.constant 0 : i32
      %dma_wait3A_282 = tpu.memref_slice %arg6[%dma_wait3A_278, %dma_wait3A_280, %dma_wait3A_281] : memref<4x2x128xi32, #tpu.memory_space<vmem>> -> memref<1x2x128xi32, #tpu.memory_space<vmem>>
      %dma_wait3A_283 = tpu.memref_squeeze %dma_wait3A_282 : memref<1x2x128xi32, #tpu.memory_space<vmem>> -> memref<2x128xi32, #tpu.memory_space<vmem>>
      %dma_wait3A_284 = arith.constant 0 : i32
      %dma_wait3A_285 = arith.constant 0 : i32
      %dma_wait3A_286 = tpu.memref_slice %arg3[%dma_wait3A_277, %dma_wait3A_284, %dma_wait3A_285] : memref<2562x2x128xi32, #tpu.memory_space<hbm>> -> memref<1x2x128xi32, #tpu.memory_space<hbm>>
      %dma_wait3A_287 = tpu.memref_squeeze %dma_wait3A_286 : memref<1x2x128xi32, #tpu.memory_space<hbm>> -> memref<2x128xi32, #tpu.memory_space<hbm>>
      %dma_wait3A_288 = tpu.memref_slice %arg12[%dma_wait3A_279] : memref<4x!tpu.dma_semaphore, #tpu.memory_space<semaphore_mem>> -> memref<1x!tpu.dma_semaphore, #tpu.memory_space<semaphore_mem>>
      %dma_wait3A_289 = tpu.memref_squeeze %dma_wait3A_288 : memref<1x!tpu.dma_semaphore, #tpu.memory_space<semaphore_mem>> -> memref<!tpu.dma_semaphore, #tpu.memory_space<semaphore_mem>>
      %dma_wait3A_290 = arith.constant 0 : i32
      %dma_wait3A_291 = arith.constant 0 : i32
      %dma_wait3A_292 = tpu.memref_slice %arg6[%dma_wait3A_278, %dma_wait3A_290, %dma_wait3A_291] : memref<4x2x128xi32, #tpu.memory_space<vmem>> -> memref<1x2x128xi32, #tpu.memory_space<vmem>>
      %dma_wait3A_293 = tpu.memref_squeeze %dma_wait3A_292 : memref<1x2x128xi32, #tpu.memory_space<vmem>> -> memref<2x128xi32, #tpu.memory_space<vmem>>
      %dma_wait3A_294 = arith.constant 0 : i32
      %dma_wait3A_295 = arith.constant 0 : i32
      %dma_wait3A_296 = tpu.memref_slice %arg3[%dma_wait3A_277, %dma_wait3A_294, %dma_wait3A_295] : memref<2562x2x128xi32, #tpu.memory_space<hbm>> -> memref<1x2x128xi32, #tpu.memory_space<hbm>>
      %dma_wait3A_297 = tpu.memref_squeeze %dma_wait3A_296 : memref<1x2x128xi32, #tpu.memory_space<hbm>> -> memref<2x128xi32, #tpu.memory_space<hbm>>
      tpu.wait_dma2 semaphore(%dma_wait3A_289 : memref<!tpu.dma_semaphore, #tpu.memory_space<semaphore_mem>>) src(%dma_wait3A_297 : memref<2x128xi32, #tpu.memory_space<hbm>>) dst(%dma_wait3A_293 : memref<2x128xi32, #tpu.memory_space<vmem>>)
      %add3A_298 = arith.addi %mul3A_2, %add3A_216 : i32
      %add3A_299 = arith.constant 1 : i32
      %add3A_300 = arith.addi %add3A_298, %add3A_299 : i32
      %dma_start3A_301 = arith.constant 2 : i32
      %dma_start3A_302 = arith.constant 0 : i32
      %dma_start3A_303 = arith.constant 2 : i32
      %dma_start3A_304 = arith.constant 2 : i32
      %dma_start3A_305 = arith.constant 0 : i32
      %dma_start3A_306 = arith.constant 0 : i32
      %dma_start3A_307 = tpu.memref_slice %arg7[%dma_start3A_303, %dma_start3A_305, %dma_start3A_306] : memref<4x128x64xf32, #tpu.memory_space<vmem>> -> memref<1x128x64xf32, #tpu.memory_space<vmem>>
      %dma_start3A_308 = tpu.memref_squeeze %dma_start3A_307 : memref<1x128x64xf32, #tpu.memory_space<vmem>> -> memref<128x64xf32, #tpu.memory_space<vmem>>
      %dma_start3A_309 = arith.constant 0 : i32
      %dma_start3A_310 = tpu.memref_slice %arg6[%dma_start3A_301, %dma_start3A_302, %dma_start3A_309] : memref<4x2x128xi32, #tpu.memory_space<vmem>> -> memref<1x1x128xi32, #tpu.memory_space<vmem>>
      %dma_start3A_311 = tpu.memref_squeeze %dma_start3A_310 : memref<1x1x128xi32, #tpu.memory_space<vmem>> -> memref<128xi32, #tpu.memory_space<vmem>>
      %dma_start3A_312 = arith.constant 0 : i32
      %dma_start3A_313 = arith.constant 0 : i32
      %dma_start3A_314 = tpu.memref_slice %arg8[%dma_start3A_312, %dma_start3A_313] : memref<10240x64xf32, #tpu.memory_space<vmem_shared>> -> memref<10240x64xf32, #tpu.memory_space<vmem_shared>>
      %dma_start3A_315 = tpu.memref_slice %arg10[%dma_start3A_304] : memref<4x!tpu.dma_semaphore, #tpu.memory_space<semaphore_mem>> -> memref<1x!tpu.dma_semaphore, #tpu.memory_space<semaphore_mem>>
      %dma_start3A_316 = tpu.memref_squeeze %dma_start3A_315 : memref<1x!tpu.dma_semaphore, #tpu.memory_space<semaphore_mem>> -> memref<!tpu.dma_semaphore, #tpu.memory_space<semaphore_mem>>
      tpu.enqueue_indirect_dma source(%dma_start3A_314 : memref<10240x64xf32, #tpu.memory_space<vmem_shared>>) target(%dma_start3A_308 : memref<128x64xf32, #tpu.memory_space<vmem>>) offsets(%dma_start3A_311 : memref<128xi32, #tpu.memory_space<vmem>>) semaphore(%dma_start3A_316 : memref<!tpu.dma_semaphore, #tpu.memory_space<semaphore_mem>>)
      %add3A_317 = arith.constant 2 : i32
      %add3A_318 = arith.addi %mul3A_115, %add3A_317 : i32
      %dma_wait3A_319 = arith.constant 2 : i32
      %dma_wait3A_320 = arith.constant 0 : i32
      %dma_wait3A_321 = arith.constant 2 : i32
      %dma_wait3A_322 = arith.constant 2 : i32
      %dma_wait3A_323 = arith.constant 0 : i32
      %dma_wait3A_324 = arith.constant 0 : i32
      %dma_wait3A_325 = tpu.memref_slice %arg7[%dma_wait3A_321, %dma_wait3A_323, %dma_wait3A_324] : memref<4x128x64xf32, #tpu.memory_space<vmem>> -> memref<1x128x64xf32, #tpu.memory_space<vmem>>
      %dma_wait3A_326 = tpu.memref_squeeze %dma_wait3A_325 : memref<1x128x64xf32, #tpu.memory_space<vmem>> -> memref<128x64xf32, #tpu.memory_space<vmem>>
      %dma_wait3A_327 = arith.constant 0 : i32
      %dma_wait3A_328 = tpu.memref_slice %arg6[%dma_wait3A_319, %dma_wait3A_320, %dma_wait3A_327] : memref<4x2x128xi32, #tpu.memory_space<vmem>> -> memref<1x1x128xi32, #tpu.memory_space<vmem>>
      %dma_wait3A_329 = tpu.memref_squeeze %dma_wait3A_328 : memref<1x1x128xi32, #tpu.memory_space<vmem>> -> memref<128xi32, #tpu.memory_space<vmem>>
      %dma_wait3A_330 = arith.constant 0 : i32
      %dma_wait3A_331 = arith.constant 0 : i32
      %dma_wait3A_332 = tpu.memref_slice %arg8[%dma_wait3A_330, %dma_wait3A_331] : memref<10240x64xf32, #tpu.memory_space<vmem_shared>> -> memref<10240x64xf32, #tpu.memory_space<vmem_shared>>
      %dma_wait3A_333 = tpu.memref_slice %arg10[%dma_wait3A_322] : memref<4x!tpu.dma_semaphore, #tpu.memory_space<semaphore_mem>> -> memref<1x!tpu.dma_semaphore, #tpu.memory_space<semaphore_mem>>
      %dma_wait3A_334 = tpu.memref_squeeze %dma_wait3A_333 : memref<1x!tpu.dma_semaphore, #tpu.memory_space<semaphore_mem>> -> memref<!tpu.dma_semaphore, #tpu.memory_space<semaphore_mem>>
      tpu.wait_indirect_dma semaphore(%dma_wait3A_334 : memref<!tpu.dma_semaphore, #tpu.memory_space<semaphore_mem>>) src(%dma_wait3A_332 : memref<10240x64xf32, #tpu.memory_space<vmem_shared>>) dst(%dma_wait3A_326 : memref<128x64xf32, #tpu.memory_space<vmem>>)
      %dma_start3A_335 = arith.constant 2 : i32
      %dma_start3A_336 = arith.constant 2 : i32
      %dma_start3A_337 = arith.constant 1 : i32
      %dma_start3A_338 = arith.constant 2 : i32
      %dma_start3A_339 = arith.constant 0 : i32
      %dma_start3A_340 = arith.constant 0 : i32
      %dma_start3A_341 = tpu.memref_slice %arg7[%dma_start3A_335, %dma_start3A_339, %dma_start3A_340] : memref<4x128x64xf32, #tpu.memory_space<vmem>> -> memref<1x128x64xf32, #tpu.memory_space<vmem>>
      %dma_start3A_342 = tpu.memref_squeeze %dma_start3A_341 : memref<1x128x64xf32, #tpu.memory_space<vmem>> -> memref<128x64xf32, #tpu.memory_space<vmem>>
      %dma_start3A_343 = arith.constant 0 : i32
      %dma_start3A_344 = tpu.memref_slice %arg6[%dma_start3A_336, %dma_start3A_337, %dma_start3A_343] : memref<4x2x128xi32, #tpu.memory_space<vmem>> -> memref<1x1x128xi32, #tpu.memory_space<vmem>>
      %dma_start3A_345 = tpu.memref_squeeze %dma_start3A_344 : memref<1x1x128xi32, #tpu.memory_space<vmem>> -> memref<128xi32, #tpu.memory_space<vmem>>
      %dma_start3A_346 = arith.constant 0 : i32
      %dma_start3A_347 = arith.constant 0 : i32
      %dma_start3A_348 = tpu.memref_slice %arg9[%dma_start3A_346, %dma_start3A_347] : memref<10240x64xf32, #tpu.memory_space<vmem_shared>> -> memref<10240x64xf32, #tpu.memory_space<vmem_shared>>
      %dma_start3A_349 = tpu.memref_slice %arg11[%dma_start3A_338] : memref<4x!tpu.dma_semaphore, #tpu.memory_space<semaphore_mem>> -> memref<1x!tpu.dma_semaphore, #tpu.memory_space<semaphore_mem>>
      %dma_start3A_350 = tpu.memref_squeeze %dma_start3A_349 : memref<1x!tpu.dma_semaphore, #tpu.memory_space<semaphore_mem>> -> memref<!tpu.dma_semaphore, #tpu.memory_space<semaphore_mem>>
      tpu.enqueue_indirect_dma source(%dma_start3A_342 : memref<128x64xf32, #tpu.memory_space<vmem>>) target(%dma_start3A_348 : memref<10240x64xf32, #tpu.memory_space<vmem_shared>>) offsets(%dma_start3A_345 : memref<128xi32, #tpu.memory_space<vmem>>) semaphore(%dma_start3A_350 : memref<!tpu.dma_semaphore, #tpu.memory_space<semaphore_mem>>) {add = true}
      %dma_wait3A_351 = arith.constant 0 : i32
      %dma_wait3A_352 = arith.constant 0 : i32
      %dma_wait3A_353 = arith.constant 1 : i32
      %dma_wait3A_354 = arith.constant 0 : i32
      %dma_wait3A_355 = arith.constant 0 : i32
      %dma_wait3A_356 = arith.constant 0 : i32
      %dma_wait3A_357 = tpu.memref_slice %arg7[%dma_wait3A_351, %dma_wait3A_355, %dma_wait3A_356] : memref<4x128x64xf32, #tpu.memory_space<vmem>> -> memref<1x128x64xf32, #tpu.memory_space<vmem>>
      %dma_wait3A_358 = tpu.memref_squeeze %dma_wait3A_357 : memref<1x128x64xf32, #tpu.memory_space<vmem>> -> memref<128x64xf32, #tpu.memory_space<vmem>>
      %dma_wait3A_359 = arith.constant 0 : i32
      %dma_wait3A_360 = tpu.memref_slice %arg6[%dma_wait3A_352, %dma_wait3A_353, %dma_wait3A_359] : memref<4x2x128xi32, #tpu.memory_space<vmem>> -> memref<1x1x128xi32, #tpu.memory_space<vmem>>
      %dma_wait3A_361 = tpu.memref_squeeze %dma_wait3A_360 : memref<1x1x128xi32, #tpu.memory_space<vmem>> -> memref<128xi32, #tpu.memory_space<vmem>>
      %dma_wait3A_362 = arith.constant 0 : i32
      %dma_wait3A_363 = arith.constant 0 : i32
      %dma_wait3A_364 = tpu.memref_slice %arg9[%dma_wait3A_362, %dma_wait3A_363] : memref<10240x64xf32, #tpu.memory_space<vmem_shared>> -> memref<10240x64xf32, #tpu.memory_space<vmem_shared>>
      %dma_wait3A_365 = tpu.memref_slice %arg11[%dma_wait3A_354] : memref<4x!tpu.dma_semaphore, #tpu.memory_space<semaphore_mem>> -> memref<1x!tpu.dma_semaphore, #tpu.memory_space<semaphore_mem>>
      %dma_wait3A_366 = tpu.memref_squeeze %dma_wait3A_365 : memref<1x!tpu.dma_semaphore, #tpu.memory_space<semaphore_mem>> -> memref<!tpu.dma_semaphore, #tpu.memory_space<semaphore_mem>>
      tpu.wait_indirect_dma semaphore(%dma_wait3A_366 : memref<!tpu.dma_semaphore, #tpu.memory_space<semaphore_mem>>) src(%dma_wait3A_358 : memref<128x64xf32, #tpu.memory_space<vmem>>) dst(%dma_wait3A_364 : memref<10240x64xf32, #tpu.memory_space<vmem_shared>>)
      %add3A_367 = arith.addi %mul3A_2, %add3A_318 : i32
      %add3A_368 = arith.constant 2 : i32
      %add3A_369 = arith.addi %add3A_367, %add3A_368 : i32
      %dma_start3A_370 = arith.constant 0 : i32
      %dma_start3A_371 = arith.constant 0 : i32
      %dma_start3A_372 = arith.constant 0 : i32
      %dma_start3A_373 = arith.constant 0 : i32
      %dma_start3A_374 = tpu.memref_slice %arg6[%dma_start3A_370, %dma_start3A_372, %dma_start3A_373] : memref<4x2x128xi32, #tpu.memory_space<vmem>> -> memref<1x2x128xi32, #tpu.memory_space<vmem>>
      %dma_start3A_375 = tpu.memref_squeeze %dma_start3A_374 : memref<1x2x128xi32, #tpu.memory_space<vmem>> -> memref<2x128xi32, #tpu.memory_space<vmem>>
      %dma_start3A_376 = arith.constant 0 : i32
      %dma_start3A_377 = arith.constant 0 : i32
      %dma_start3A_378 = tpu.memref_slice %arg3[%add3A_369, %dma_start3A_376, %dma_start3A_377] : memref<2562x2x128xi32, #tpu.memory_space<hbm>> -> memref<1x2x128xi32, #tpu.memory_space<hbm>>
      %dma_start3A_379 = tpu.memref_squeeze %dma_start3A_378 : memref<1x2x128xi32, #tpu.memory_space<hbm>> -> memref<2x128xi32, #tpu.memory_space<hbm>>
      %dma_start3A_380 = tpu.memref_slice %arg12[%dma_start3A_371] : memref<4x!tpu.dma_semaphore, #tpu.memory_space<semaphore_mem>> -> memref<1x!tpu.dma_semaphore, #tpu.memory_space<semaphore_mem>>
      %dma_start3A_381 = tpu.memref_squeeze %dma_start3A_380 : memref<1x!tpu.dma_semaphore, #tpu.memory_space<semaphore_mem>> -> memref<!tpu.dma_semaphore, #tpu.memory_space<semaphore_mem>>
      %dma_start3A_382 = arith.constant 0 : i32
      %dma_start3A_383 = arith.constant 0 : i32
      %dma_start3A_384 = tpu.memref_slice %arg6[%dma_start3A_370, %dma_start3A_382, %dma_start3A_383] : memref<4x2x128xi32, #tpu.memory_space<vmem>> -> memref<1x2x128xi32, #tpu.memory_space<vmem>>
      %dma_start3A_385 = tpu.memref_squeeze %dma_start3A_384 : memref<1x2x128xi32, #tpu.memory_space<vmem>> -> memref<2x128xi32, #tpu.memory_space<vmem>>
      %dma_start3A_386 = arith.constant 0 : i32
      %dma_start3A_387 = arith.constant 0 : i32
      %dma_start3A_388 = tpu.memref_slice %arg3[%add3A_369, %dma_start3A_386, %dma_start3A_387] : memref<2562x2x128xi32, #tpu.memory_space<hbm>> -> memref<1x2x128xi32, #tpu.memory_space<hbm>>
      %dma_start3A_389 = tpu.memref_squeeze %dma_start3A_388 : memref<1x2x128xi32, #tpu.memory_space<hbm>> -> memref<2x128xi32, #tpu.memory_space<hbm>>
      tpu.enqueue_dma source(%dma_start3A_389 : memref<2x128xi32, #tpu.memory_space<hbm>>) target(%dma_start3A_385 : memref<2x128xi32, #tpu.memory_space<vmem>>) target_semaphore(%dma_start3A_381 : memref<!tpu.dma_semaphore, #tpu.memory_space<semaphore_mem>>)
      %dma_wait3A_390 = arith.constant 0 : i32
      %dma_wait3A_391 = arith.constant 3 : i32
      %dma_wait3A_392 = arith.constant 3 : i32
      %dma_wait3A_393 = arith.constant 0 : i32
      %dma_wait3A_394 = arith.constant 0 : i32
      %dma_wait3A_395 = tpu.memref_slice %arg6[%dma_wait3A_391, %dma_wait3A_393, %dma_wait3A_394] : memref<4x2x128xi32, #tpu.memory_space<vmem>> -> memref<1x2x128xi32, #tpu.memory_space<vmem>>
      %dma_wait3A_396 = tpu.memref_squeeze %dma_wait3A_395 : memref<1x2x128xi32, #tpu.memory_space<vmem>> -> memref<2x128xi32, #tpu.memory_space<vmem>>
      %dma_wait3A_397 = arith.constant 0 : i32
      %dma_wait3A_398 = arith.constant 0 : i32
      %dma_wait3A_399 = tpu.memref_slice %arg3[%dma_wait3A_390, %dma_wait3A_397, %dma_wait3A_398] : memref<2562x2x128xi32, #tpu.memory_space<hbm>> -> memref<1x2x128xi32, #tpu.memory_space<hbm>>
      %dma_wait3A_400 = tpu.memref_squeeze %dma_wait3A_399 : memref<1x2x128xi32, #tpu.memory_space<hbm>> -> memref<2x128xi32, #tpu.memory_space<hbm>>
      %dma_wait3A_401 = tpu.memref_slice %arg12[%dma_wait3A_392] : memref<4x!tpu.dma_semaphore, #tpu.memory_space<semaphore_mem>> -> memref<1x!tpu.dma_semaphore, #tpu.memory_space<semaphore_mem>>
      %dma_wait3A_402 = tpu.memref_squeeze %dma_wait3A_401 : memref<1x!tpu.dma_semaphore, #tpu.memory_space<semaphore_mem>> -> memref<!tpu.dma_semaphore, #tpu.memory_space<semaphore_mem>>
      %dma_wait3A_403 = arith.constant 0 : i32
      %dma_wait3A_404 = arith.constant 0 : i32
      %dma_wait3A_405 = tpu.memref_slice %arg6[%dma_wait3A_391, %dma_wait3A_403, %dma_wait3A_404] : memref<4x2x128xi32, #tpu.memory_space<vmem>> -> memref<1x2x128xi32, #tpu.memory_space<vmem>>
      %dma_wait3A_406 = tpu.memref_squeeze %dma_wait3A_405 : memref<1x2x128xi32, #tpu.memory_space<vmem>> -> memref<2x128xi32, #tpu.memory_space<vmem>>
      %dma_wait3A_407 = arith.constant 0 : i32
      %dma_wait3A_408 = arith.constant 0 : i32
      %dma_wait3A_409 = tpu.memref_slice %arg3[%dma_wait3A_390, %dma_wait3A_407, %dma_wait3A_408] : memref<2562x2x128xi32, #tpu.memory_space<hbm>> -> memref<1x2x128xi32, #tpu.memory_space<hbm>>
      %dma_wait3A_410 = tpu.memref_squeeze %dma_wait3A_409 : memref<1x2x128xi32, #tpu.memory_space<hbm>> -> memref<2x128xi32, #tpu.memory_space<hbm>>
      tpu.wait_dma2 semaphore(%dma_wait3A_402 : memref<!tpu.dma_semaphore, #tpu.memory_space<semaphore_mem>>) src(%dma_wait3A_410 : memref<2x128xi32, #tpu.memory_space<hbm>>) dst(%dma_wait3A_406 : memref<2x128xi32, #tpu.memory_space<vmem>>)
      %add3A_411 = arith.addi %mul3A_2, %add3A_318 : i32
      %add3A_412 = arith.constant 1 : i32
      %add3A_413 = arith.addi %add3A_411, %add3A_412 : i32
      %dma_start3A_414 = arith.constant 3 : i32
      %dma_start3A_415 = arith.constant 0 : i32
      %dma_start3A_416 = arith.constant 3 : i32
      %dma_start3A_417 = arith.constant 3 : i32
      %dma_start3A_418 = arith.constant 0 : i32
      %dma_start3A_419 = arith.constant 0 : i32
      %dma_start3A_420 = tpu.memref_slice %arg7[%dma_start3A_416, %dma_start3A_418, %dma_start3A_419] : memref<4x128x64xf32, #tpu.memory_space<vmem>> -> memref<1x128x64xf32, #tpu.memory_space<vmem>>
      %dma_start3A_421 = tpu.memref_squeeze %dma_start3A_420 : memref<1x128x64xf32, #tpu.memory_space<vmem>> -> memref<128x64xf32, #tpu.memory_space<vmem>>
      %dma_start3A_422 = arith.constant 0 : i32
      %dma_start3A_423 = tpu.memref_slice %arg6[%dma_start3A_414, %dma_start3A_415, %dma_start3A_422] : memref<4x2x128xi32, #tpu.memory_space<vmem>> -> memref<1x1x128xi32, #tpu.memory_space<vmem>>
      %dma_start3A_424 = tpu.memref_squeeze %dma_start3A_423 : memref<1x1x128xi32, #tpu.memory_space<vmem>> -> memref<128xi32, #tpu.memory_space<vmem>>
      %dma_start3A_425 = arith.constant 0 : i32
      %dma_start3A_426 = arith.constant 0 : i32
      %dma_start3A_427 = tpu.memref_slice %arg8[%dma_start3A_425, %dma_start3A_426] : memref<10240x64xf32, #tpu.memory_space<vmem_shared>> -> memref<10240x64xf32, #tpu.memory_space<vmem_shared>>
      %dma_start3A_428 = tpu.memref_slice %arg10[%dma_start3A_417] : memref<4x!tpu.dma_semaphore, #tpu.memory_space<semaphore_mem>> -> memref<1x!tpu.dma_semaphore, #tpu.memory_space<semaphore_mem>>
      %dma_start3A_429 = tpu.memref_squeeze %dma_start3A_428 : memref<1x!tpu.dma_semaphore, #tpu.memory_space<semaphore_mem>> -> memref<!tpu.dma_semaphore, #tpu.memory_space<semaphore_mem>>
      tpu.enqueue_indirect_dma source(%dma_start3A_427 : memref<10240x64xf32, #tpu.memory_space<vmem_shared>>) target(%dma_start3A_421 : memref<128x64xf32, #tpu.memory_space<vmem>>) offsets(%dma_start3A_424 : memref<128xi32, #tpu.memory_space<vmem>>) semaphore(%dma_start3A_429 : memref<!tpu.dma_semaphore, #tpu.memory_space<semaphore_mem>>)
      %add3A_430 = arith.constant 3 : i32
      %add3A_431 = arith.addi %mul3A_115, %add3A_430 : i32
      %dma_wait3A_432 = arith.constant 3 : i32
      %dma_wait3A_433 = arith.constant 0 : i32
      %dma_wait3A_434 = arith.constant 3 : i32
      %dma_wait3A_435 = arith.constant 3 : i32
      %dma_wait3A_436 = arith.constant 0 : i32
      %dma_wait3A_437 = arith.constant 0 : i32
      %dma_wait3A_438 = tpu.memref_slice %arg7[%dma_wait3A_434, %dma_wait3A_436, %dma_wait3A_437] : memref<4x128x64xf32, #tpu.memory_space<vmem>> -> memref<1x128x64xf32, #tpu.memory_space<vmem>>
      %dma_wait3A_439 = tpu.memref_squeeze %dma_wait3A_438 : memref<1x128x64xf32, #tpu.memory_space<vmem>> -> memref<128x64xf32, #tpu.memory_space<vmem>>
      %dma_wait3A_440 = arith.constant 0 : i32
      %dma_wait3A_441 = tpu.memref_slice %arg6[%dma_wait3A_432, %dma_wait3A_433, %dma_wait3A_440] : memref<4x2x128xi32, #tpu.memory_space<vmem>> -> memref<1x1x128xi32, #tpu.memory_space<vmem>>
      %dma_wait3A_442 = tpu.memref_squeeze %dma_wait3A_441 : memref<1x1x128xi32, #tpu.memory_space<vmem>> -> memref<128xi32, #tpu.memory_space<vmem>>
      %dma_wait3A_443 = arith.constant 0 : i32
      %dma_wait3A_444 = arith.constant 0 : i32
      %dma_wait3A_445 = tpu.memref_slice %arg8[%dma_wait3A_443, %dma_wait3A_444] : memref<10240x64xf32, #tpu.memory_space<vmem_shared>> -> memref<10240x64xf32, #tpu.memory_space<vmem_shared>>
      %dma_wait3A_446 = tpu.memref_slice %arg10[%dma_wait3A_435] : memref<4x!tpu.dma_semaphore, #tpu.memory_space<semaphore_mem>> -> memref<1x!tpu.dma_semaphore, #tpu.memory_space<semaphore_mem>>
      %dma_wait3A_447 = tpu.memref_squeeze %dma_wait3A_446 : memref<1x!tpu.dma_semaphore, #tpu.memory_space<semaphore_mem>> -> memref<!tpu.dma_semaphore, #tpu.memory_space<semaphore_mem>>
      tpu.wait_indirect_dma semaphore(%dma_wait3A_447 : memref<!tpu.dma_semaphore, #tpu.memory_space<semaphore_mem>>) src(%dma_wait3A_445 : memref<10240x64xf32, #tpu.memory_space<vmem_shared>>) dst(%dma_wait3A_439 : memref<128x64xf32, #tpu.memory_space<vmem>>)
      %dma_start3A_448 = arith.constant 3 : i32
      %dma_start3A_449 = arith.constant 3 : i32
      %dma_start3A_450 = arith.constant 1 : i32
      %dma_start3A_451 = arith.constant 3 : i32
      %dma_start3A_452 = arith.constant 0 : i32
      %dma_start3A_453 = arith.constant 0 : i32
      %dma_start3A_454 = tpu.memref_slice %arg7[%dma_start3A_448, %dma_start3A_452, %dma_start3A_453] : memref<4x128x64xf32, #tpu.memory_space<vmem>> -> memref<1x128x64xf32, #tpu.memory_space<vmem>>
      %dma_start3A_455 = tpu.memref_squeeze %dma_start3A_454 : memref<1x128x64xf32, #tpu.memory_space<vmem>> -> memref<128x64xf32, #tpu.memory_space<vmem>>
      %dma_start3A_456 = arith.constant 0 : i32
      %dma_start3A_457 = tpu.memref_slice %arg6[%dma_start3A_449, %dma_start3A_450, %dma_start3A_456] : memref<4x2x128xi32, #tpu.memory_space<vmem>> -> memref<1x1x128xi32, #tpu.memory_space<vmem>>
      %dma_start3A_458 = tpu.memref_squeeze %dma_start3A_457 : memref<1x1x128xi32, #tpu.memory_space<vmem>> -> memref<128xi32, #tpu.memory_space<vmem>>
      %dma_start3A_459 = arith.constant 0 : i32
      %dma_start3A_460 = arith.constant 0 : i32
      %dma_start3A_461 = tpu.memref_slice %arg9[%dma_start3A_459, %dma_start3A_460] : memref<10240x64xf32, #tpu.memory_space<vmem_shared>> -> memref<10240x64xf32, #tpu.memory_space<vmem_shared>>
      %dma_start3A_462 = tpu.memref_slice %arg11[%dma_start3A_451] : memref<4x!tpu.dma_semaphore, #tpu.memory_space<semaphore_mem>> -> memref<1x!tpu.dma_semaphore, #tpu.memory_space<semaphore_mem>>
      %dma_start3A_463 = tpu.memref_squeeze %dma_start3A_462 : memref<1x!tpu.dma_semaphore, #tpu.memory_space<semaphore_mem>> -> memref<!tpu.dma_semaphore, #tpu.memory_space<semaphore_mem>>
      tpu.enqueue_indirect_dma source(%dma_start3A_455 : memref<128x64xf32, #tpu.memory_space<vmem>>) target(%dma_start3A_461 : memref<10240x64xf32, #tpu.memory_space<vmem_shared>>) offsets(%dma_start3A_458 : memref<128xi32, #tpu.memory_space<vmem>>) semaphore(%dma_start3A_463 : memref<!tpu.dma_semaphore, #tpu.memory_space<semaphore_mem>>) {add = true}
      %dma_wait3A_464 = arith.constant 1 : i32
      %dma_wait3A_465 = arith.constant 1 : i32
      %dma_wait3A_466 = arith.constant 1 : i32
      %dma_wait3A_467 = arith.constant 1 : i32
      %dma_wait3A_468 = arith.constant 0 : i32
      %dma_wait3A_469 = arith.constant 0 : i32
      %dma_wait3A_470 = tpu.memref_slice %arg7[%dma_wait3A_464, %dma_wait3A_468, %dma_wait3A_469] : memref<4x128x64xf32, #tpu.memory_space<vmem>> -> memref<1x128x64xf32, #tpu.memory_space<vmem>>
      %dma_wait3A_471 = tpu.memref_squeeze %dma_wait3A_470 : memref<1x128x64xf32, #tpu.memory_space<vmem>> -> memref<128x64xf32, #tpu.memory_space<vmem>>
      %dma_wait3A_472 = arith.constant 0 : i32
      %dma_wait3A_473 = tpu.memref_slice %arg6[%dma_wait3A_465, %dma_wait3A_466, %dma_wait3A_472] : memref<4x2x128xi32, #tpu.memory_space<vmem>> -> memref<1x1x128xi32, #tpu.memory_space<vmem>>
      %dma_wait3A_474 = tpu.memref_squeeze %dma_wait3A_473 : memref<1x1x128xi32, #tpu.memory_space<vmem>> -> memref<128xi32, #tpu.memory_space<vmem>>
      %dma_wait3A_475 = arith.constant 0 : i32
      %dma_wait3A_476 = arith.constant 0 : i32
      %dma_wait3A_477 = tpu.memref_slice %arg9[%dma_wait3A_475, %dma_wait3A_476] : memref<10240x64xf32, #tpu.memory_space<vmem_shared>> -> memref<10240x64xf32, #tpu.memory_space<vmem_shared>>
      %dma_wait3A_478 = tpu.memref_slice %arg11[%dma_wait3A_467] : memref<4x!tpu.dma_semaphore, #tpu.memory_space<semaphore_mem>> -> memref<1x!tpu.dma_semaphore, #tpu.memory_space<semaphore_mem>>
      %dma_wait3A_479 = tpu.memref_squeeze %dma_wait3A_478 : memref<1x!tpu.dma_semaphore, #tpu.memory_space<semaphore_mem>> -> memref<!tpu.dma_semaphore, #tpu.memory_space<semaphore_mem>>
      tpu.wait_indirect_dma semaphore(%dma_wait3A_479 : memref<!tpu.dma_semaphore, #tpu.memory_space<semaphore_mem>>) src(%dma_wait3A_471 : memref<128x64xf32, #tpu.memory_space<vmem>>) dst(%dma_wait3A_477 : memref<10240x64xf32, #tpu.memory_space<vmem_shared>>)
      %add3A_480 = arith.addi %mul3A_2, %add3A_431 : i32
      %add3A_481 = arith.constant 2 : i32
      %add3A_482 = arith.addi %add3A_480, %add3A_481 : i32
      %dma_start3A_483 = arith.constant 1 : i32
      %dma_start3A_484 = arith.constant 1 : i32
      %dma_start3A_485 = arith.constant 0 : i32
      %dma_start3A_486 = arith.constant 0 : i32
      %dma_start3A_487 = tpu.memref_slice %arg6[%dma_start3A_483, %dma_start3A_485, %dma_start3A_486] : memref<4x2x128xi32, #tpu.memory_space<vmem>> -> memref<1x2x128xi32, #tpu.memory_space<vmem>>
      %dma_start3A_488 = tpu.memref_squeeze %dma_start3A_487 : memref<1x2x128xi32, #tpu.memory_space<vmem>> -> memref<2x128xi32, #tpu.memory_space<vmem>>
      %dma_start3A_489 = arith.constant 0 : i32
      %dma_start3A_490 = arith.constant 0 : i32
      %dma_start3A_491 = tpu.memref_slice %arg3[%add3A_482, %dma_start3A_489, %dma_start3A_490] : memref<2562x2x128xi32, #tpu.memory_space<hbm>> -> memref<1x2x128xi32, #tpu.memory_space<hbm>>
      %dma_start3A_492 = tpu.memref_squeeze %dma_start3A_491 : memref<1x2x128xi32, #tpu.memory_space<hbm>> -> memref<2x128xi32, #tpu.memory_space<hbm>>
      %dma_start3A_493 = tpu.memref_slice %arg12[%dma_start3A_484] : memref<4x!tpu.dma_semaphore, #tpu.memory_space<semaphore_mem>> -> memref<1x!tpu.dma_semaphore, #tpu.memory_space<semaphore_mem>>
      %dma_start3A_494 = tpu.memref_squeeze %dma_start3A_493 : memref<1x!tpu.dma_semaphore, #tpu.memory_space<semaphore_mem>> -> memref<!tpu.dma_semaphore, #tpu.memory_space<semaphore_mem>>
      %dma_start3A_495 = arith.constant 0 : i32
      %dma_start3A_496 = arith.constant 0 : i32
      %dma_start3A_497 = tpu.memref_slice %arg6[%dma_start3A_483, %dma_start3A_495, %dma_start3A_496] : memref<4x2x128xi32, #tpu.memory_space<vmem>> -> memref<1x2x128xi32, #tpu.memory_space<vmem>>
      %dma_start3A_498 = tpu.memref_squeeze %dma_start3A_497 : memref<1x2x128xi32, #tpu.memory_space<vmem>> -> memref<2x128xi32, #tpu.memory_space<vmem>>
      %dma_start3A_499 = arith.constant 0 : i32
      %dma_start3A_500 = arith.constant 0 : i32
      %dma_start3A_501 = tpu.memref_slice %arg3[%add3A_482, %dma_start3A_499, %dma_start3A_500] : memref<2562x2x128xi32, #tpu.memory_space<hbm>> -> memref<1x2x128xi32, #tpu.memory_space<hbm>>
      %dma_start3A_502 = tpu.memref_squeeze %dma_start3A_501 : memref<1x2x128xi32, #tpu.memory_space<hbm>> -> memref<2x128xi32, #tpu.memory_space<hbm>>
      tpu.enqueue_dma source(%dma_start3A_502 : memref<2x128xi32, #tpu.memory_space<hbm>>) target(%dma_start3A_498 : memref<2x128xi32, #tpu.memory_space<vmem>>) target_semaphore(%dma_start3A_494 : memref<!tpu.dma_semaphore, #tpu.memory_space<semaphore_mem>>)
      %dma_wait3A_503 = arith.constant 0 : i32
      %dma_wait3A_504 = arith.constant 0 : i32
      %dma_wait3A_505 = arith.constant 0 : i32
      %dma_wait3A_506 = arith.constant 0 : i32
      %dma_wait3A_507 = arith.constant 0 : i32
      %dma_wait3A_508 = tpu.memref_slice %arg6[%dma_wait3A_504, %dma_wait3A_506, %dma_wait3A_507] : memref<4x2x128xi32, #tpu.memory_space<vmem>> -> memref<1x2x128xi32, #tpu.memory_space<vmem>>
      %dma_wait3A_509 = tpu.memref_squeeze %dma_wait3A_508 : memref<1x2x128xi32, #tpu.memory_space<vmem>> -> memref<2x128xi32, #tpu.memory_space<vmem>>
      %dma_wait3A_510 = arith.constant 0 : i32
      %dma_wait3A_511 = arith.constant 0 : i32
      %dma_wait3A_512 = tpu.memref_slice %arg3[%dma_wait3A_503, %dma_wait3A_510, %dma_wait3A_511] : memref<2562x2x128xi32, #tpu.memory_space<hbm>> -> memref<1x2x128xi32, #tpu.memory_space<hbm>>
      %dma_wait3A_513 = tpu.memref_squeeze %dma_wait3A_512 : memref<1x2x128xi32, #tpu.memory_space<hbm>> -> memref<2x128xi32, #tpu.memory_space<hbm>>
      %dma_wait3A_514 = tpu.memref_slice %arg12[%dma_wait3A_505] : memref<4x!tpu.dma_semaphore, #tpu.memory_space<semaphore_mem>> -> memref<1x!tpu.dma_semaphore, #tpu.memory_space<semaphore_mem>>
      %dma_wait3A_515 = tpu.memref_squeeze %dma_wait3A_514 : memref<1x!tpu.dma_semaphore, #tpu.memory_space<semaphore_mem>> -> memref<!tpu.dma_semaphore, #tpu.memory_space<semaphore_mem>>
      %dma_wait3A_516 = arith.constant 0 : i32
      %dma_wait3A_517 = arith.constant 0 : i32
      %dma_wait3A_518 = tpu.memref_slice %arg6[%dma_wait3A_504, %dma_wait3A_516, %dma_wait3A_517] : memref<4x2x128xi32, #tpu.memory_space<vmem>> -> memref<1x2x128xi32, #tpu.memory_space<vmem>>
      %dma_wait3A_519 = tpu.memref_squeeze %dma_wait3A_518 : memref<1x2x128xi32, #tpu.memory_space<vmem>> -> memref<2x128xi32, #tpu.memory_space<vmem>>
      %dma_wait3A_520 = arith.constant 0 : i32
      %dma_wait3A_521 = arith.constant 0 : i32
      %dma_wait3A_522 = tpu.memref_slice %arg3[%dma_wait3A_503, %dma_wait3A_520, %dma_wait3A_521] : memref<2562x2x128xi32, #tpu.memory_space<hbm>> -> memref<1x2x128xi32, #tpu.memory_space<hbm>>
      %dma_wait3A_523 = tpu.memref_squeeze %dma_wait3A_522 : memref<1x2x128xi32, #tpu.memory_space<hbm>> -> memref<2x128xi32, #tpu.memory_space<hbm>>
      tpu.wait_dma2 semaphore(%dma_wait3A_515 : memref<!tpu.dma_semaphore, #tpu.memory_space<semaphore_mem>>) src(%dma_wait3A_523 : memref<2x128xi32, #tpu.memory_space<hbm>>) dst(%dma_wait3A_519 : memref<2x128xi32, #tpu.memory_space<vmem>>)
      %add3A_524 = arith.addi %mul3A_2, %add3A_431 : i32
      %add3A_525 = arith.constant 1 : i32
      %add3A_526 = arith.addi %add3A_524, %add3A_525 : i32
      %dma_start3A_527 = arith.constant 0 : i32
      %dma_start3A_528 = arith.constant 0 : i32
      %dma_start3A_529 = arith.constant 0 : i32
      %dma_start3A_530 = arith.constant 0 : i32
      %dma_start3A_531 = arith.constant 0 : i32
      %dma_start3A_532 = arith.constant 0 : i32
      %dma_start3A_533 = tpu.memref_slice %arg7[%dma_start3A_529, %dma_start3A_531, %dma_start3A_532] : memref<4x128x64xf32, #tpu.memory_space<vmem>> -> memref<1x128x64xf32, #tpu.memory_space<vmem>>
      %dma_start3A_534 = tpu.memref_squeeze %dma_start3A_533 : memref<1x128x64xf32, #tpu.memory_space<vmem>> -> memref<128x64xf32, #tpu.memory_space<vmem>>
      %dma_start3A_535 = arith.constant 0 : i32
      %dma_start3A_536 = tpu.memref_slice %arg6[%dma_start3A_527, %dma_start3A_528, %dma_start3A_535] : memref<4x2x128xi32, #tpu.memory_space<vmem>> -> memref<1x1x128xi32, #tpu.memory_space<vmem>>
      %dma_start3A_537 = tpu.memref_squeeze %dma_start3A_536 : memref<1x1x128xi32, #tpu.memory_space<vmem>> -> memref<128xi32, #tpu.memory_space<vmem>>
      %dma_start3A_538 = arith.constant 0 : i32
      %dma_start3A_539 = arith.constant 0 : i32
      %dma_start3A_540 = tpu.memref_slice %arg8[%dma_start3A_538, %dma_start3A_539] : memref<10240x64xf32, #tpu.memory_space<vmem_shared>> -> memref<10240x64xf32, #tpu.memory_space<vmem_shared>>
      %dma_start3A_541 = tpu.memref_slice %arg10[%dma_start3A_530] : memref<4x!tpu.dma_semaphore, #tpu.memory_space<semaphore_mem>> -> memref<1x!tpu.dma_semaphore, #tpu.memory_space<semaphore_mem>>
      %dma_start3A_542 = tpu.memref_squeeze %dma_start3A_541 : memref<1x!tpu.dma_semaphore, #tpu.memory_space<semaphore_mem>> -> memref<!tpu.dma_semaphore, #tpu.memory_space<semaphore_mem>>
      tpu.enqueue_indirect_dma source(%dma_start3A_540 : memref<10240x64xf32, #tpu.memory_space<vmem_shared>>) target(%dma_start3A_534 : memref<128x64xf32, #tpu.memory_space<vmem>>) offsets(%dma_start3A_537 : memref<128xi32, #tpu.memory_space<vmem>>) semaphore(%dma_start3A_542 : memref<!tpu.dma_semaphore, #tpu.memory_space<semaphore_mem>>)
    }
    %scan3A_43 = arith.constant 40 : i32
    %dma_wait3A = arith.constant 2 : i32
    %dma_wait3A_44 = arith.constant 2 : i32
    %dma_wait3A_45 = arith.constant 1 : i32
    %dma_wait3A_46 = arith.constant 2 : i32
    %dma_wait3A_47 = arith.constant 0 : i32
    %dma_wait3A_48 = arith.constant 0 : i32
    %dma_wait3A_49 = tpu.memref_slice %arg7[%dma_wait3A, %dma_wait3A_47, %dma_wait3A_48] : memref<4x128x64xf32, #tpu.memory_space<vmem>> -> memref<1x128x64xf32, #tpu.memory_space<vmem>>
    %dma_wait3A_50 = tpu.memref_squeeze %dma_wait3A_49 : memref<1x128x64xf32, #tpu.memory_space<vmem>> -> memref<128x64xf32, #tpu.memory_space<vmem>>
    %dma_wait3A_51 = arith.constant 0 : i32
    %dma_wait3A_52 = tpu.memref_slice %arg6[%dma_wait3A_44, %dma_wait3A_45, %dma_wait3A_51] : memref<4x2x128xi32, #tpu.memory_space<vmem>> -> memref<1x1x128xi32, #tpu.memory_space<vmem>>
    %dma_wait3A_53 = tpu.memref_squeeze %dma_wait3A_52 : memref<1x1x128xi32, #tpu.memory_space<vmem>> -> memref<128xi32, #tpu.memory_space<vmem>>
    %dma_wait3A_54 = arith.constant 0 : i32
    %dma_wait3A_55 = arith.constant 0 : i32
    %dma_wait3A_56 = tpu.memref_slice %arg9[%dma_wait3A_54, %dma_wait3A_55] : memref<10240x64xf32, #tpu.memory_space<vmem_shared>> -> memref<10240x64xf32, #tpu.memory_space<vmem_shared>>
    %dma_wait3A_57 = tpu.memref_slice %arg11[%dma_wait3A_46] : memref<4x!tpu.dma_semaphore, #tpu.memory_space<semaphore_mem>> -> memref<1x!tpu.dma_semaphore, #tpu.memory_space<semaphore_mem>>
    %dma_wait3A_58 = tpu.memref_squeeze %dma_wait3A_57 : memref<1x!tpu.dma_semaphore, #tpu.memory_space<semaphore_mem>> -> memref<!tpu.dma_semaphore, #tpu.memory_space<semaphore_mem>>
    tpu.wait_indirect_dma semaphore(%dma_wait3A_58 : memref<!tpu.dma_semaphore, #tpu.memory_space<semaphore_mem>>) src(%dma_wait3A_50 : memref<128x64xf32, #tpu.memory_space<vmem>>) dst(%dma_wait3A_56 : memref<10240x64xf32, #tpu.memory_space<vmem_shared>>)
    %dma_wait3A_59 = arith.constant 3 : i32
    %dma_wait3A_60 = arith.constant 3 : i32
    %dma_wait3A_61 = arith.constant 1 : i32
    %dma_wait3A_62 = arith.constant 3 : i32
    %dma_wait3A_63 = arith.constant 0 : i32
    %dma_wait3A_64 = arith.constant 0 : i32
    %dma_wait3A_65 = tpu.memref_slice %arg7[%dma_wait3A_59, %dma_wait3A_63, %dma_wait3A_64] : memref<4x128x64xf32, #tpu.memory_space<vmem>> -> memref<1x128x64xf32, #tpu.memory_space<vmem>>
    %dma_wait3A_66 = tpu.memref_squeeze %dma_wait3A_65 : memref<1x128x64xf32, #tpu.memory_space<vmem>> -> memref<128x64xf32, #tpu.memory_space<vmem>>
    %dma_wait3A_67 = arith.constant 0 : i32
    %dma_wait3A_68 = tpu.memref_slice %arg6[%dma_wait3A_60, %dma_wait3A_61, %dma_wait3A_67] : memref<4x2x128xi32, #tpu.memory_space<vmem>> -> memref<1x1x128xi32, #tpu.memory_space<vmem>>
    %dma_wait3A_69 = tpu.memref_squeeze %dma_wait3A_68 : memref<1x1x128xi32, #tpu.memory_space<vmem>> -> memref<128xi32, #tpu.memory_space<vmem>>
    %dma_wait3A_70 = arith.constant 0 : i32
    %dma_wait3A_71 = arith.constant 0 : i32
    %dma_wait3A_72 = tpu.memref_slice %arg9[%dma_wait3A_70, %dma_wait3A_71] : memref<10240x64xf32, #tpu.memory_space<vmem_shared>> -> memref<10240x64xf32, #tpu.memory_space<vmem_shared>>
    %dma_wait3A_73 = tpu.memref_slice %arg11[%dma_wait3A_62] : memref<4x!tpu.dma_semaphore, #tpu.memory_space<semaphore_mem>> -> memref<1x!tpu.dma_semaphore, #tpu.memory_space<semaphore_mem>>
    %dma_wait3A_74 = tpu.memref_squeeze %dma_wait3A_73 : memref<1x!tpu.dma_semaphore, #tpu.memory_space<semaphore_mem>> -> memref<!tpu.dma_semaphore, #tpu.memory_space<semaphore_mem>>
    tpu.wait_indirect_dma semaphore(%dma_wait3A_74 : memref<!tpu.dma_semaphore, #tpu.memory_space<semaphore_mem>>) src(%dma_wait3A_66 : memref<128x64xf32, #tpu.memory_space<vmem>>) dst(%dma_wait3A_72 : memref<10240x64xf32, #tpu.memory_space<vmem_shared>>)
    %dma_wait3A_75 = arith.constant 0 : i32
    %dma_wait3A_76 = arith.constant 0 : i32
    %dma_wait3A_77 = arith.constant 0 : i32
    %dma_wait3A_78 = arith.constant 0 : i32
    %dma_wait3A_79 = arith.constant 0 : i32
    %dma_wait3A_80 = arith.constant 0 : i32
    %dma_wait3A_81 = tpu.memref_slice %arg7[%dma_wait3A_77, %dma_wait3A_79, %dma_wait3A_80] : memref<4x128x64xf32, #tpu.memory_space<vmem>> -> memref<1x128x64xf32, #tpu.memory_space<vmem>>
    %dma_wait3A_82 = tpu.memref_squeeze %dma_wait3A_81 : memref<1x128x64xf32, #tpu.memory_space<vmem>> -> memref<128x64xf32, #tpu.memory_space<vmem>>
    %dma_wait3A_83 = arith.constant 0 : i32
    %dma_wait3A_84 = tpu.memref_slice %arg6[%dma_wait3A_75, %dma_wait3A_76, %dma_wait3A_83] : memref<4x2x128xi32, #tpu.memory_space<vmem>> -> memref<1x1x128xi32, #tpu.memory_space<vmem>>
    %dma_wait3A_85 = tpu.memref_squeeze %dma_wait3A_84 : memref<1x1x128xi32, #tpu.memory_space<vmem>> -> memref<128xi32, #tpu.memory_space<vmem>>
    %dma_wait3A_86 = arith.constant 0 : i32
    %dma_wait3A_87 = arith.constant 0 : i32
    %dma_wait3A_88 = tpu.memref_slice %arg8[%dma_wait3A_86, %dma_wait3A_87] : memref<10240x64xf32, #tpu.memory_space<vmem_shared>> -> memref<10240x64xf32, #tpu.memory_space<vmem_shared>>
    %dma_wait3A_89 = tpu.memref_slice %arg10[%dma_wait3A_78] : memref<4x!tpu.dma_semaphore, #tpu.memory_space<semaphore_mem>> -> memref<1x!tpu.dma_semaphore, #tpu.memory_space<semaphore_mem>>
    %dma_wait3A_90 = tpu.memref_squeeze %dma_wait3A_89 : memref<1x!tpu.dma_semaphore, #tpu.memory_space<semaphore_mem>> -> memref<!tpu.dma_semaphore, #tpu.memory_space<semaphore_mem>>
    tpu.wait_indirect_dma semaphore(%dma_wait3A_90 : memref<!tpu.dma_semaphore, #tpu.memory_space<semaphore_mem>>) src(%dma_wait3A_88 : memref<10240x64xf32, #tpu.memory_space<vmem_shared>>) dst(%dma_wait3A_82 : memref<128x64xf32, #tpu.memory_space<vmem>>)
    %dma_wait3A_91 = arith.constant 0 : i32
    %dma_wait3A_92 = arith.constant 1 : i32
    %dma_wait3A_93 = arith.constant 1 : i32
    %dma_wait3A_94 = arith.constant 0 : i32
    %dma_wait3A_95 = arith.constant 0 : i32
    %dma_wait3A_96 = tpu.memref_slice %arg6[%dma_wait3A_92, %dma_wait3A_94, %dma_wait3A_95] : memref<4x2x128xi32, #tpu.memory_space<vmem>> -> memref<1x2x128xi32, #tpu.memory_space<vmem>>
    %dma_wait3A_97 = tpu.memref_squeeze %dma_wait3A_96 : memref<1x2x128xi32, #tpu.memory_space<vmem>> -> memref<2x128xi32, #tpu.memory_space<vmem>>
    %dma_wait3A_98 = arith.constant 0 : i32
    %dma_wait3A_99 = arith.constant 0 : i32
    %dma_wait3A_100 = tpu.memref_slice %arg3[%dma_wait3A_91, %dma_wait3A_98, %dma_wait3A_99] : memref<2562x2x128xi32, #tpu.memory_space<hbm>> -> memref<1x2x128xi32, #tpu.memory_space<hbm>>
    %dma_wait3A_101 = tpu.memref_squeeze %dma_wait3A_100 : memref<1x2x128xi32, #tpu.memory_space<hbm>> -> memref<2x128xi32, #tpu.memory_space<hbm>>
    %dma_wait3A_102 = tpu.memref_slice %arg12[%dma_wait3A_93] : memref<4x!tpu.dma_semaphore, #tpu.memory_space<semaphore_mem>> -> memref<1x!tpu.dma_semaphore, #tpu.memory_space<semaphore_mem>>
    %dma_wait3A_103 = tpu.memref_squeeze %dma_wait3A_102 : memref<1x!tpu.dma_semaphore, #tpu.memory_space<semaphore_mem>> -> memref<!tpu.dma_semaphore, #tpu.memory_space<semaphore_mem>>
    %dma_wait3A_104 = arith.constant 0 : i32
    %dma_wait3A_105 = arith.constant 0 : i32
    %dma_wait3A_106 = tpu.memref_slice %arg6[%dma_wait3A_92, %dma_wait3A_104, %dma_wait3A_105] : memref<4x2x128xi32, #tpu.memory_space<vmem>> -> memref<1x2x128xi32, #tpu.memory_space<vmem>>
    %dma_wait3A_107 = tpu.memref_squeeze %dma_wait3A_106 : memref<1x2x128xi32, #tpu.memory_space<vmem>> -> memref<2x128xi32, #tpu.memory_space<vmem>>
    %dma_wait3A_108 = arith.constant 0 : i32
    %dma_wait3A_109 = arith.constant 0 : i32
    %dma_wait3A_110 = tpu.memref_slice %arg3[%dma_wait3A_91, %dma_wait3A_108, %dma_wait3A_109] : memref<2562x2x128xi32, #tpu.memory_space<hbm>> -> memref<1x2x128xi32, #tpu.memory_space<hbm>>
    %dma_wait3A_111 = tpu.memref_squeeze %dma_wait3A_110 : memref<1x2x128xi32, #tpu.memory_space<hbm>> -> memref<2x128xi32, #tpu.memory_space<hbm>>
    tpu.wait_dma2 semaphore(%dma_wait3A_103 : memref<!tpu.dma_semaphore, #tpu.memory_space<semaphore_mem>>) src(%dma_wait3A_111 : memref<2x128xi32, #tpu.memory_space<hbm>>) dst(%dma_wait3A_107 : memref<2x128xi32, #tpu.memory_space<vmem>>)
    %barrier3A_112 = arith.constant 0 : index
    tpu.barrier barrier_id(%barrier3A_112)
    "tpu.region"() ({
      %run_scoped3A_113 = tpu.sem_alloc : memref<!tpu.dma_semaphore, #tpu.memory_space<semaphore_mem>>
      %dma_start3A_114 = arith.constant 0 : i32
      %dma_start3A_115 = tpu.memref_slice %arg5[%arg0, %mul3A_0, %dma_start3A_114] : memref<2x10240x64xf32, #tpu.memory_space<hbm>> -> memref<1x640x64xf32, #tpu.memory_space<hbm>>
      %dma_start3A_116 = tpu.memref_squeeze %dma_start3A_115 : memref<1x640x64xf32, #tpu.memory_space<hbm>> -> memref<640x64xf32, #tpu.memory_space<hbm>>
      %dma_start3A_117 = arith.constant 0 : i32
      %dma_start3A_118 = tpu.memref_slice %arg9[%mul3A_0, %dma_start3A_117] : memref<10240x64xf32, #tpu.memory_space<vmem_shared>> -> memref<640x64xf32, #tpu.memory_space<vmem_shared>>
      tpu.enqueue_dma source(%dma_start3A_118 : memref<640x64xf32, #tpu.memory_space<vmem_shared>>) target(%dma_start3A_116 : memref<640x64xf32, #tpu.memory_space<hbm>>) target_semaphore(%run_scoped3A_113 : memref<!tpu.dma_semaphore, #tpu.memory_space<semaphore_mem>>)
      %dma_wait3A_119 = arith.constant 0 : i32
      %dma_wait3A_120 = tpu.memref_slice %arg5[%arg0, %mul3A_0, %dma_wait3A_119] : memref<2x10240x64xf32, #tpu.memory_space<hbm>> -> memref<1x640x64xf32, #tpu.memory_space<hbm>>
      %dma_wait3A_121 = tpu.memref_squeeze %dma_wait3A_120 : memref<1x640x64xf32, #tpu.memory_space<hbm>> -> memref<640x64xf32, #tpu.memory_space<hbm>>
      %dma_wait3A_122 = arith.constant 0 : i32
      %dma_wait3A_123 = tpu.memref_slice %arg9[%mul3A_0, %dma_wait3A_122] : memref<10240x64xf32, #tpu.memory_space<vmem_shared>> -> memref<640x64xf32, #tpu.memory_space<vmem_shared>>
      tpu.wait_dma2 semaphore(%run_scoped3A_113 : memref<!tpu.dma_semaphore, #tpu.memory_space<semaphore_mem>>) src(%dma_wait3A_123 : memref<640x64xf32, #tpu.memory_space<vmem_shared>>) dst(%dma_wait3A_121 : memref<640x64xf32, #tpu.memory_space<hbm>>)
      tpu.yield
    }) : () -> ()
    return
  }
}

#map = affine_map<(d0, d1) -> (0, 0, 0)>
#map1 = affine_map<(d0, d1) -> (0, 0)>
module attributes {stable_mosaic.version = 14 : i64} {
  func.func @_sc_edge_pass(%arg0: i32, %arg1: i32, %arg2: memref<2x10240x64xf32, #tpu.memory_space<hbm>>, %arg3: memref<2562x2x128xi32, #tpu.memory_space<hbm>>, %arg4: memref<10240x64xf32, #tpu.memory_space<hbm>>, %arg5: memref<2x10240x64xf32, #tpu.memory_space<hbm>>, %arg6: memref<4x2x128xi32, #tpu.memory_space<vmem>>, %arg7: memref<4x128x64xf32, #tpu.memory_space<vmem>>, %arg8: memref<10240x64xf32, #tpu.memory_space<vmem_shared>>, %arg9: memref<10240x64xf32, #tpu.memory_space<vmem_shared>>, %arg10: memref<4x!tpu.dma_semaphore, #tpu.memory_space<semaphore_mem>>, %arg11: memref<4x!tpu.dma_semaphore, #tpu.memory_space<semaphore_mem>>, %arg12: memref<4x!tpu.dma_semaphore, #tpu.memory_space<semaphore_mem>>) attributes {dimension_semantics = [#tpu.dimension_semantics<core_parallel>, #tpu.dimension_semantics<subcore_parallel>], iteration_bounds = array<i64: 2, 16>, scalar_prefetch = 0 : i64, scratch_operands = 7 : i64, tpu.core_type = #tpu.core_type<sc_vector_subcore>, window_params = [{transform_indices = #map}, {transform_indices = #map}, {transform_indices = #map1}, {transform_indices = #map}]} {
    %mul3A = arith.constant 640 : i32
    %mul3A_0 = arith.muli %arg1, %mul3A : i32
    "tpu.region"() ({
      %run_scoped3A_113 = tpu.sem_alloc : memref<!tpu.dma_semaphore, #tpu.memory_space<semaphore_mem>>
      %dma_start3A_114 = arith.constant 0 : i32
      %dma_start3A_115 = tpu.memref_slice %arg8[%mul3A_0, %dma_start3A_114] : memref<10240x64xf32, #tpu.memory_space<vmem_shared>> -> memref<640x64xf32, #tpu.memory_space<vmem_shared>>
      %dma_start3A_116 = arith.constant 0 : i32
      %dma_start3A_117 = tpu.memref_slice %arg2[%arg0, %mul3A_0, %dma_start3A_116] : memref<2x10240x64xf32, #tpu.memory_space<hbm>> -> memref<1x640x64xf32, #tpu.memory_space<hbm>>
      %dma_start3A_118 = tpu.memref_squeeze %dma_start3A_117 : memref<1x640x64xf32, #tpu.memory_space<hbm>> -> memref<640x64xf32, #tpu.memory_space<hbm>>
      tpu.enqueue_dma source(%dma_start3A_118 : memref<640x64xf32, #tpu.memory_space<hbm>>) target(%dma_start3A_115 : memref<640x64xf32, #tpu.memory_space<vmem_shared>>) target_semaphore(%run_scoped3A_113 : memref<!tpu.dma_semaphore, #tpu.memory_space<semaphore_mem>>)
      %dma_wait3A_119 = arith.constant 0 : i32
      %dma_wait3A_120 = tpu.memref_slice %arg8[%mul3A_0, %dma_wait3A_119] : memref<10240x64xf32, #tpu.memory_space<vmem_shared>> -> memref<640x64xf32, #tpu.memory_space<vmem_shared>>
      %dma_wait3A_121 = arith.constant 0 : i32
      %dma_wait3A_122 = tpu.memref_slice %arg2[%arg0, %mul3A_0, %dma_wait3A_121] : memref<2x10240x64xf32, #tpu.memory_space<hbm>> -> memref<1x640x64xf32, #tpu.memory_space<hbm>>
      %dma_wait3A_123 = tpu.memref_squeeze %dma_wait3A_122 : memref<1x640x64xf32, #tpu.memory_space<hbm>> -> memref<640x64xf32, #tpu.memory_space<hbm>>
      tpu.wait_dma2 semaphore(%run_scoped3A_113 : memref<!tpu.dma_semaphore, #tpu.memory_space<semaphore_mem>>) src(%dma_wait3A_123 : memref<640x64xf32, #tpu.memory_space<hbm>>) dst(%dma_wait3A_120 : memref<640x64xf32, #tpu.memory_space<vmem_shared>>)
      tpu.yield
    }) : () -> ()
    "tpu.region"() ({
      %run_scoped3A_113 = tpu.sem_alloc : memref<!tpu.dma_semaphore, #tpu.memory_space<semaphore_mem>>
      %dma_start3A_114 = arith.constant 0 : i32
      %dma_start3A_115 = tpu.memref_slice %arg9[%mul3A_0, %dma_start3A_114] : memref<10240x64xf32, #tpu.memory_space<vmem_shared>> -> memref<640x64xf32, #tpu.memory_space<vmem_shared>>
      %dma_start3A_116 = arith.constant 0 : i32
      %dma_start3A_117 = tpu.memref_slice %arg4[%mul3A_0, %dma_start3A_116] : memref<10240x64xf32, #tpu.memory_space<hbm>> -> memref<640x64xf32, #tpu.memory_space<hbm>>
      tpu.enqueue_dma source(%dma_start3A_117 : memref<640x64xf32, #tpu.memory_space<hbm>>) target(%dma_start3A_115 : memref<640x64xf32, #tpu.memory_space<vmem_shared>>) target_semaphore(%run_scoped3A_113 : memref<!tpu.dma_semaphore, #tpu.memory_space<semaphore_mem>>)
      %dma_wait3A_118 = arith.constant 0 : i32
      %dma_wait3A_119 = tpu.memref_slice %arg9[%mul3A_0, %dma_wait3A_118] : memref<10240x64xf32, #tpu.memory_space<vmem_shared>> -> memref<640x64xf32, #tpu.memory_space<vmem_shared>>
      %dma_wait3A_120 = arith.constant 0 : i32
      %dma_wait3A_121 = tpu.memref_slice %arg4[%mul3A_0, %dma_wait3A_120] : memref<10240x64xf32, #tpu.memory_space<hbm>> -> memref<640x64xf32, #tpu.memory_space<hbm>>
      tpu.wait_dma2 semaphore(%run_scoped3A_113 : memref<!tpu.dma_semaphore, #tpu.memory_space<semaphore_mem>>) src(%dma_wait3A_121 : memref<640x64xf32, #tpu.memory_space<hbm>>) dst(%dma_wait3A_119 : memref<640x64xf32, #tpu.memory_space<vmem_shared>>)
      tpu.yield
    }) : () -> ()
    %barrier3A = arith.constant 0 : index
    tpu.barrier barrier_id(%barrier3A)
    %mul3A_1 = arith.constant 160 : i32
    %mul3A_2 = arith.muli %arg1, %mul3A_1 : i32
    %run_scoped3A = arith.constant 0 : i32
    "tpu.region"() ({
      %run_scoped3A_113 = tpu.sem_alloc : memref<!tpu.dma_semaphore, #tpu.memory_space<semaphore_mem>>
      %dma_start3A_114 = arith.constant 0 : i32
      %dma_start3A_115 = arith.constant 0 : i32
      %dma_start3A_116 = tpu.memref_slice %arg6[%run_scoped3A, %dma_start3A_114, %dma_start3A_115] : memref<4x2x128xi32, #tpu.memory_space<vmem>> -> memref<1x2x128xi32, #tpu.memory_space<vmem>>
      %dma_start3A_117 = tpu.memref_squeeze %dma_start3A_116 : memref<1x2x128xi32, #tpu.memory_space<vmem>> -> memref<2x128xi32, #tpu.memory_space<vmem>>
      %dma_start3A_118 = arith.constant 0 : i32
      %dma_start3A_119 = arith.constant 0 : i32
      %dma_start3A_120 = tpu.memref_slice %arg3[%mul3A_2, %dma_start3A_118, %dma_start3A_119] : memref<2562x2x128xi32, #tpu.memory_space<hbm>> -> memref<1x2x128xi32, #tpu.memory_space<hbm>>
      %dma_start3A_121 = tpu.memref_squeeze %dma_start3A_120 : memref<1x2x128xi32, #tpu.memory_space<hbm>> -> memref<2x128xi32, #tpu.memory_space<hbm>>
      %dma_start3A_122 = arith.constant 0 : i32
      %dma_start3A_123 = arith.constant 0 : i32
      %dma_start3A_124 = tpu.memref_slice %arg6[%run_scoped3A, %dma_start3A_122, %dma_start3A_123] : memref<4x2x128xi32, #tpu.memory_space<vmem>> -> memref<1x2x128xi32, #tpu.memory_space<vmem>>
      %dma_start3A_125 = tpu.memref_squeeze %dma_start3A_124 : memref<1x2x128xi32, #tpu.memory_space<vmem>> -> memref<2x128xi32, #tpu.memory_space<vmem>>
      %dma_start3A_126 = arith.constant 0 : i32
      %dma_start3A_127 = arith.constant 0 : i32
      %dma_start3A_128 = tpu.memref_slice %arg3[%mul3A_2, %dma_start3A_126, %dma_start3A_127] : memref<2562x2x128xi32, #tpu.memory_space<hbm>> -> memref<1x2x128xi32, #tpu.memory_space<hbm>>
      %dma_start3A_129 = tpu.memref_squeeze %dma_start3A_128 : memref<1x2x128xi32, #tpu.memory_space<hbm>> -> memref<2x128xi32, #tpu.memory_space<hbm>>
      tpu.enqueue_dma source(%dma_start3A_129 : memref<2x128xi32, #tpu.memory_space<hbm>>) target(%dma_start3A_125 : memref<2x128xi32, #tpu.memory_space<vmem>>) target_semaphore(%run_scoped3A_113 : memref<!tpu.dma_semaphore, #tpu.memory_space<semaphore_mem>>)
      %dma_wait3A_130 = arith.constant 0 : i32
      %dma_wait3A_131 = arith.constant 0 : i32
      %dma_wait3A_132 = tpu.memref_slice %arg6[%run_scoped3A, %dma_wait3A_130, %dma_wait3A_131] : memref<4x2x128xi32, #tpu.memory_space<vmem>> -> memref<1x2x128xi32, #tpu.memory_space<vmem>>
      %dma_wait3A_133 = tpu.memref_squeeze %dma_wait3A_132 : memref<1x2x128xi32, #tpu.memory_space<vmem>> -> memref<2x128xi32, #tpu.memory_space<vmem>>
      %dma_wait3A_134 = arith.constant 0 : i32
      %dma_wait3A_135 = arith.constant 0 : i32
      %dma_wait3A_136 = tpu.memref_slice %arg3[%mul3A_2, %dma_wait3A_134, %dma_wait3A_135] : memref<2562x2x128xi32, #tpu.memory_space<hbm>> -> memref<1x2x128xi32, #tpu.memory_space<hbm>>
      %dma_wait3A_137 = tpu.memref_squeeze %dma_wait3A_136 : memref<1x2x128xi32, #tpu.memory_space<hbm>> -> memref<2x128xi32, #tpu.memory_space<hbm>>
      %dma_wait3A_138 = arith.constant 0 : i32
      %dma_wait3A_139 = arith.constant 0 : i32
      %dma_wait3A_140 = tpu.memref_slice %arg6[%run_scoped3A, %dma_wait3A_138, %dma_wait3A_139] : memref<4x2x128xi32, #tpu.memory_space<vmem>> -> memref<1x2x128xi32, #tpu.memory_space<vmem>>
      %dma_wait3A_141 = tpu.memref_squeeze %dma_wait3A_140 : memref<1x2x128xi32, #tpu.memory_space<vmem>> -> memref<2x128xi32, #tpu.memory_space<vmem>>
      %dma_wait3A_142 = arith.constant 0 : i32
      %dma_wait3A_143 = arith.constant 0 : i32
      %dma_wait3A_144 = tpu.memref_slice %arg3[%mul3A_2, %dma_wait3A_142, %dma_wait3A_143] : memref<2562x2x128xi32, #tpu.memory_space<hbm>> -> memref<1x2x128xi32, #tpu.memory_space<hbm>>
      %dma_wait3A_145 = tpu.memref_squeeze %dma_wait3A_144 : memref<1x2x128xi32, #tpu.memory_space<hbm>> -> memref<2x128xi32, #tpu.memory_space<hbm>>
      tpu.wait_dma2 semaphore(%run_scoped3A_113 : memref<!tpu.dma_semaphore, #tpu.memory_space<semaphore_mem>>) src(%dma_wait3A_145 : memref<2x128xi32, #tpu.memory_space<hbm>>) dst(%dma_wait3A_141 : memref<2x128xi32, #tpu.memory_space<vmem>>)
      tpu.yield
    }) : () -> ()
    %add3A = arith.constant 1 : i32
    %add3A_3 = arith.addi %mul3A_2, %add3A : i32
    %dma_start3A = arith.constant 1 : i32
    %dma_start3A_4 = arith.constant 1 : i32
    %dma_start3A_5 = arith.constant 0 : i32
    %dma_start3A_6 = arith.constant 0 : i32
    %dma_start3A_7 = tpu.memref_slice %arg6[%dma_start3A, %dma_start3A_5, %dma_start3A_6] : memref<4x2x128xi32, #tpu.memory_space<vmem>> -> memref<1x2x128xi32, #tpu.memory_space<vmem>>
    %dma_start3A_8 = tpu.memref_squeeze %dma_start3A_7 : memref<1x2x128xi32, #tpu.memory_space<vmem>> -> memref<2x128xi32, #tpu.memory_space<vmem>>
    %dma_start3A_9 = arith.constant 0 : i32
    %dma_start3A_10 = arith.constant 0 : i32
    %dma_start3A_11 = tpu.memref_slice %arg3[%add3A_3, %dma_start3A_9, %dma_start3A_10] : memref<2562x2x128xi32, #tpu.memory_space<hbm>> -> memref<1x2x128xi32, #tpu.memory_space<hbm>>
    %dma_start3A_12 = tpu.memref_squeeze %dma_start3A_11 : memref<1x2x128xi32, #tpu.memory_space<hbm>> -> memref<2x128xi32, #tpu.memory_space<hbm>>
    %dma_start3A_13 = tpu.memref_slice %arg12[%dma_start3A_4] : memref<4x!tpu.dma_semaphore, #tpu.memory_space<semaphore_mem>> -> memref<1x!tpu.dma_semaphore, #tpu.memory_space<semaphore_mem>>
    %dma_start3A_14 = tpu.memref_squeeze %dma_start3A_13 : memref<1x!tpu.dma_semaphore, #tpu.memory_space<semaphore_mem>> -> memref<!tpu.dma_semaphore, #tpu.memory_space<semaphore_mem>>
    %dma_start3A_15 = arith.constant 0 : i32
    %dma_start3A_16 = arith.constant 0 : i32
    %dma_start3A_17 = tpu.memref_slice %arg6[%dma_start3A, %dma_start3A_15, %dma_start3A_16] : memref<4x2x128xi32, #tpu.memory_space<vmem>> -> memref<1x2x128xi32, #tpu.memory_space<vmem>>
    %dma_start3A_18 = tpu.memref_squeeze %dma_start3A_17 : memref<1x2x128xi32, #tpu.memory_space<vmem>> -> memref<2x128xi32, #tpu.memory_space<vmem>>
    %dma_start3A_19 = arith.constant 0 : i32
    %dma_start3A_20 = arith.constant 0 : i32
    %dma_start3A_21 = tpu.memref_slice %arg3[%add3A_3, %dma_start3A_19, %dma_start3A_20] : memref<2562x2x128xi32, #tpu.memory_space<hbm>> -> memref<1x2x128xi32, #tpu.memory_space<hbm>>
    %dma_start3A_22 = tpu.memref_squeeze %dma_start3A_21 : memref<1x2x128xi32, #tpu.memory_space<hbm>> -> memref<2x128xi32, #tpu.memory_space<hbm>>
    tpu.enqueue_dma source(%dma_start3A_22 : memref<2x128xi32, #tpu.memory_space<hbm>>) target(%dma_start3A_18 : memref<2x128xi32, #tpu.memory_space<vmem>>) target_semaphore(%dma_start3A_14 : memref<!tpu.dma_semaphore, #tpu.memory_space<semaphore_mem>>)
    %dma_start3A_23 = arith.constant 0 : i32
    %dma_start3A_24 = arith.constant 0 : i32
    %dma_start3A_25 = arith.constant 0 : i32
    %dma_start3A_26 = arith.constant 0 : i32
    %dma_start3A_27 = arith.constant 0 : i32
    %dma_start3A_28 = arith.constant 0 : i32
    %dma_start3A_29 = tpu.memref_slice %arg7[%dma_start3A_25, %dma_start3A_27, %dma_start3A_28] : memref<4x128x64xf32, #tpu.memory_space<vmem>> -> memref<1x128x64xf32, #tpu.memory_space<vmem>>
    %dma_start3A_30 = tpu.memref_squeeze %dma_start3A_29 : memref<1x128x64xf32, #tpu.memory_space<vmem>> -> memref<128x64xf32, #tpu.memory_space<vmem>>
    %dma_start3A_31 = arith.constant 0 : i32
    %dma_start3A_32 = tpu.memref_slice %arg6[%dma_start3A_23, %dma_start3A_24, %dma_start3A_31] : memref<4x2x128xi32, #tpu.memory_space<vmem>> -> memref<1x1x128xi32, #tpu.memory_space<vmem>>
    %dma_start3A_33 = tpu.memref_squeeze %dma_start3A_32 : memref<1x1x128xi32, #tpu.memory_space<vmem>> -> memref<128xi32, #tpu.memory_space<vmem>>
    %dma_start3A_34 = arith.constant 0 : i32
    %dma_start3A_35 = arith.constant 0 : i32
    %dma_start3A_36 = tpu.memref_slice %arg8[%dma_start3A_34, %dma_start3A_35] : memref<10240x64xf32, #tpu.memory_space<vmem_shared>> -> memref<10240x64xf32, #tpu.memory_space<vmem_shared>>
    %dma_start3A_37 = tpu.memref_slice %arg10[%dma_start3A_26] : memref<4x!tpu.dma_semaphore, #tpu.memory_space<semaphore_mem>> -> memref<1x!tpu.dma_semaphore, #tpu.memory_space<semaphore_mem>>
    %dma_start3A_38 = tpu.memref_squeeze %dma_start3A_37 : memref<1x!tpu.dma_semaphore, #tpu.memory_space<semaphore_mem>> -> memref<!tpu.dma_semaphore, #tpu.memory_space<semaphore_mem>>
    tpu.enqueue_indirect_dma source(%dma_start3A_36 : memref<10240x64xf32, #tpu.memory_space<vmem_shared>>) target(%dma_start3A_30 : memref<128x64xf32, #tpu.memory_space<vmem>>) offsets(%dma_start3A_33 : memref<128xi32, #tpu.memory_space<vmem>>) semaphore(%dma_start3A_38 : memref<!tpu.dma_semaphore, #tpu.memory_space<semaphore_mem>>)
    %scan3A = arith.constant 0 : i32
    %scan3A_39 = arith.constant 0 : i32
    %scan3A_40 = arith.constant 40 : i32
    %scan3A_41 = arith.addi %scan3A_39, %scan3A_40 : i32
    %scan3A_42 = arith.constant 1 : i32
    scf.for %scan3A_113 = %scan3A_39 to %scan3A_41 step %scan3A_42  : i32 {
      %mul3A_114 = arith.constant 4 : i32
      %mul3A_115 = arith.muli %mul3A_114, %scan3A_113 : i32
      %add3A_116 = arith.constant 0 : i32
      %add3A_117 = arith.addi %mul3A_115, %add3A_116 : i32
      %dma_wait3A_118 = arith.constant 0 : i32
      %dma_wait3A_119 = arith.constant 0 : i32
      %dma_wait3A_120 = arith.constant 0 : i32
      %dma_wait3A_121 = arith.constant 0 : i32
      %dma_wait3A_122 = arith.constant 0 : i32
      %dma_wait3A_123 = arith.constant 0 : i32
      %dma_wait3A_124 = tpu.memref_slice %arg7[%dma_wait3A_120, %dma_wait3A_122, %dma_wait3A_123] : memref<4x128x64xf32, #tpu.memory_space<vmem>> -> memref<1x128x64xf32, #tpu.memory_space<vmem>>
      %dma_wait3A_125 = tpu.memref_squeeze %dma_wait3A_124 : memref<1x128x64xf32, #tpu.memory_space<vmem>> -> memref<128x64xf32, #tpu.memory_space<vmem>>
      %dma_wait3A_126 = arith.constant 0 : i32
      %dma_wait3A_127 = tpu.memref_slice %arg6[%dma_wait3A_118, %dma_wait3A_119, %dma_wait3A_126] : memref<4x2x128xi32, #tpu.memory_space<vmem>> -> memref<1x1x128xi32, #tpu.memory_space<vmem>>
      %dma_wait3A_128 = tpu.memref_squeeze %dma_wait3A_127 : memref<1x1x128xi32, #tpu.memory_space<vmem>> -> memref<128xi32, #tpu.memory_space<vmem>>
      %dma_wait3A_129 = arith.constant 0 : i32
      %dma_wait3A_130 = arith.constant 0 : i32
      %dma_wait3A_131 = tpu.memref_slice %arg8[%dma_wait3A_129, %dma_wait3A_130] : memref<10240x64xf32, #tpu.memory_space<vmem_shared>> -> memref<10240x64xf32, #tpu.memory_space<vmem_shared>>
      %dma_wait3A_132 = tpu.memref_slice %arg10[%dma_wait3A_121] : memref<4x!tpu.dma_semaphore, #tpu.memory_space<semaphore_mem>> -> memref<1x!tpu.dma_semaphore, #tpu.memory_space<semaphore_mem>>
      %dma_wait3A_133 = tpu.memref_squeeze %dma_wait3A_132 : memref<1x!tpu.dma_semaphore, #tpu.memory_space<semaphore_mem>> -> memref<!tpu.dma_semaphore, #tpu.memory_space<semaphore_mem>>
      tpu.wait_indirect_dma semaphore(%dma_wait3A_133 : memref<!tpu.dma_semaphore, #tpu.memory_space<semaphore_mem>>) src(%dma_wait3A_131 : memref<10240x64xf32, #tpu.memory_space<vmem_shared>>) dst(%dma_wait3A_125 : memref<128x64xf32, #tpu.memory_space<vmem>>)
      %dma_start3A_134 = arith.constant 0 : i32
      %dma_start3A_135 = arith.constant 0 : i32
      %dma_start3A_136 = arith.constant 1 : i32
      %dma_start3A_137 = arith.constant 0 : i32
      %dma_start3A_138 = arith.constant 0 : i32
      %dma_start3A_139 = arith.constant 0 : i32
      %dma_start3A_140 = tpu.memref_slice %arg7[%dma_start3A_134, %dma_start3A_138, %dma_start3A_139] : memref<4x128x64xf32, #tpu.memory_space<vmem>> -> memref<1x128x64xf32, #tpu.memory_space<vmem>>
      %dma_start3A_141 = tpu.memref_squeeze %dma_start3A_140 : memref<1x128x64xf32, #tpu.memory_space<vmem>> -> memref<128x64xf32, #tpu.memory_space<vmem>>
      %dma_start3A_142 = arith.constant 0 : i32
      %dma_start3A_143 = tpu.memref_slice %arg6[%dma_start3A_135, %dma_start3A_136, %dma_start3A_142] : memref<4x2x128xi32, #tpu.memory_space<vmem>> -> memref<1x1x128xi32, #tpu.memory_space<vmem>>
      %dma_start3A_144 = tpu.memref_squeeze %dma_start3A_143 : memref<1x1x128xi32, #tpu.memory_space<vmem>> -> memref<128xi32, #tpu.memory_space<vmem>>
      %dma_start3A_145 = arith.constant 0 : i32
      %dma_start3A_146 = arith.constant 0 : i32
      %dma_start3A_147 = tpu.memref_slice %arg9[%dma_start3A_145, %dma_start3A_146] : memref<10240x64xf32, #tpu.memory_space<vmem_shared>> -> memref<10240x64xf32, #tpu.memory_space<vmem_shared>>
      %dma_start3A_148 = tpu.memref_slice %arg11[%dma_start3A_137] : memref<4x!tpu.dma_semaphore, #tpu.memory_space<semaphore_mem>> -> memref<1x!tpu.dma_semaphore, #tpu.memory_space<semaphore_mem>>
      %dma_start3A_149 = tpu.memref_squeeze %dma_start3A_148 : memref<1x!tpu.dma_semaphore, #tpu.memory_space<semaphore_mem>> -> memref<!tpu.dma_semaphore, #tpu.memory_space<semaphore_mem>>
      tpu.enqueue_indirect_dma source(%dma_start3A_141 : memref<128x64xf32, #tpu.memory_space<vmem>>) target(%dma_start3A_147 : memref<10240x64xf32, #tpu.memory_space<vmem_shared>>) offsets(%dma_start3A_144 : memref<128xi32, #tpu.memory_space<vmem>>) semaphore(%dma_start3A_149 : memref<!tpu.dma_semaphore, #tpu.memory_space<semaphore_mem>>) {add = true}
      %gt3A = arith.constant 0 : i32
      %gt3A_150 = arith.cmpi sgt, %scan3A_113, %gt3A : i32
      %convert_element_type3A = arith.extui %gt3A_150 : i1 to i32
      %cond3A = arith.constant 0 : i32
      %cond3A_151 = arith.cmpi ne, %convert_element_type3A, %cond3A : i32
      scf.if %cond3A_151 {
        %dma_wait3A_543 = arith.constant 2 : i32
        %dma_wait3A_544 = arith.constant 2 : i32
        %dma_wait3A_545 = arith.constant 1 : i32
        %dma_wait3A_546 = arith.constant 2 : i32
        %dma_wait3A_547 = arith.constant 0 : i32
        %dma_wait3A_548 = arith.constant 0 : i32
        %dma_wait3A_549 = tpu.memref_slice %arg7[%dma_wait3A_543, %dma_wait3A_547, %dma_wait3A_548] : memref<4x128x64xf32, #tpu.memory_space<vmem>> -> memref<1x128x64xf32, #tpu.memory_space<vmem>>
        %dma_wait3A_550 = tpu.memref_squeeze %dma_wait3A_549 : memref<1x128x64xf32, #tpu.memory_space<vmem>> -> memref<128x64xf32, #tpu.memory_space<vmem>>
        %dma_wait3A_551 = arith.constant 0 : i32
        %dma_wait3A_552 = tpu.memref_slice %arg6[%dma_wait3A_544, %dma_wait3A_545, %dma_wait3A_551] : memref<4x2x128xi32, #tpu.memory_space<vmem>> -> memref<1x1x128xi32, #tpu.memory_space<vmem>>
        %dma_wait3A_553 = tpu.memref_squeeze %dma_wait3A_552 : memref<1x1x128xi32, #tpu.memory_space<vmem>> -> memref<128xi32, #tpu.memory_space<vmem>>
        %dma_wait3A_554 = arith.constant 0 : i32
        %dma_wait3A_555 = arith.constant 0 : i32
        %dma_wait3A_556 = tpu.memref_slice %arg9[%dma_wait3A_554, %dma_wait3A_555] : memref<10240x64xf32, #tpu.memory_space<vmem_shared>> -> memref<10240x64xf32, #tpu.memory_space<vmem_shared>>
        %dma_wait3A_557 = tpu.memref_slice %arg11[%dma_wait3A_546] : memref<4x!tpu.dma_semaphore, #tpu.memory_space<semaphore_mem>> -> memref<1x!tpu.dma_semaphore, #tpu.memory_space<semaphore_mem>>
        %dma_wait3A_558 = tpu.memref_squeeze %dma_wait3A_557 : memref<1x!tpu.dma_semaphore, #tpu.memory_space<semaphore_mem>> -> memref<!tpu.dma_semaphore, #tpu.memory_space<semaphore_mem>>
        tpu.wait_indirect_dma semaphore(%dma_wait3A_558 : memref<!tpu.dma_semaphore, #tpu.memory_space<semaphore_mem>>) src(%dma_wait3A_550 : memref<128x64xf32, #tpu.memory_space<vmem>>) dst(%dma_wait3A_556 : memref<10240x64xf32, #tpu.memory_space<vmem_shared>>)
      } else {
      }
      %add3A_152 = arith.addi %mul3A_2, %add3A_117 : i32
      %add3A_153 = arith.constant 2 : i32
      %add3A_154 = arith.addi %add3A_152, %add3A_153 : i32
      %dma_start3A_155 = arith.constant 2 : i32
      %dma_start3A_156 = arith.constant 2 : i32
      %dma_start3A_157 = arith.constant 0 : i32
      %dma_start3A_158 = arith.constant 0 : i32
      %dma_start3A_159 = tpu.memref_slice %arg6[%dma_start3A_155, %dma_start3A_157, %dma_start3A_158] : memref<4x2x128xi32, #tpu.memory_space<vmem>> -> memref<1x2x128xi32, #tpu.memory_space<vmem>>
      %dma_start3A_160 = tpu.memref_squeeze %dma_start3A_159 : memref<1x2x128xi32, #tpu.memory_space<vmem>> -> memref<2x128xi32, #tpu.memory_space<vmem>>
      %dma_start3A_161 = arith.constant 0 : i32
      %dma_start3A_162 = arith.constant 0 : i32
      %dma_start3A_163 = tpu.memref_slice %arg3[%add3A_154, %dma_start3A_161, %dma_start3A_162] : memref<2562x2x128xi32, #tpu.memory_space<hbm>> -> memref<1x2x128xi32, #tpu.memory_space<hbm>>
      %dma_start3A_164 = tpu.memref_squeeze %dma_start3A_163 : memref<1x2x128xi32, #tpu.memory_space<hbm>> -> memref<2x128xi32, #tpu.memory_space<hbm>>
      %dma_start3A_165 = tpu.memref_slice %arg12[%dma_start3A_156] : memref<4x!tpu.dma_semaphore, #tpu.memory_space<semaphore_mem>> -> memref<1x!tpu.dma_semaphore, #tpu.memory_space<semaphore_mem>>
      %dma_start3A_166 = tpu.memref_squeeze %dma_start3A_165 : memref<1x!tpu.dma_semaphore, #tpu.memory_space<semaphore_mem>> -> memref<!tpu.dma_semaphore, #tpu.memory_space<semaphore_mem>>
      %dma_start3A_167 = arith.constant 0 : i32
      %dma_start3A_168 = arith.constant 0 : i32
      %dma_start3A_169 = tpu.memref_slice %arg6[%dma_start3A_155, %dma_start3A_167, %dma_start3A_168] : memref<4x2x128xi32, #tpu.memory_space<vmem>> -> memref<1x2x128xi32, #tpu.memory_space<vmem>>
      %dma_start3A_170 = tpu.memref_squeeze %dma_start3A_169 : memref<1x2x128xi32, #tpu.memory_space<vmem>> -> memref<2x128xi32, #tpu.memory_space<vmem>>
      %dma_start3A_171 = arith.constant 0 : i32
      %dma_start3A_172 = arith.constant 0 : i32
      %dma_start3A_173 = tpu.memref_slice %arg3[%add3A_154, %dma_start3A_171, %dma_start3A_172] : memref<2562x2x128xi32, #tpu.memory_space<hbm>> -> memref<1x2x128xi32, #tpu.memory_space<hbm>>
      %dma_start3A_174 = tpu.memref_squeeze %dma_start3A_173 : memref<1x2x128xi32, #tpu.memory_space<hbm>> -> memref<2x128xi32, #tpu.memory_space<hbm>>
      tpu.enqueue_dma source(%dma_start3A_174 : memref<2x128xi32, #tpu.memory_space<hbm>>) target(%dma_start3A_170 : memref<2x128xi32, #tpu.memory_space<vmem>>) target_semaphore(%dma_start3A_166 : memref<!tpu.dma_semaphore, #tpu.memory_space<semaphore_mem>>)
      %dma_wait3A_175 = arith.constant 0 : i32
      %dma_wait3A_176 = arith.constant 1 : i32
      %dma_wait3A_177 = arith.constant 1 : i32
      %dma_wait3A_178 = arith.constant 0 : i32
      %dma_wait3A_179 = arith.constant 0 : i32
      %dma_wait3A_180 = tpu.memref_slice %arg6[%dma_wait3A_176, %dma_wait3A_178, %dma_wait3A_179] : memref<4x2x128xi32, #tpu.memory_space<vmem>> -> memref<1x2x128xi32, #tpu.memory_space<vmem>>
      %dma_wait3A_181 = tpu.memref_squeeze %dma_wait3A_180 : memref<1x2x128xi32, #tpu.memory_space<vmem>> -> memref<2x128xi32, #tpu.memory_space<vmem>>
      %dma_wait3A_182 = arith.constant 0 : i32
      %dma_wait3A_183 = arith.constant 0 : i32
      %dma_wait3A_184 = tpu.memref_slice %arg3[%dma_wait3A_175, %dma_wait3A_182, %dma_wait3A_183] : memref<2562x2x128xi32, #tpu.memory_space<hbm>> -> memref<1x2x128xi32, #tpu.memory_space<hbm>>
      %dma_wait3A_185 = tpu.memref_squeeze %dma_wait3A_184 : memref<1x2x128xi32, #tpu.memory_space<hbm>> -> memref<2x128xi32, #tpu.memory_space<hbm>>
      %dma_wait3A_186 = tpu.memref_slice %arg12[%dma_wait3A_177] : memref<4x!tpu.dma_semaphore, #tpu.memory_space<semaphore_mem>> -> memref<1x!tpu.dma_semaphore, #tpu.memory_space<semaphore_mem>>
      %dma_wait3A_187 = tpu.memref_squeeze %dma_wait3A_186 : memref<1x!tpu.dma_semaphore, #tpu.memory_space<semaphore_mem>> -> memref<!tpu.dma_semaphore, #tpu.memory_space<semaphore_mem>>
      %dma_wait3A_188 = arith.constant 0 : i32
      %dma_wait3A_189 = arith.constant 0 : i32
      %dma_wait3A_190 = tpu.memref_slice %arg6[%dma_wait3A_176, %dma_wait3A_188, %dma_wait3A_189] : memref<4x2x128xi32, #tpu.memory_space<vmem>> -> memref<1x2x128xi32, #tpu.memory_space<vmem>>
      %dma_wait3A_191 = tpu.memref_squeeze %dma_wait3A_190 : memref<1x2x128xi32, #tpu.memory_space<vmem>> -> memref<2x128xi32, #tpu.memory_space<vmem>>
      %dma_wait3A_192 = arith.constant 0 : i32
      %dma_wait3A_193 = arith.constant 0 : i32
      %dma_wait3A_194 = tpu.memref_slice %arg3[%dma_wait3A_175, %dma_wait3A_192, %dma_wait3A_193] : memref<2562x2x128xi32, #tpu.memory_space<hbm>> -> memref<1x2x128xi32, #tpu.memory_space<hbm>>
      %dma_wait3A_195 = tpu.memref_squeeze %dma_wait3A_194 : memref<1x2x128xi32, #tpu.memory_space<hbm>> -> memref<2x128xi32, #tpu.memory_space<hbm>>
      tpu.wait_dma2 semaphore(%dma_wait3A_187 : memref<!tpu.dma_semaphore, #tpu.memory_space<semaphore_mem>>) src(%dma_wait3A_195 : memref<2x128xi32, #tpu.memory_space<hbm>>) dst(%dma_wait3A_191 : memref<2x128xi32, #tpu.memory_space<vmem>>)
      %add3A_196 = arith.addi %mul3A_2, %add3A_117 : i32
      %add3A_197 = arith.constant 1 : i32
      %add3A_198 = arith.addi %add3A_196, %add3A_197 : i32
      %dma_start3A_199 = arith.constant 1 : i32
      %dma_start3A_200 = arith.constant 0 : i32
      %dma_start3A_201 = arith.constant 1 : i32
      %dma_start3A_202 = arith.constant 1 : i32
      %dma_start3A_203 = arith.constant 0 : i32
      %dma_start3A_204 = arith.constant 0 : i32
      %dma_start3A_205 = tpu.memref_slice %arg7[%dma_start3A_201, %dma_start3A_203, %dma_start3A_204] : memref<4x128x64xf32, #tpu.memory_space<vmem>> -> memref<1x128x64xf32, #tpu.memory_space<vmem>>
      %dma_start3A_206 = tpu.memref_squeeze %dma_start3A_205 : memref<1x128x64xf32, #tpu.memory_space<vmem>> -> memref<128x64xf32, #tpu.memory_space<vmem>>
      %dma_start3A_207 = arith.constant 0 : i32
      %dma_start3A_208 = tpu.memref_slice %arg6[%dma_start3A_199, %dma_start3A_200, %dma_start3A_207] : memref<4x2x128xi32, #tpu.memory_space<vmem>> -> memref<1x1x128xi32, #tpu.memory_space<vmem>>
      %dma_start3A_209 = tpu.memref_squeeze %dma_start3A_208 : memref<1x1x128xi32, #tpu.memory_space<vmem>> -> memref<128xi32, #tpu.memory_space<vmem>>
      %dma_start3A_210 = arith.constant 0 : i32
      %dma_start3A_211 = arith.constant 0 : i32
      %dma_start3A_212 = tpu.memref_slice %arg8[%dma_start3A_210, %dma_start3A_211] : memref<10240x64xf32, #tpu.memory_space<vmem_shared>> -> memref<10240x64xf32, #tpu.memory_space<vmem_shared>>
      %dma_start3A_213 = tpu.memref_slice %arg10[%dma_start3A_202] : memref<4x!tpu.dma_semaphore, #tpu.memory_space<semaphore_mem>> -> memref<1x!tpu.dma_semaphore, #tpu.memory_space<semaphore_mem>>
      %dma_start3A_214 = tpu.memref_squeeze %dma_start3A_213 : memref<1x!tpu.dma_semaphore, #tpu.memory_space<semaphore_mem>> -> memref<!tpu.dma_semaphore, #tpu.memory_space<semaphore_mem>>
      tpu.enqueue_indirect_dma source(%dma_start3A_212 : memref<10240x64xf32, #tpu.memory_space<vmem_shared>>) target(%dma_start3A_206 : memref<128x64xf32, #tpu.memory_space<vmem>>) offsets(%dma_start3A_209 : memref<128xi32, #tpu.memory_space<vmem>>) semaphore(%dma_start3A_214 : memref<!tpu.dma_semaphore, #tpu.memory_space<semaphore_mem>>)
      %add3A_215 = arith.constant 1 : i32
      %add3A_216 = arith.addi %mul3A_115, %add3A_215 : i32
      %dma_wait3A_217 = arith.constant 1 : i32
      %dma_wait3A_218 = arith.constant 0 : i32
      %dma_wait3A_219 = arith.constant 1 : i32
      %dma_wait3A_220 = arith.constant 1 : i32
      %dma_wait3A_221 = arith.constant 0 : i32
      %dma_wait3A_222 = arith.constant 0 : i32
      %dma_wait3A_223 = tpu.memref_slice %arg7[%dma_wait3A_219, %dma_wait3A_221, %dma_wait3A_222] : memref<4x128x64xf32, #tpu.memory_space<vmem>> -> memref<1x128x64xf32, #tpu.memory_space<vmem>>
      %dma_wait3A_224 = tpu.memref_squeeze %dma_wait3A_223 : memref<1x128x64xf32, #tpu.memory_space<vmem>> -> memref<128x64xf32, #tpu.memory_space<vmem>>
      %dma_wait3A_225 = arith.constant 0 : i32
      %dma_wait3A_226 = tpu.memref_slice %arg6[%dma_wait3A_217, %dma_wait3A_218, %dma_wait3A_225] : memref<4x2x128xi32, #tpu.memory_space<vmem>> -> memref<1x1x128xi32, #tpu.memory_space<vmem>>
      %dma_wait3A_227 = tpu.memref_squeeze %dma_wait3A_226 : memref<1x1x128xi32, #tpu.memory_space<vmem>> -> memref<128xi32, #tpu.memory_space<vmem>>
      %dma_wait3A_228 = arith.constant 0 : i32
      %dma_wait3A_229 = arith.constant 0 : i32
      %dma_wait3A_230 = tpu.memref_slice %arg8[%dma_wait3A_228, %dma_wait3A_229] : memref<10240x64xf32, #tpu.memory_space<vmem_shared>> -> memref<10240x64xf32, #tpu.memory_space<vmem_shared>>
      %dma_wait3A_231 = tpu.memref_slice %arg10[%dma_wait3A_220] : memref<4x!tpu.dma_semaphore, #tpu.memory_space<semaphore_mem>> -> memref<1x!tpu.dma_semaphore, #tpu.memory_space<semaphore_mem>>
      %dma_wait3A_232 = tpu.memref_squeeze %dma_wait3A_231 : memref<1x!tpu.dma_semaphore, #tpu.memory_space<semaphore_mem>> -> memref<!tpu.dma_semaphore, #tpu.memory_space<semaphore_mem>>
      tpu.wait_indirect_dma semaphore(%dma_wait3A_232 : memref<!tpu.dma_semaphore, #tpu.memory_space<semaphore_mem>>) src(%dma_wait3A_230 : memref<10240x64xf32, #tpu.memory_space<vmem_shared>>) dst(%dma_wait3A_224 : memref<128x64xf32, #tpu.memory_space<vmem>>)
      %dma_start3A_233 = arith.constant 1 : i32
      %dma_start3A_234 = arith.constant 1 : i32
      %dma_start3A_235 = arith.constant 1 : i32
      %dma_start3A_236 = arith.constant 1 : i32
      %dma_start3A_237 = arith.constant 0 : i32
      %dma_start3A_238 = arith.constant 0 : i32
      %dma_start3A_239 = tpu.memref_slice %arg7[%dma_start3A_233, %dma_start3A_237, %dma_start3A_238] : memref<4x128x64xf32, #tpu.memory_space<vmem>> -> memref<1x128x64xf32, #tpu.memory_space<vmem>>
      %dma_start3A_240 = tpu.memref_squeeze %dma_start3A_239 : memref<1x128x64xf32, #tpu.memory_space<vmem>> -> memref<128x64xf32, #tpu.memory_space<vmem>>
      %dma_start3A_241 = arith.constant 0 : i32
      %dma_start3A_242 = tpu.memref_slice %arg6[%dma_start3A_234, %dma_start3A_235, %dma_start3A_241] : memref<4x2x128xi32, #tpu.memory_space<vmem>> -> memref<1x1x128xi32, #tpu.memory_space<vmem>>
      %dma_start3A_243 = tpu.memref_squeeze %dma_start3A_242 : memref<1x1x128xi32, #tpu.memory_space<vmem>> -> memref<128xi32, #tpu.memory_space<vmem>>
      %dma_start3A_244 = arith.constant 0 : i32
      %dma_start3A_245 = arith.constant 0 : i32
      %dma_start3A_246 = tpu.memref_slice %arg9[%dma_start3A_244, %dma_start3A_245] : memref<10240x64xf32, #tpu.memory_space<vmem_shared>> -> memref<10240x64xf32, #tpu.memory_space<vmem_shared>>
      %dma_start3A_247 = tpu.memref_slice %arg11[%dma_start3A_236] : memref<4x!tpu.dma_semaphore, #tpu.memory_space<semaphore_mem>> -> memref<1x!tpu.dma_semaphore, #tpu.memory_space<semaphore_mem>>
      %dma_start3A_248 = tpu.memref_squeeze %dma_start3A_247 : memref<1x!tpu.dma_semaphore, #tpu.memory_space<semaphore_mem>> -> memref<!tpu.dma_semaphore, #tpu.memory_space<semaphore_mem>>
      tpu.enqueue_indirect_dma source(%dma_start3A_240 : memref<128x64xf32, #tpu.memory_space<vmem>>) target(%dma_start3A_246 : memref<10240x64xf32, #tpu.memory_space<vmem_shared>>) offsets(%dma_start3A_243 : memref<128xi32, #tpu.memory_space<vmem>>) semaphore(%dma_start3A_248 : memref<!tpu.dma_semaphore, #tpu.memory_space<semaphore_mem>>) {add = true}
      %gt3A_249 = arith.constant 0 : i32
      %gt3A_250 = arith.cmpi sgt, %scan3A_113, %gt3A_249 : i32
      %convert_element_type3A_251 = arith.extui %gt3A_250 : i1 to i32
      %cond3A_252 = arith.constant 0 : i32
      %cond3A_253 = arith.cmpi ne, %convert_element_type3A_251, %cond3A_252 : i32
      scf.if %cond3A_253 {
        %dma_wait3A_543 = arith.constant 3 : i32
        %dma_wait3A_544 = arith.constant 3 : i32
        %dma_wait3A_545 = arith.constant 1 : i32
        %dma_wait3A_546 = arith.constant 3 : i32
        %dma_wait3A_547 = arith.constant 0 : i32
        %dma_wait3A_548 = arith.constant 0 : i32
        %dma_wait3A_549 = tpu.memref_slice %arg7[%dma_wait3A_543, %dma_wait3A_547, %dma_wait3A_548] : memref<4x128x64xf32, #tpu.memory_space<vmem>> -> memref<1x128x64xf32, #tpu.memory_space<vmem>>
        %dma_wait3A_550 = tpu.memref_squeeze %dma_wait3A_549 : memref<1x128x64xf32, #tpu.memory_space<vmem>> -> memref<128x64xf32, #tpu.memory_space<vmem>>
        %dma_wait3A_551 = arith.constant 0 : i32
        %dma_wait3A_552 = tpu.memref_slice %arg6[%dma_wait3A_544, %dma_wait3A_545, %dma_wait3A_551] : memref<4x2x128xi32, #tpu.memory_space<vmem>> -> memref<1x1x128xi32, #tpu.memory_space<vmem>>
        %dma_wait3A_553 = tpu.memref_squeeze %dma_wait3A_552 : memref<1x1x128xi32, #tpu.memory_space<vmem>> -> memref<128xi32, #tpu.memory_space<vmem>>
        %dma_wait3A_554 = arith.constant 0 : i32
        %dma_wait3A_555 = arith.constant 0 : i32
        %dma_wait3A_556 = tpu.memref_slice %arg9[%dma_wait3A_554, %dma_wait3A_555] : memref<10240x64xf32, #tpu.memory_space<vmem_shared>> -> memref<10240x64xf32, #tpu.memory_space<vmem_shared>>
        %dma_wait3A_557 = tpu.memref_slice %arg11[%dma_wait3A_546] : memref<4x!tpu.dma_semaphore, #tpu.memory_space<semaphore_mem>> -> memref<1x!tpu.dma_semaphore, #tpu.memory_space<semaphore_mem>>
        %dma_wait3A_558 = tpu.memref_squeeze %dma_wait3A_557 : memref<1x!tpu.dma_semaphore, #tpu.memory_space<semaphore_mem>> -> memref<!tpu.dma_semaphore, #tpu.memory_space<semaphore_mem>>
        tpu.wait_indirect_dma semaphore(%dma_wait3A_558 : memref<!tpu.dma_semaphore, #tpu.memory_space<semaphore_mem>>) src(%dma_wait3A_550 : memref<128x64xf32, #tpu.memory_space<vmem>>) dst(%dma_wait3A_556 : memref<10240x64xf32, #tpu.memory_space<vmem_shared>>)
      } else {
      }
      %add3A_254 = arith.addi %mul3A_2, %add3A_216 : i32
      %add3A_255 = arith.constant 2 : i32
      %add3A_256 = arith.addi %add3A_254, %add3A_255 : i32
      %dma_start3A_257 = arith.constant 3 : i32
      %dma_start3A_258 = arith.constant 3 : i32
      %dma_start3A_259 = arith.constant 0 : i32
      %dma_start3A_260 = arith.constant 0 : i32
      %dma_start3A_261 = tpu.memref_slice %arg6[%dma_start3A_257, %dma_start3A_259, %dma_start3A_260] : memref<4x2x128xi32, #tpu.memory_space<vmem>> -> memref<1x2x128xi32, #tpu.memory_space<vmem>>
      %dma_start3A_262 = tpu.memref_squeeze %dma_start3A_261 : memref<1x2x128xi32, #tpu.memory_space<vmem>> -> memref<2x128xi32, #tpu.memory_space<vmem>>
      %dma_start3A_263 = arith.constant 0 : i32
      %dma_start3A_264 = arith.constant 0 : i32
      %dma_start3A_265 = tpu.memref_slice %arg3[%add3A_256, %dma_start3A_263, %dma_start3A_264] : memref<2562x2x128xi32, #tpu.memory_space<hbm>> -> memref<1x2x128xi32, #tpu.memory_space<hbm>>
      %dma_start3A_266 = tpu.memref_squeeze %dma_start3A_265 : memref<1x2x128xi32, #tpu.memory_space<hbm>> -> memref<2x128xi32, #tpu.memory_space<hbm>>
      %dma_start3A_267 = tpu.memref_slice %arg12[%dma_start3A_258] : memref<4x!tpu.dma_semaphore, #tpu.memory_space<semaphore_mem>> -> memref<1x!tpu.dma_semaphore, #tpu.memory_space<semaphore_mem>>
      %dma_start3A_268 = tpu.memref_squeeze %dma_start3A_267 : memref<1x!tpu.dma_semaphore, #tpu.memory_space<semaphore_mem>> -> memref<!tpu.dma_semaphore, #tpu.memory_space<semaphore_mem>>
      %dma_start3A_269 = arith.constant 0 : i32
      %dma_start3A_270 = arith.constant 0 : i32
      %dma_start3A_271 = tpu.memref_slice %arg6[%dma_start3A_257, %dma_start3A_269, %dma_start3A_270] : memref<4x2x128xi32, #tpu.memory_space<vmem>> -> memref<1x2x128xi32, #tpu.memory_space<vmem>>
      %dma_start3A_272 = tpu.memref_squeeze %dma_start3A_271 : memref<1x2x128xi32, #tpu.memory_space<vmem>> -> memref<2x128xi32, #tpu.memory_space<vmem>>
      %dma_start3A_273 = arith.constant 0 : i32
      %dma_start3A_274 = arith.constant 0 : i32
      %dma_start3A_275 = tpu.memref_slice %arg3[%add3A_256, %dma_start3A_273, %dma_start3A_274] : memref<2562x2x128xi32, #tpu.memory_space<hbm>> -> memref<1x2x128xi32, #tpu.memory_space<hbm>>
      %dma_start3A_276 = tpu.memref_squeeze %dma_start3A_275 : memref<1x2x128xi32, #tpu.memory_space<hbm>> -> memref<2x128xi32, #tpu.memory_space<hbm>>
      tpu.enqueue_dma source(%dma_start3A_276 : memref<2x128xi32, #tpu.memory_space<hbm>>) target(%dma_start3A_272 : memref<2x128xi32, #tpu.memory_space<vmem>>) target_semaphore(%dma_start3A_268 : memref<!tpu.dma_semaphore, #tpu.memory_space<semaphore_mem>>)
      %dma_wait3A_277 = arith.constant 0 : i32
      %dma_wait3A_278 = arith.constant 2 : i32
      %dma_wait3A_279 = arith.constant 2 : i32
      %dma_wait3A_280 = arith.constant 0 : i32
      %dma_wait3A_281 = arith.constant 0 : i32
      %dma_wait3A_282 = tpu.memref_slice %arg6[%dma_wait3A_278, %dma_wait3A_280, %dma_wait3A_281] : memref<4x2x128xi32, #tpu.memory_space<vmem>> -> memref<1x2x128xi32, #tpu.memory_space<vmem>>
      %dma_wait3A_283 = tpu.memref_squeeze %dma_wait3A_282 : memref<1x2x128xi32, #tpu.memory_space<vmem>> -> memref<2x128xi32, #tpu.memory_space<vmem>>
      %dma_wait3A_284 = arith.constant 0 : i32
      %dma_wait3A_285 = arith.constant 0 : i32
      %dma_wait3A_286 = tpu.memref_slice %arg3[%dma_wait3A_277, %dma_wait3A_284, %dma_wait3A_285] : memref<2562x2x128xi32, #tpu.memory_space<hbm>> -> memref<1x2x128xi32, #tpu.memory_space<hbm>>
      %dma_wait3A_287 = tpu.memref_squeeze %dma_wait3A_286 : memref<1x2x128xi32, #tpu.memory_space<hbm>> -> memref<2x128xi32, #tpu.memory_space<hbm>>
      %dma_wait3A_288 = tpu.memref_slice %arg12[%dma_wait3A_279] : memref<4x!tpu.dma_semaphore, #tpu.memory_space<semaphore_mem>> -> memref<1x!tpu.dma_semaphore, #tpu.memory_space<semaphore_mem>>
      %dma_wait3A_289 = tpu.memref_squeeze %dma_wait3A_288 : memref<1x!tpu.dma_semaphore, #tpu.memory_space<semaphore_mem>> -> memref<!tpu.dma_semaphore, #tpu.memory_space<semaphore_mem>>
      %dma_wait3A_290 = arith.constant 0 : i32
      %dma_wait3A_291 = arith.constant 0 : i32
      %dma_wait3A_292 = tpu.memref_slice %arg6[%dma_wait3A_278, %dma_wait3A_290, %dma_wait3A_291] : memref<4x2x128xi32, #tpu.memory_space<vmem>> -> memref<1x2x128xi32, #tpu.memory_space<vmem>>
      %dma_wait3A_293 = tpu.memref_squeeze %dma_wait3A_292 : memref<1x2x128xi32, #tpu.memory_space<vmem>> -> memref<2x128xi32, #tpu.memory_space<vmem>>
      %dma_wait3A_294 = arith.constant 0 : i32
      %dma_wait3A_295 = arith.constant 0 : i32
      %dma_wait3A_296 = tpu.memref_slice %arg3[%dma_wait3A_277, %dma_wait3A_294, %dma_wait3A_295] : memref<2562x2x128xi32, #tpu.memory_space<hbm>> -> memref<1x2x128xi32, #tpu.memory_space<hbm>>
      %dma_wait3A_297 = tpu.memref_squeeze %dma_wait3A_296 : memref<1x2x128xi32, #tpu.memory_space<hbm>> -> memref<2x128xi32, #tpu.memory_space<hbm>>
      tpu.wait_dma2 semaphore(%dma_wait3A_289 : memref<!tpu.dma_semaphore, #tpu.memory_space<semaphore_mem>>) src(%dma_wait3A_297 : memref<2x128xi32, #tpu.memory_space<hbm>>) dst(%dma_wait3A_293 : memref<2x128xi32, #tpu.memory_space<vmem>>)
      %add3A_298 = arith.addi %mul3A_2, %add3A_216 : i32
      %add3A_299 = arith.constant 1 : i32
      %add3A_300 = arith.addi %add3A_298, %add3A_299 : i32
      %dma_start3A_301 = arith.constant 2 : i32
      %dma_start3A_302 = arith.constant 0 : i32
      %dma_start3A_303 = arith.constant 2 : i32
      %dma_start3A_304 = arith.constant 2 : i32
      %dma_start3A_305 = arith.constant 0 : i32
      %dma_start3A_306 = arith.constant 0 : i32
      %dma_start3A_307 = tpu.memref_slice %arg7[%dma_start3A_303, %dma_start3A_305, %dma_start3A_306] : memref<4x128x64xf32, #tpu.memory_space<vmem>> -> memref<1x128x64xf32, #tpu.memory_space<vmem>>
      %dma_start3A_308 = tpu.memref_squeeze %dma_start3A_307 : memref<1x128x64xf32, #tpu.memory_space<vmem>> -> memref<128x64xf32, #tpu.memory_space<vmem>>
      %dma_start3A_309 = arith.constant 0 : i32
      %dma_start3A_310 = tpu.memref_slice %arg6[%dma_start3A_301, %dma_start3A_302, %dma_start3A_309] : memref<4x2x128xi32, #tpu.memory_space<vmem>> -> memref<1x1x128xi32, #tpu.memory_space<vmem>>
      %dma_start3A_311 = tpu.memref_squeeze %dma_start3A_310 : memref<1x1x128xi32, #tpu.memory_space<vmem>> -> memref<128xi32, #tpu.memory_space<vmem>>
      %dma_start3A_312 = arith.constant 0 : i32
      %dma_start3A_313 = arith.constant 0 : i32
      %dma_start3A_314 = tpu.memref_slice %arg8[%dma_start3A_312, %dma_start3A_313] : memref<10240x64xf32, #tpu.memory_space<vmem_shared>> -> memref<10240x64xf32, #tpu.memory_space<vmem_shared>>
      %dma_start3A_315 = tpu.memref_slice %arg10[%dma_start3A_304] : memref<4x!tpu.dma_semaphore, #tpu.memory_space<semaphore_mem>> -> memref<1x!tpu.dma_semaphore, #tpu.memory_space<semaphore_mem>>
      %dma_start3A_316 = tpu.memref_squeeze %dma_start3A_315 : memref<1x!tpu.dma_semaphore, #tpu.memory_space<semaphore_mem>> -> memref<!tpu.dma_semaphore, #tpu.memory_space<semaphore_mem>>
      tpu.enqueue_indirect_dma source(%dma_start3A_314 : memref<10240x64xf32, #tpu.memory_space<vmem_shared>>) target(%dma_start3A_308 : memref<128x64xf32, #tpu.memory_space<vmem>>) offsets(%dma_start3A_311 : memref<128xi32, #tpu.memory_space<vmem>>) semaphore(%dma_start3A_316 : memref<!tpu.dma_semaphore, #tpu.memory_space<semaphore_mem>>)
      %add3A_317 = arith.constant 2 : i32
      %add3A_318 = arith.addi %mul3A_115, %add3A_317 : i32
      %dma_wait3A_319 = arith.constant 2 : i32
      %dma_wait3A_320 = arith.constant 0 : i32
      %dma_wait3A_321 = arith.constant 2 : i32
      %dma_wait3A_322 = arith.constant 2 : i32
      %dma_wait3A_323 = arith.constant 0 : i32
      %dma_wait3A_324 = arith.constant 0 : i32
      %dma_wait3A_325 = tpu.memref_slice %arg7[%dma_wait3A_321, %dma_wait3A_323, %dma_wait3A_324] : memref<4x128x64xf32, #tpu.memory_space<vmem>> -> memref<1x128x64xf32, #tpu.memory_space<vmem>>
      %dma_wait3A_326 = tpu.memref_squeeze %dma_wait3A_325 : memref<1x128x64xf32, #tpu.memory_space<vmem>> -> memref<128x64xf32, #tpu.memory_space<vmem>>
      %dma_wait3A_327 = arith.constant 0 : i32
      %dma_wait3A_328 = tpu.memref_slice %arg6[%dma_wait3A_319, %dma_wait3A_320, %dma_wait3A_327] : memref<4x2x128xi32, #tpu.memory_space<vmem>> -> memref<1x1x128xi32, #tpu.memory_space<vmem>>
      %dma_wait3A_329 = tpu.memref_squeeze %dma_wait3A_328 : memref<1x1x128xi32, #tpu.memory_space<vmem>> -> memref<128xi32, #tpu.memory_space<vmem>>
      %dma_wait3A_330 = arith.constant 0 : i32
      %dma_wait3A_331 = arith.constant 0 : i32
      %dma_wait3A_332 = tpu.memref_slice %arg8[%dma_wait3A_330, %dma_wait3A_331] : memref<10240x64xf32, #tpu.memory_space<vmem_shared>> -> memref<10240x64xf32, #tpu.memory_space<vmem_shared>>
      %dma_wait3A_333 = tpu.memref_slice %arg10[%dma_wait3A_322] : memref<4x!tpu.dma_semaphore, #tpu.memory_space<semaphore_mem>> -> memref<1x!tpu.dma_semaphore, #tpu.memory_space<semaphore_mem>>
      %dma_wait3A_334 = tpu.memref_squeeze %dma_wait3A_333 : memref<1x!tpu.dma_semaphore, #tpu.memory_space<semaphore_mem>> -> memref<!tpu.dma_semaphore, #tpu.memory_space<semaphore_mem>>
      tpu.wait_indirect_dma semaphore(%dma_wait3A_334 : memref<!tpu.dma_semaphore, #tpu.memory_space<semaphore_mem>>) src(%dma_wait3A_332 : memref<10240x64xf32, #tpu.memory_space<vmem_shared>>) dst(%dma_wait3A_326 : memref<128x64xf32, #tpu.memory_space<vmem>>)
      %dma_start3A_335 = arith.constant 2 : i32
      %dma_start3A_336 = arith.constant 2 : i32
      %dma_start3A_337 = arith.constant 1 : i32
      %dma_start3A_338 = arith.constant 2 : i32
      %dma_start3A_339 = arith.constant 0 : i32
      %dma_start3A_340 = arith.constant 0 : i32
      %dma_start3A_341 = tpu.memref_slice %arg7[%dma_start3A_335, %dma_start3A_339, %dma_start3A_340] : memref<4x128x64xf32, #tpu.memory_space<vmem>> -> memref<1x128x64xf32, #tpu.memory_space<vmem>>
      %dma_start3A_342 = tpu.memref_squeeze %dma_start3A_341 : memref<1x128x64xf32, #tpu.memory_space<vmem>> -> memref<128x64xf32, #tpu.memory_space<vmem>>
      %dma_start3A_343 = arith.constant 0 : i32
      %dma_start3A_344 = tpu.memref_slice %arg6[%dma_start3A_336, %dma_start3A_337, %dma_start3A_343] : memref<4x2x128xi32, #tpu.memory_space<vmem>> -> memref<1x1x128xi32, #tpu.memory_space<vmem>>
      %dma_start3A_345 = tpu.memref_squeeze %dma_start3A_344 : memref<1x1x128xi32, #tpu.memory_space<vmem>> -> memref<128xi32, #tpu.memory_space<vmem>>
      %dma_start3A_346 = arith.constant 0 : i32
      %dma_start3A_347 = arith.constant 0 : i32
      %dma_start3A_348 = tpu.memref_slice %arg9[%dma_start3A_346, %dma_start3A_347] : memref<10240x64xf32, #tpu.memory_space<vmem_shared>> -> memref<10240x64xf32, #tpu.memory_space<vmem_shared>>
      %dma_start3A_349 = tpu.memref_slice %arg11[%dma_start3A_338] : memref<4x!tpu.dma_semaphore, #tpu.memory_space<semaphore_mem>> -> memref<1x!tpu.dma_semaphore, #tpu.memory_space<semaphore_mem>>
      %dma_start3A_350 = tpu.memref_squeeze %dma_start3A_349 : memref<1x!tpu.dma_semaphore, #tpu.memory_space<semaphore_mem>> -> memref<!tpu.dma_semaphore, #tpu.memory_space<semaphore_mem>>
      tpu.enqueue_indirect_dma source(%dma_start3A_342 : memref<128x64xf32, #tpu.memory_space<vmem>>) target(%dma_start3A_348 : memref<10240x64xf32, #tpu.memory_space<vmem_shared>>) offsets(%dma_start3A_345 : memref<128xi32, #tpu.memory_space<vmem>>) semaphore(%dma_start3A_350 : memref<!tpu.dma_semaphore, #tpu.memory_space<semaphore_mem>>) {add = true}
      %dma_wait3A_351 = arith.constant 0 : i32
      %dma_wait3A_352 = arith.constant 0 : i32
      %dma_wait3A_353 = arith.constant 1 : i32
      %dma_wait3A_354 = arith.constant 0 : i32
      %dma_wait3A_355 = arith.constant 0 : i32
      %dma_wait3A_356 = arith.constant 0 : i32
      %dma_wait3A_357 = tpu.memref_slice %arg7[%dma_wait3A_351, %dma_wait3A_355, %dma_wait3A_356] : memref<4x128x64xf32, #tpu.memory_space<vmem>> -> memref<1x128x64xf32, #tpu.memory_space<vmem>>
      %dma_wait3A_358 = tpu.memref_squeeze %dma_wait3A_357 : memref<1x128x64xf32, #tpu.memory_space<vmem>> -> memref<128x64xf32, #tpu.memory_space<vmem>>
      %dma_wait3A_359 = arith.constant 0 : i32
      %dma_wait3A_360 = tpu.memref_slice %arg6[%dma_wait3A_352, %dma_wait3A_353, %dma_wait3A_359] : memref<4x2x128xi32, #tpu.memory_space<vmem>> -> memref<1x1x128xi32, #tpu.memory_space<vmem>>
      %dma_wait3A_361 = tpu.memref_squeeze %dma_wait3A_360 : memref<1x1x128xi32, #tpu.memory_space<vmem>> -> memref<128xi32, #tpu.memory_space<vmem>>
      %dma_wait3A_362 = arith.constant 0 : i32
      %dma_wait3A_363 = arith.constant 0 : i32
      %dma_wait3A_364 = tpu.memref_slice %arg9[%dma_wait3A_362, %dma_wait3A_363] : memref<10240x64xf32, #tpu.memory_space<vmem_shared>> -> memref<10240x64xf32, #tpu.memory_space<vmem_shared>>
      %dma_wait3A_365 = tpu.memref_slice %arg11[%dma_wait3A_354] : memref<4x!tpu.dma_semaphore, #tpu.memory_space<semaphore_mem>> -> memref<1x!tpu.dma_semaphore, #tpu.memory_space<semaphore_mem>>
      %dma_wait3A_366 = tpu.memref_squeeze %dma_wait3A_365 : memref<1x!tpu.dma_semaphore, #tpu.memory_space<semaphore_mem>> -> memref<!tpu.dma_semaphore, #tpu.memory_space<semaphore_mem>>
      tpu.wait_indirect_dma semaphore(%dma_wait3A_366 : memref<!tpu.dma_semaphore, #tpu.memory_space<semaphore_mem>>) src(%dma_wait3A_358 : memref<128x64xf32, #tpu.memory_space<vmem>>) dst(%dma_wait3A_364 : memref<10240x64xf32, #tpu.memory_space<vmem_shared>>)
      %add3A_367 = arith.addi %mul3A_2, %add3A_318 : i32
      %add3A_368 = arith.constant 2 : i32
      %add3A_369 = arith.addi %add3A_367, %add3A_368 : i32
      %dma_start3A_370 = arith.constant 0 : i32
      %dma_start3A_371 = arith.constant 0 : i32
      %dma_start3A_372 = arith.constant 0 : i32
      %dma_start3A_373 = arith.constant 0 : i32
      %dma_start3A_374 = tpu.memref_slice %arg6[%dma_start3A_370, %dma_start3A_372, %dma_start3A_373] : memref<4x2x128xi32, #tpu.memory_space<vmem>> -> memref<1x2x128xi32, #tpu.memory_space<vmem>>
      %dma_start3A_375 = tpu.memref_squeeze %dma_start3A_374 : memref<1x2x128xi32, #tpu.memory_space<vmem>> -> memref<2x128xi32, #tpu.memory_space<vmem>>
      %dma_start3A_376 = arith.constant 0 : i32
      %dma_start3A_377 = arith.constant 0 : i32
      %dma_start3A_378 = tpu.memref_slice %arg3[%add3A_369, %dma_start3A_376, %dma_start3A_377] : memref<2562x2x128xi32, #tpu.memory_space<hbm>> -> memref<1x2x128xi32, #tpu.memory_space<hbm>>
      %dma_start3A_379 = tpu.memref_squeeze %dma_start3A_378 : memref<1x2x128xi32, #tpu.memory_space<hbm>> -> memref<2x128xi32, #tpu.memory_space<hbm>>
      %dma_start3A_380 = tpu.memref_slice %arg12[%dma_start3A_371] : memref<4x!tpu.dma_semaphore, #tpu.memory_space<semaphore_mem>> -> memref<1x!tpu.dma_semaphore, #tpu.memory_space<semaphore_mem>>
      %dma_start3A_381 = tpu.memref_squeeze %dma_start3A_380 : memref<1x!tpu.dma_semaphore, #tpu.memory_space<semaphore_mem>> -> memref<!tpu.dma_semaphore, #tpu.memory_space<semaphore_mem>>
      %dma_start3A_382 = arith.constant 0 : i32
      %dma_start3A_383 = arith.constant 0 : i32
      %dma_start3A_384 = tpu.memref_slice %arg6[%dma_start3A_370, %dma_start3A_382, %dma_start3A_383] : memref<4x2x128xi32, #tpu.memory_space<vmem>> -> memref<1x2x128xi32, #tpu.memory_space<vmem>>
      %dma_start3A_385 = tpu.memref_squeeze %dma_start3A_384 : memref<1x2x128xi32, #tpu.memory_space<vmem>> -> memref<2x128xi32, #tpu.memory_space<vmem>>
      %dma_start3A_386 = arith.constant 0 : i32
      %dma_start3A_387 = arith.constant 0 : i32
      %dma_start3A_388 = tpu.memref_slice %arg3[%add3A_369, %dma_start3A_386, %dma_start3A_387] : memref<2562x2x128xi32, #tpu.memory_space<hbm>> -> memref<1x2x128xi32, #tpu.memory_space<hbm>>
      %dma_start3A_389 = tpu.memref_squeeze %dma_start3A_388 : memref<1x2x128xi32, #tpu.memory_space<hbm>> -> memref<2x128xi32, #tpu.memory_space<hbm>>
      tpu.enqueue_dma source(%dma_start3A_389 : memref<2x128xi32, #tpu.memory_space<hbm>>) target(%dma_start3A_385 : memref<2x128xi32, #tpu.memory_space<vmem>>) target_semaphore(%dma_start3A_381 : memref<!tpu.dma_semaphore, #tpu.memory_space<semaphore_mem>>)
      %dma_wait3A_390 = arith.constant 0 : i32
      %dma_wait3A_391 = arith.constant 3 : i32
      %dma_wait3A_392 = arith.constant 3 : i32
      %dma_wait3A_393 = arith.constant 0 : i32
      %dma_wait3A_394 = arith.constant 0 : i32
      %dma_wait3A_395 = tpu.memref_slice %arg6[%dma_wait3A_391, %dma_wait3A_393, %dma_wait3A_394] : memref<4x2x128xi32, #tpu.memory_space<vmem>> -> memref<1x2x128xi32, #tpu.memory_space<vmem>>
      %dma_wait3A_396 = tpu.memref_squeeze %dma_wait3A_395 : memref<1x2x128xi32, #tpu.memory_space<vmem>> -> memref<2x128xi32, #tpu.memory_space<vmem>>
      %dma_wait3A_397 = arith.constant 0 : i32
      %dma_wait3A_398 = arith.constant 0 : i32
      %dma_wait3A_399 = tpu.memref_slice %arg3[%dma_wait3A_390, %dma_wait3A_397, %dma_wait3A_398] : memref<2562x2x128xi32, #tpu.memory_space<hbm>> -> memref<1x2x128xi32, #tpu.memory_space<hbm>>
      %dma_wait3A_400 = tpu.memref_squeeze %dma_wait3A_399 : memref<1x2x128xi32, #tpu.memory_space<hbm>> -> memref<2x128xi32, #tpu.memory_space<hbm>>
      %dma_wait3A_401 = tpu.memref_slice %arg12[%dma_wait3A_392] : memref<4x!tpu.dma_semaphore, #tpu.memory_space<semaphore_mem>> -> memref<1x!tpu.dma_semaphore, #tpu.memory_space<semaphore_mem>>
      %dma_wait3A_402 = tpu.memref_squeeze %dma_wait3A_401 : memref<1x!tpu.dma_semaphore, #tpu.memory_space<semaphore_mem>> -> memref<!tpu.dma_semaphore, #tpu.memory_space<semaphore_mem>>
      %dma_wait3A_403 = arith.constant 0 : i32
      %dma_wait3A_404 = arith.constant 0 : i32
      %dma_wait3A_405 = tpu.memref_slice %arg6[%dma_wait3A_391, %dma_wait3A_403, %dma_wait3A_404] : memref<4x2x128xi32, #tpu.memory_space<vmem>> -> memref<1x2x128xi32, #tpu.memory_space<vmem>>
      %dma_wait3A_406 = tpu.memref_squeeze %dma_wait3A_405 : memref<1x2x128xi32, #tpu.memory_space<vmem>> -> memref<2x128xi32, #tpu.memory_space<vmem>>
      %dma_wait3A_407 = arith.constant 0 : i32
      %dma_wait3A_408 = arith.constant 0 : i32
      %dma_wait3A_409 = tpu.memref_slice %arg3[%dma_wait3A_390, %dma_wait3A_407, %dma_wait3A_408] : memref<2562x2x128xi32, #tpu.memory_space<hbm>> -> memref<1x2x128xi32, #tpu.memory_space<hbm>>
      %dma_wait3A_410 = tpu.memref_squeeze %dma_wait3A_409 : memref<1x2x128xi32, #tpu.memory_space<hbm>> -> memref<2x128xi32, #tpu.memory_space<hbm>>
      tpu.wait_dma2 semaphore(%dma_wait3A_402 : memref<!tpu.dma_semaphore, #tpu.memory_space<semaphore_mem>>) src(%dma_wait3A_410 : memref<2x128xi32, #tpu.memory_space<hbm>>) dst(%dma_wait3A_406 : memref<2x128xi32, #tpu.memory_space<vmem>>)
      %add3A_411 = arith.addi %mul3A_2, %add3A_318 : i32
      %add3A_412 = arith.constant 1 : i32
      %add3A_413 = arith.addi %add3A_411, %add3A_412 : i32
      %dma_start3A_414 = arith.constant 3 : i32
      %dma_start3A_415 = arith.constant 0 : i32
      %dma_start3A_416 = arith.constant 3 : i32
      %dma_start3A_417 = arith.constant 3 : i32
      %dma_start3A_418 = arith.constant 0 : i32
      %dma_start3A_419 = arith.constant 0 : i32
      %dma_start3A_420 = tpu.memref_slice %arg7[%dma_start3A_416, %dma_start3A_418, %dma_start3A_419] : memref<4x128x64xf32, #tpu.memory_space<vmem>> -> memref<1x128x64xf32, #tpu.memory_space<vmem>>
      %dma_start3A_421 = tpu.memref_squeeze %dma_start3A_420 : memref<1x128x64xf32, #tpu.memory_space<vmem>> -> memref<128x64xf32, #tpu.memory_space<vmem>>
      %dma_start3A_422 = arith.constant 0 : i32
      %dma_start3A_423 = tpu.memref_slice %arg6[%dma_start3A_414, %dma_start3A_415, %dma_start3A_422] : memref<4x2x128xi32, #tpu.memory_space<vmem>> -> memref<1x1x128xi32, #tpu.memory_space<vmem>>
      %dma_start3A_424 = tpu.memref_squeeze %dma_start3A_423 : memref<1x1x128xi32, #tpu.memory_space<vmem>> -> memref<128xi32, #tpu.memory_space<vmem>>
      %dma_start3A_425 = arith.constant 0 : i32
      %dma_start3A_426 = arith.constant 0 : i32
      %dma_start3A_427 = tpu.memref_slice %arg8[%dma_start3A_425, %dma_start3A_426] : memref<10240x64xf32, #tpu.memory_space<vmem_shared>> -> memref<10240x64xf32, #tpu.memory_space<vmem_shared>>
      %dma_start3A_428 = tpu.memref_slice %arg10[%dma_start3A_417] : memref<4x!tpu.dma_semaphore, #tpu.memory_space<semaphore_mem>> -> memref<1x!tpu.dma_semaphore, #tpu.memory_space<semaphore_mem>>
      %dma_start3A_429 = tpu.memref_squeeze %dma_start3A_428 : memref<1x!tpu.dma_semaphore, #tpu.memory_space<semaphore_mem>> -> memref<!tpu.dma_semaphore, #tpu.memory_space<semaphore_mem>>
      tpu.enqueue_indirect_dma source(%dma_start3A_427 : memref<10240x64xf32, #tpu.memory_space<vmem_shared>>) target(%dma_start3A_421 : memref<128x64xf32, #tpu.memory_space<vmem>>) offsets(%dma_start3A_424 : memref<128xi32, #tpu.memory_space<vmem>>) semaphore(%dma_start3A_429 : memref<!tpu.dma_semaphore, #tpu.memory_space<semaphore_mem>>)
      %add3A_430 = arith.constant 3 : i32
      %add3A_431 = arith.addi %mul3A_115, %add3A_430 : i32
      %dma_wait3A_432 = arith.constant 3 : i32
      %dma_wait3A_433 = arith.constant 0 : i32
      %dma_wait3A_434 = arith.constant 3 : i32
      %dma_wait3A_435 = arith.constant 3 : i32
      %dma_wait3A_436 = arith.constant 0 : i32
      %dma_wait3A_437 = arith.constant 0 : i32
      %dma_wait3A_438 = tpu.memref_slice %arg7[%dma_wait3A_434, %dma_wait3A_436, %dma_wait3A_437] : memref<4x128x64xf32, #tpu.memory_space<vmem>> -> memref<1x128x64xf32, #tpu.memory_space<vmem>>
      %dma_wait3A_439 = tpu.memref_squeeze %dma_wait3A_438 : memref<1x128x64xf32, #tpu.memory_space<vmem>> -> memref<128x64xf32, #tpu.memory_space<vmem>>
      %dma_wait3A_440 = arith.constant 0 : i32
      %dma_wait3A_441 = tpu.memref_slice %arg6[%dma_wait3A_432, %dma_wait3A_433, %dma_wait3A_440] : memref<4x2x128xi32, #tpu.memory_space<vmem>> -> memref<1x1x128xi32, #tpu.memory_space<vmem>>
      %dma_wait3A_442 = tpu.memref_squeeze %dma_wait3A_441 : memref<1x1x128xi32, #tpu.memory_space<vmem>> -> memref<128xi32, #tpu.memory_space<vmem>>
      %dma_wait3A_443 = arith.constant 0 : i32
      %dma_wait3A_444 = arith.constant 0 : i32
      %dma_wait3A_445 = tpu.memref_slice %arg8[%dma_wait3A_443, %dma_wait3A_444] : memref<10240x64xf32, #tpu.memory_space<vmem_shared>> -> memref<10240x64xf32, #tpu.memory_space<vmem_shared>>
      %dma_wait3A_446 = tpu.memref_slice %arg10[%dma_wait3A_435] : memref<4x!tpu.dma_semaphore, #tpu.memory_space<semaphore_mem>> -> memref<1x!tpu.dma_semaphore, #tpu.memory_space<semaphore_mem>>
      %dma_wait3A_447 = tpu.memref_squeeze %dma_wait3A_446 : memref<1x!tpu.dma_semaphore, #tpu.memory_space<semaphore_mem>> -> memref<!tpu.dma_semaphore, #tpu.memory_space<semaphore_mem>>
      tpu.wait_indirect_dma semaphore(%dma_wait3A_447 : memref<!tpu.dma_semaphore, #tpu.memory_space<semaphore_mem>>) src(%dma_wait3A_445 : memref<10240x64xf32, #tpu.memory_space<vmem_shared>>) dst(%dma_wait3A_439 : memref<128x64xf32, #tpu.memory_space<vmem>>)
      %dma_start3A_448 = arith.constant 3 : i32
      %dma_start3A_449 = arith.constant 3 : i32
      %dma_start3A_450 = arith.constant 1 : i32
      %dma_start3A_451 = arith.constant 3 : i32
      %dma_start3A_452 = arith.constant 0 : i32
      %dma_start3A_453 = arith.constant 0 : i32
      %dma_start3A_454 = tpu.memref_slice %arg7[%dma_start3A_448, %dma_start3A_452, %dma_start3A_453] : memref<4x128x64xf32, #tpu.memory_space<vmem>> -> memref<1x128x64xf32, #tpu.memory_space<vmem>>
      %dma_start3A_455 = tpu.memref_squeeze %dma_start3A_454 : memref<1x128x64xf32, #tpu.memory_space<vmem>> -> memref<128x64xf32, #tpu.memory_space<vmem>>
      %dma_start3A_456 = arith.constant 0 : i32
      %dma_start3A_457 = tpu.memref_slice %arg6[%dma_start3A_449, %dma_start3A_450, %dma_start3A_456] : memref<4x2x128xi32, #tpu.memory_space<vmem>> -> memref<1x1x128xi32, #tpu.memory_space<vmem>>
      %dma_start3A_458 = tpu.memref_squeeze %dma_start3A_457 : memref<1x1x128xi32, #tpu.memory_space<vmem>> -> memref<128xi32, #tpu.memory_space<vmem>>
      %dma_start3A_459 = arith.constant 0 : i32
      %dma_start3A_460 = arith.constant 0 : i32
      %dma_start3A_461 = tpu.memref_slice %arg9[%dma_start3A_459, %dma_start3A_460] : memref<10240x64xf32, #tpu.memory_space<vmem_shared>> -> memref<10240x64xf32, #tpu.memory_space<vmem_shared>>
      %dma_start3A_462 = tpu.memref_slice %arg11[%dma_start3A_451] : memref<4x!tpu.dma_semaphore, #tpu.memory_space<semaphore_mem>> -> memref<1x!tpu.dma_semaphore, #tpu.memory_space<semaphore_mem>>
      %dma_start3A_463 = tpu.memref_squeeze %dma_start3A_462 : memref<1x!tpu.dma_semaphore, #tpu.memory_space<semaphore_mem>> -> memref<!tpu.dma_semaphore, #tpu.memory_space<semaphore_mem>>
      tpu.enqueue_indirect_dma source(%dma_start3A_455 : memref<128x64xf32, #tpu.memory_space<vmem>>) target(%dma_start3A_461 : memref<10240x64xf32, #tpu.memory_space<vmem_shared>>) offsets(%dma_start3A_458 : memref<128xi32, #tpu.memory_space<vmem>>) semaphore(%dma_start3A_463 : memref<!tpu.dma_semaphore, #tpu.memory_space<semaphore_mem>>) {add = true}
      %dma_wait3A_464 = arith.constant 1 : i32
      %dma_wait3A_465 = arith.constant 1 : i32
      %dma_wait3A_466 = arith.constant 1 : i32
      %dma_wait3A_467 = arith.constant 1 : i32
      %dma_wait3A_468 = arith.constant 0 : i32
      %dma_wait3A_469 = arith.constant 0 : i32
      %dma_wait3A_470 = tpu.memref_slice %arg7[%dma_wait3A_464, %dma_wait3A_468, %dma_wait3A_469] : memref<4x128x64xf32, #tpu.memory_space<vmem>> -> memref<1x128x64xf32, #tpu.memory_space<vmem>>
      %dma_wait3A_471 = tpu.memref_squeeze %dma_wait3A_470 : memref<1x128x64xf32, #tpu.memory_space<vmem>> -> memref<128x64xf32, #tpu.memory_space<vmem>>
      %dma_wait3A_472 = arith.constant 0 : i32
      %dma_wait3A_473 = tpu.memref_slice %arg6[%dma_wait3A_465, %dma_wait3A_466, %dma_wait3A_472] : memref<4x2x128xi32, #tpu.memory_space<vmem>> -> memref<1x1x128xi32, #tpu.memory_space<vmem>>
      %dma_wait3A_474 = tpu.memref_squeeze %dma_wait3A_473 : memref<1x1x128xi32, #tpu.memory_space<vmem>> -> memref<128xi32, #tpu.memory_space<vmem>>
      %dma_wait3A_475 = arith.constant 0 : i32
      %dma_wait3A_476 = arith.constant 0 : i32
      %dma_wait3A_477 = tpu.memref_slice %arg9[%dma_wait3A_475, %dma_wait3A_476] : memref<10240x64xf32, #tpu.memory_space<vmem_shared>> -> memref<10240x64xf32, #tpu.memory_space<vmem_shared>>
      %dma_wait3A_478 = tpu.memref_slice %arg11[%dma_wait3A_467] : memref<4x!tpu.dma_semaphore, #tpu.memory_space<semaphore_mem>> -> memref<1x!tpu.dma_semaphore, #tpu.memory_space<semaphore_mem>>
      %dma_wait3A_479 = tpu.memref_squeeze %dma_wait3A_478 : memref<1x!tpu.dma_semaphore, #tpu.memory_space<semaphore_mem>> -> memref<!tpu.dma_semaphore, #tpu.memory_space<semaphore_mem>>
      tpu.wait_indirect_dma semaphore(%dma_wait3A_479 : memref<!tpu.dma_semaphore, #tpu.memory_space<semaphore_mem>>) src(%dma_wait3A_471 : memref<128x64xf32, #tpu.memory_space<vmem>>) dst(%dma_wait3A_477 : memref<10240x64xf32, #tpu.memory_space<vmem_shared>>)
      %add3A_480 = arith.addi %mul3A_2, %add3A_431 : i32
      %add3A_481 = arith.constant 2 : i32
      %add3A_482 = arith.addi %add3A_480, %add3A_481 : i32
      %dma_start3A_483 = arith.constant 1 : i32
      %dma_start3A_484 = arith.constant 1 : i32
      %dma_start3A_485 = arith.constant 0 : i32
      %dma_start3A_486 = arith.constant 0 : i32
      %dma_start3A_487 = tpu.memref_slice %arg6[%dma_start3A_483, %dma_start3A_485, %dma_start3A_486] : memref<4x2x128xi32, #tpu.memory_space<vmem>> -> memref<1x2x128xi32, #tpu.memory_space<vmem>>
      %dma_start3A_488 = tpu.memref_squeeze %dma_start3A_487 : memref<1x2x128xi32, #tpu.memory_space<vmem>> -> memref<2x128xi32, #tpu.memory_space<vmem>>
      %dma_start3A_489 = arith.constant 0 : i32
      %dma_start3A_490 = arith.constant 0 : i32
      %dma_start3A_491 = tpu.memref_slice %arg3[%add3A_482, %dma_start3A_489, %dma_start3A_490] : memref<2562x2x128xi32, #tpu.memory_space<hbm>> -> memref<1x2x128xi32, #tpu.memory_space<hbm>>
      %dma_start3A_492 = tpu.memref_squeeze %dma_start3A_491 : memref<1x2x128xi32, #tpu.memory_space<hbm>> -> memref<2x128xi32, #tpu.memory_space<hbm>>
      %dma_start3A_493 = tpu.memref_slice %arg12[%dma_start3A_484] : memref<4x!tpu.dma_semaphore, #tpu.memory_space<semaphore_mem>> -> memref<1x!tpu.dma_semaphore, #tpu.memory_space<semaphore_mem>>
      %dma_start3A_494 = tpu.memref_squeeze %dma_start3A_493 : memref<1x!tpu.dma_semaphore, #tpu.memory_space<semaphore_mem>> -> memref<!tpu.dma_semaphore, #tpu.memory_space<semaphore_mem>>
      %dma_start3A_495 = arith.constant 0 : i32
      %dma_start3A_496 = arith.constant 0 : i32
      %dma_start3A_497 = tpu.memref_slice %arg6[%dma_start3A_483, %dma_start3A_495, %dma_start3A_496] : memref<4x2x128xi32, #tpu.memory_space<vmem>> -> memref<1x2x128xi32, #tpu.memory_space<vmem>>
      %dma_start3A_498 = tpu.memref_squeeze %dma_start3A_497 : memref<1x2x128xi32, #tpu.memory_space<vmem>> -> memref<2x128xi32, #tpu.memory_space<vmem>>
      %dma_start3A_499 = arith.constant 0 : i32
      %dma_start3A_500 = arith.constant 0 : i32
      %dma_start3A_501 = tpu.memref_slice %arg3[%add3A_482, %dma_start3A_499, %dma_start3A_500] : memref<2562x2x128xi32, #tpu.memory_space<hbm>> -> memref<1x2x128xi32, #tpu.memory_space<hbm>>
      %dma_start3A_502 = tpu.memref_squeeze %dma_start3A_501 : memref<1x2x128xi32, #tpu.memory_space<hbm>> -> memref<2x128xi32, #tpu.memory_space<hbm>>
      tpu.enqueue_dma source(%dma_start3A_502 : memref<2x128xi32, #tpu.memory_space<hbm>>) target(%dma_start3A_498 : memref<2x128xi32, #tpu.memory_space<vmem>>) target_semaphore(%dma_start3A_494 : memref<!tpu.dma_semaphore, #tpu.memory_space<semaphore_mem>>)
      %dma_wait3A_503 = arith.constant 0 : i32
      %dma_wait3A_504 = arith.constant 0 : i32
      %dma_wait3A_505 = arith.constant 0 : i32
      %dma_wait3A_506 = arith.constant 0 : i32
      %dma_wait3A_507 = arith.constant 0 : i32
      %dma_wait3A_508 = tpu.memref_slice %arg6[%dma_wait3A_504, %dma_wait3A_506, %dma_wait3A_507] : memref<4x2x128xi32, #tpu.memory_space<vmem>> -> memref<1x2x128xi32, #tpu.memory_space<vmem>>
      %dma_wait3A_509 = tpu.memref_squeeze %dma_wait3A_508 : memref<1x2x128xi32, #tpu.memory_space<vmem>> -> memref<2x128xi32, #tpu.memory_space<vmem>>
      %dma_wait3A_510 = arith.constant 0 : i32
      %dma_wait3A_511 = arith.constant 0 : i32
      %dma_wait3A_512 = tpu.memref_slice %arg3[%dma_wait3A_503, %dma_wait3A_510, %dma_wait3A_511] : memref<2562x2x128xi32, #tpu.memory_space<hbm>> -> memref<1x2x128xi32, #tpu.memory_space<hbm>>
      %dma_wait3A_513 = tpu.memref_squeeze %dma_wait3A_512 : memref<1x2x128xi32, #tpu.memory_space<hbm>> -> memref<2x128xi32, #tpu.memory_space<hbm>>
      %dma_wait3A_514 = tpu.memref_slice %arg12[%dma_wait3A_505] : memref<4x!tpu.dma_semaphore, #tpu.memory_space<semaphore_mem>> -> memref<1x!tpu.dma_semaphore, #tpu.memory_space<semaphore_mem>>
      %dma_wait3A_515 = tpu.memref_squeeze %dma_wait3A_514 : memref<1x!tpu.dma_semaphore, #tpu.memory_space<semaphore_mem>> -> memref<!tpu.dma_semaphore, #tpu.memory_space<semaphore_mem>>
      %dma_wait3A_516 = arith.constant 0 : i32
      %dma_wait3A_517 = arith.constant 0 : i32
      %dma_wait3A_518 = tpu.memref_slice %arg6[%dma_wait3A_504, %dma_wait3A_516, %dma_wait3A_517] : memref<4x2x128xi32, #tpu.memory_space<vmem>> -> memref<1x2x128xi32, #tpu.memory_space<vmem>>
      %dma_wait3A_519 = tpu.memref_squeeze %dma_wait3A_518 : memref<1x2x128xi32, #tpu.memory_space<vmem>> -> memref<2x128xi32, #tpu.memory_space<vmem>>
      %dma_wait3A_520 = arith.constant 0 : i32
      %dma_wait3A_521 = arith.constant 0 : i32
      %dma_wait3A_522 = tpu.memref_slice %arg3[%dma_wait3A_503, %dma_wait3A_520, %dma_wait3A_521] : memref<2562x2x128xi32, #tpu.memory_space<hbm>> -> memref<1x2x128xi32, #tpu.memory_space<hbm>>
      %dma_wait3A_523 = tpu.memref_squeeze %dma_wait3A_522 : memref<1x2x128xi32, #tpu.memory_space<hbm>> -> memref<2x128xi32, #tpu.memory_space<hbm>>
      tpu.wait_dma2 semaphore(%dma_wait3A_515 : memref<!tpu.dma_semaphore, #tpu.memory_space<semaphore_mem>>) src(%dma_wait3A_523 : memref<2x128xi32, #tpu.memory_space<hbm>>) dst(%dma_wait3A_519 : memref<2x128xi32, #tpu.memory_space<vmem>>)
      %add3A_524 = arith.addi %mul3A_2, %add3A_431 : i32
      %add3A_525 = arith.constant 1 : i32
      %add3A_526 = arith.addi %add3A_524, %add3A_525 : i32
      %dma_start3A_527 = arith.constant 0 : i32
      %dma_start3A_528 = arith.constant 0 : i32
      %dma_start3A_529 = arith.constant 0 : i32
      %dma_start3A_530 = arith.constant 0 : i32
      %dma_start3A_531 = arith.constant 0 : i32
      %dma_start3A_532 = arith.constant 0 : i32
      %dma_start3A_533 = tpu.memref_slice %arg7[%dma_start3A_529, %dma_start3A_531, %dma_start3A_532] : memref<4x128x64xf32, #tpu.memory_space<vmem>> -> memref<1x128x64xf32, #tpu.memory_space<vmem>>
      %dma_start3A_534 = tpu.memref_squeeze %dma_start3A_533 : memref<1x128x64xf32, #tpu.memory_space<vmem>> -> memref<128x64xf32, #tpu.memory_space<vmem>>
      %dma_start3A_535 = arith.constant 0 : i32
      %dma_start3A_536 = tpu.memref_slice %arg6[%dma_start3A_527, %dma_start3A_528, %dma_start3A_535] : memref<4x2x128xi32, #tpu.memory_space<vmem>> -> memref<1x1x128xi32, #tpu.memory_space<vmem>>
      %dma_start3A_537 = tpu.memref_squeeze %dma_start3A_536 : memref<1x1x128xi32, #tpu.memory_space<vmem>> -> memref<128xi32, #tpu.memory_space<vmem>>
      %dma_start3A_538 = arith.constant 0 : i32
      %dma_start3A_539 = arith.constant 0 : i32
      %dma_start3A_540 = tpu.memref_slice %arg8[%dma_start3A_538, %dma_start3A_539] : memref<10240x64xf32, #tpu.memory_space<vmem_shared>> -> memref<10240x64xf32, #tpu.memory_space<vmem_shared>>
      %dma_start3A_541 = tpu.memref_slice %arg10[%dma_start3A_530] : memref<4x!tpu.dma_semaphore, #tpu.memory_space<semaphore_mem>> -> memref<1x!tpu.dma_semaphore, #tpu.memory_space<semaphore_mem>>
      %dma_start3A_542 = tpu.memref_squeeze %dma_start3A_541 : memref<1x!tpu.dma_semaphore, #tpu.memory_space<semaphore_mem>> -> memref<!tpu.dma_semaphore, #tpu.memory_space<semaphore_mem>>
      tpu.enqueue_indirect_dma source(%dma_start3A_540 : memref<10240x64xf32, #tpu.memory_space<vmem_shared>>) target(%dma_start3A_534 : memref<128x64xf32, #tpu.memory_space<vmem>>) offsets(%dma_start3A_537 : memref<128xi32, #tpu.memory_space<vmem>>) semaphore(%dma_start3A_542 : memref<!tpu.dma_semaphore, #tpu.memory_space<semaphore_mem>>)
    }
    %scan3A_43 = arith.constant 40 : i32
    %dma_wait3A = arith.constant 2 : i32
    %dma_wait3A_44 = arith.constant 2 : i32
    %dma_wait3A_45 = arith.constant 1 : i32
    %dma_wait3A_46 = arith.constant 2 : i32
    %dma_wait3A_47 = arith.constant 0 : i32
    %dma_wait3A_48 = arith.constant 0 : i32
    %dma_wait3A_49 = tpu.memref_slice %arg7[%dma_wait3A, %dma_wait3A_47, %dma_wait3A_48] : memref<4x128x64xf32, #tpu.memory_space<vmem>> -> memref<1x128x64xf32, #tpu.memory_space<vmem>>
    %dma_wait3A_50 = tpu.memref_squeeze %dma_wait3A_49 : memref<1x128x64xf32, #tpu.memory_space<vmem>> -> memref<128x64xf32, #tpu.memory_space<vmem>>
    %dma_wait3A_51 = arith.constant 0 : i32
    %dma_wait3A_52 = tpu.memref_slice %arg6[%dma_wait3A_44, %dma_wait3A_45, %dma_wait3A_51] : memref<4x2x128xi32, #tpu.memory_space<vmem>> -> memref<1x1x128xi32, #tpu.memory_space<vmem>>
    %dma_wait3A_53 = tpu.memref_squeeze %dma_wait3A_52 : memref<1x1x128xi32, #tpu.memory_space<vmem>> -> memref<128xi32, #tpu.memory_space<vmem>>
    %dma_wait3A_54 = arith.constant 0 : i32
    %dma_wait3A_55 = arith.constant 0 : i32
    %dma_wait3A_56 = tpu.memref_slice %arg9[%dma_wait3A_54, %dma_wait3A_55] : memref<10240x64xf32, #tpu.memory_space<vmem_shared>> -> memref<10240x64xf32, #tpu.memory_space<vmem_shared>>
    %dma_wait3A_57 = tpu.memref_slice %arg11[%dma_wait3A_46] : memref<4x!tpu.dma_semaphore, #tpu.memory_space<semaphore_mem>> -> memref<1x!tpu.dma_semaphore, #tpu.memory_space<semaphore_mem>>
    %dma_wait3A_58 = tpu.memref_squeeze %dma_wait3A_57 : memref<1x!tpu.dma_semaphore, #tpu.memory_space<semaphore_mem>> -> memref<!tpu.dma_semaphore, #tpu.memory_space<semaphore_mem>>
    tpu.wait_indirect_dma semaphore(%dma_wait3A_58 : memref<!tpu.dma_semaphore, #tpu.memory_space<semaphore_mem>>) src(%dma_wait3A_50 : memref<128x64xf32, #tpu.memory_space<vmem>>) dst(%dma_wait3A_56 : memref<10240x64xf32, #tpu.memory_space<vmem_shared>>)
    %dma_wait3A_59 = arith.constant 3 : i32
    %dma_wait3A_60 = arith.constant 3 : i32
    %dma_wait3A_61 = arith.constant 1 : i32
    %dma_wait3A_62 = arith.constant 3 : i32
    %dma_wait3A_63 = arith.constant 0 : i32
    %dma_wait3A_64 = arith.constant 0 : i32
    %dma_wait3A_65 = tpu.memref_slice %arg7[%dma_wait3A_59, %dma_wait3A_63, %dma_wait3A_64] : memref<4x128x64xf32, #tpu.memory_space<vmem>> -> memref<1x128x64xf32, #tpu.memory_space<vmem>>
    %dma_wait3A_66 = tpu.memref_squeeze %dma_wait3A_65 : memref<1x128x64xf32, #tpu.memory_space<vmem>> -> memref<128x64xf32, #tpu.memory_space<vmem>>
    %dma_wait3A_67 = arith.constant 0 : i32
    %dma_wait3A_68 = tpu.memref_slice %arg6[%dma_wait3A_60, %dma_wait3A_61, %dma_wait3A_67] : memref<4x2x128xi32, #tpu.memory_space<vmem>> -> memref<1x1x128xi32, #tpu.memory_space<vmem>>
    %dma_wait3A_69 = tpu.memref_squeeze %dma_wait3A_68 : memref<1x1x128xi32, #tpu.memory_space<vmem>> -> memref<128xi32, #tpu.memory_space<vmem>>
    %dma_wait3A_70 = arith.constant 0 : i32
    %dma_wait3A_71 = arith.constant 0 : i32
    %dma_wait3A_72 = tpu.memref_slice %arg9[%dma_wait3A_70, %dma_wait3A_71] : memref<10240x64xf32, #tpu.memory_space<vmem_shared>> -> memref<10240x64xf32, #tpu.memory_space<vmem_shared>>
    %dma_wait3A_73 = tpu.memref_slice %arg11[%dma_wait3A_62] : memref<4x!tpu.dma_semaphore, #tpu.memory_space<semaphore_mem>> -> memref<1x!tpu.dma_semaphore, #tpu.memory_space<semaphore_mem>>
    %dma_wait3A_74 = tpu.memref_squeeze %dma_wait3A_73 : memref<1x!tpu.dma_semaphore, #tpu.memory_space<semaphore_mem>> -> memref<!tpu.dma_semaphore, #tpu.memory_space<semaphore_mem>>
    tpu.wait_indirect_dma semaphore(%dma_wait3A_74 : memref<!tpu.dma_semaphore, #tpu.memory_space<semaphore_mem>>) src(%dma_wait3A_66 : memref<128x64xf32, #tpu.memory_space<vmem>>) dst(%dma_wait3A_72 : memref<10240x64xf32, #tpu.memory_space<vmem_shared>>)
    %dma_wait3A_75 = arith.constant 0 : i32
    %dma_wait3A_76 = arith.constant 0 : i32
    %dma_wait3A_77 = arith.constant 0 : i32
    %dma_wait3A_78 = arith.constant 0 : i32
    %dma_wait3A_79 = arith.constant 0 : i32
    %dma_wait3A_80 = arith.constant 0 : i32
    %dma_wait3A_81 = tpu.memref_slice %arg7[%dma_wait3A_77, %dma_wait3A_79, %dma_wait3A_80] : memref<4x128x64xf32, #tpu.memory_space<vmem>> -> memref<1x128x64xf32, #tpu.memory_space<vmem>>
    %dma_wait3A_82 = tpu.memref_squeeze %dma_wait3A_81 : memref<1x128x64xf32, #tpu.memory_space<vmem>> -> memref<128x64xf32, #tpu.memory_space<vmem>>
    %dma_wait3A_83 = arith.constant 0 : i32
    %dma_wait3A_84 = tpu.memref_slice %arg6[%dma_wait3A_75, %dma_wait3A_76, %dma_wait3A_83] : memref<4x2x128xi32, #tpu.memory_space<vmem>> -> memref<1x1x128xi32, #tpu.memory_space<vmem>>
    %dma_wait3A_85 = tpu.memref_squeeze %dma_wait3A_84 : memref<1x1x128xi32, #tpu.memory_space<vmem>> -> memref<128xi32, #tpu.memory_space<vmem>>
    %dma_wait3A_86 = arith.constant 0 : i32
    %dma_wait3A_87 = arith.constant 0 : i32
    %dma_wait3A_88 = tpu.memref_slice %arg8[%dma_wait3A_86, %dma_wait3A_87] : memref<10240x64xf32, #tpu.memory_space<vmem_shared>> -> memref<10240x64xf32, #tpu.memory_space<vmem_shared>>
    %dma_wait3A_89 = tpu.memref_slice %arg10[%dma_wait3A_78] : memref<4x!tpu.dma_semaphore, #tpu.memory_space<semaphore_mem>> -> memref<1x!tpu.dma_semaphore, #tpu.memory_space<semaphore_mem>>
    %dma_wait3A_90 = tpu.memref_squeeze %dma_wait3A_89 : memref<1x!tpu.dma_semaphore, #tpu.memory_space<semaphore_mem>> -> memref<!tpu.dma_semaphore, #tpu.memory_space<semaphore_mem>>
    tpu.wait_indirect_dma semaphore(%dma_wait3A_90 : memref<!tpu.dma_semaphore, #tpu.memory_space<semaphore_mem>>) src(%dma_wait3A_88 : memref<10240x64xf32, #tpu.memory_space<vmem_shared>>) dst(%dma_wait3A_82 : memref<128x64xf32, #tpu.memory_space<vmem>>)
    %dma_wait3A_91 = arith.constant 0 : i32
    %dma_wait3A_92 = arith.constant 1 : i32
    %dma_wait3A_93 = arith.constant 1 : i32
    %dma_wait3A_94 = arith.constant 0 : i32
    %dma_wait3A_95 = arith.constant 0 : i32
    %dma_wait3A_96 = tpu.memref_slice %arg6[%dma_wait3A_92, %dma_wait3A_94, %dma_wait3A_95] : memref<4x2x128xi32, #tpu.memory_space<vmem>> -> memref<1x2x128xi32, #tpu.memory_space<vmem>>
    %dma_wait3A_97 = tpu.memref_squeeze %dma_wait3A_96 : memref<1x2x128xi32, #tpu.memory_space<vmem>> -> memref<2x128xi32, #tpu.memory_space<vmem>>
    %dma_wait3A_98 = arith.constant 0 : i32
    %dma_wait3A_99 = arith.constant 0 : i32
    %dma_wait3A_100 = tpu.memref_slice %arg3[%dma_wait3A_91, %dma_wait3A_98, %dma_wait3A_99] : memref<2562x2x128xi32, #tpu.memory_space<hbm>> -> memref<1x2x128xi32, #tpu.memory_space<hbm>>
    %dma_wait3A_101 = tpu.memref_squeeze %dma_wait3A_100 : memref<1x2x128xi32, #tpu.memory_space<hbm>> -> memref<2x128xi32, #tpu.memory_space<hbm>>
    %dma_wait3A_102 = tpu.memref_slice %arg12[%dma_wait3A_93] : memref<4x!tpu.dma_semaphore, #tpu.memory_space<semaphore_mem>> -> memref<1x!tpu.dma_semaphore, #tpu.memory_space<semaphore_mem>>
    %dma_wait3A_103 = tpu.memref_squeeze %dma_wait3A_102 : memref<1x!tpu.dma_semaphore, #tpu.memory_space<semaphore_mem>> -> memref<!tpu.dma_semaphore, #tpu.memory_space<semaphore_mem>>
    %dma_wait3A_104 = arith.constant 0 : i32
    %dma_wait3A_105 = arith.constant 0 : i32
    %dma_wait3A_106 = tpu.memref_slice %arg6[%dma_wait3A_92, %dma_wait3A_104, %dma_wait3A_105] : memref<4x2x128xi32, #tpu.memory_space<vmem>> -> memref<1x2x128xi32, #tpu.memory_space<vmem>>
    %dma_wait3A_107 = tpu.memref_squeeze %dma_wait3A_106 : memref<1x2x128xi32, #tpu.memory_space<vmem>> -> memref<2x128xi32, #tpu.memory_space<vmem>>
    %dma_wait3A_108 = arith.constant 0 : i32
    %dma_wait3A_109 = arith.constant 0 : i32
    %dma_wait3A_110 = tpu.memref_slice %arg3[%dma_wait3A_91, %dma_wait3A_108, %dma_wait3A_109] : memref<2562x2x128xi32, #tpu.memory_space<hbm>> -> memref<1x2x128xi32, #tpu.memory_space<hbm>>
    %dma_wait3A_111 = tpu.memref_squeeze %dma_wait3A_110 : memref<1x2x128xi32, #tpu.memory_space<hbm>> -> memref<2x128xi32, #tpu.memory_space<hbm>>
    tpu.wait_dma2 semaphore(%dma_wait3A_103 : memref<!tpu.dma_semaphore, #tpu.memory_space<semaphore_mem>>) src(%dma_wait3A_111 : memref<2x128xi32, #tpu.memory_space<hbm>>) dst(%dma_wait3A_107 : memref<2x128xi32, #tpu.memory_space<vmem>>)
    %barrier3A_112 = arith.constant 0 : index
    tpu.barrier barrier_id(%barrier3A_112)
    "tpu.region"() ({
      %run_scoped3A_113 = tpu.sem_alloc : memref<!tpu.dma_semaphore, #tpu.memory_space<semaphore_mem>>
      %dma_start3A_114 = arith.constant 0 : i32
      %dma_start3A_115 = tpu.memref_slice %arg5[%arg0, %mul3A_0, %dma_start3A_114] : memref<2x10240x64xf32, #tpu.memory_space<hbm>> -> memref<1x640x64xf32, #tpu.memory_space<hbm>>
      %dma_start3A_116 = tpu.memref_squeeze %dma_start3A_115 : memref<1x640x64xf32, #tpu.memory_space<hbm>> -> memref<640x64xf32, #tpu.memory_space<hbm>>
      %dma_start3A_117 = arith.constant 0 : i32
      %dma_start3A_118 = tpu.memref_slice %arg9[%mul3A_0, %dma_start3A_117] : memref<10240x64xf32, #tpu.memory_space<vmem_shared>> -> memref<640x64xf32, #tpu.memory_space<vmem_shared>>
      tpu.enqueue_dma source(%dma_start3A_118 : memref<640x64xf32, #tpu.memory_space<vmem_shared>>) target(%dma_start3A_116 : memref<640x64xf32, #tpu.memory_space<hbm>>) target_semaphore(%run_scoped3A_113 : memref<!tpu.dma_semaphore, #tpu.memory_space<semaphore_mem>>)
      %dma_wait3A_119 = arith.constant 0 : i32
      %dma_wait3A_120 = tpu.memref_slice %arg5[%arg0, %mul3A_0, %dma_wait3A_119] : memref<2x10240x64xf32, #tpu.memory_space<hbm>> -> memref<1x640x64xf32, #tpu.memory_space<hbm>>
      %dma_wait3A_121 = tpu.memref_squeeze %dma_wait3A_120 : memref<1x640x64xf32, #tpu.memory_space<hbm>> -> memref<640x64xf32, #tpu.memory_space<hbm>>
      %dma_wait3A_122 = arith.constant 0 : i32
      %dma_wait3A_123 = tpu.memref_slice %arg9[%mul3A_0, %dma_wait3A_122] : memref<10240x64xf32, #tpu.memory_space<vmem_shared>> -> memref<640x64xf32, #tpu.memory_space<vmem_shared>>
      tpu.wait_dma2 semaphore(%run_scoped3A_113 : memref<!tpu.dma_semaphore, #tpu.memory_space<semaphore_mem>>) src(%dma_wait3A_123 : memref<640x64xf32, #tpu.memory_space<vmem_shared>>) dst(%dma_wait3A_121 : memref<640x64xf32, #tpu.memory_space<hbm>>)
      tpu.yield
    }) : () -> ()
    return
  }
}

#map = affine_map<(d0, d1) -> (0, 0, 0)>
#map1 = affine_map<(d0, d1) -> (0)>
module attributes {stable_mosaic.version = 14 : i64} {
  func.func @_sc_degrees(%arg0: i32, %arg1: i32, %arg2: memref<2562x2x128xi32, #tpu.memory_space<hbm>>, %arg3: memref<10240xf32, #tpu.memory_space<hbm>>, %arg4: memref<2x2x10240xf32, #tpu.memory_space<hbm>>, %arg5: memref<80x2x128xi32, #tpu.memory_space<vmem>>, %arg6: memref<128xf32, #tpu.memory_space<vmem>>, %arg7: memref<10240xf32, #tpu.memory_space<vmem_shared>>, %arg8: memref<10240xf32, #tpu.memory_space<vmem_shared>>, %arg9: memref<!tpu.dma_semaphore, #tpu.memory_space<semaphore_mem>>) attributes {dimension_semantics = [#tpu.dimension_semantics<core_parallel>, #tpu.dimension_semantics<subcore_parallel>], iteration_bounds = array<i64: 2, 16>, scalar_prefetch = 0 : i64, scratch_operands = 5 : i64, tpu.core_type = #tpu.core_type<sc_vector_subcore>, window_params = [{transform_indices = #map}, {transform_indices = #map1}, {transform_indices = #map}]} {
    %broadcast_in_dim3A = arith.constant 1.000000e+00 : f32
    %broadcast_in_dim3A_0 = vector.broadcast %broadcast_in_dim3A : f32 to vector<16xf32>
    %swap3A = arith.constant 0 : index
    %swap3A_1 = tpu.vector_load %arg6[%swap3A] {strides = array<i32>} : memref<128xf32, #tpu.memory_space<vmem>>, vector<16xf32>,
    %swap3A_2 = vector.shape_cast %swap3A_1 : vector<16xf32> to vector<16xf32>
    %swap3A_3 = vector.shape_cast %broadcast_in_dim3A_0 : vector<16xf32> to vector<16xf32>
    tpu.vector_store %arg6[%swap3A], %swap3A_3 {strides = array<i32>} : memref<128xf32, #tpu.memory_space<vmem>>, vector<16xf32>,
    %broadcast_in_dim3A_4 = arith.constant 1.000000e+00 : f32
    %broadcast_in_dim3A_5 = vector.broadcast %broadcast_in_dim3A_4 : f32 to vector<16xf32>
    %swap3A_6 = arith.constant 16 : index
    %swap3A_7 = tpu.vector_load %arg6[%swap3A_6] {strides = array<i32>} : memref<128xf32, #tpu.memory_space<vmem>>, vector<16xf32>,
    %swap3A_8 = vector.shape_cast %swap3A_7 : vector<16xf32> to vector<16xf32>
    %swap3A_9 = vector.shape_cast %broadcast_in_dim3A_5 : vector<16xf32> to vector<16xf32>
    tpu.vector_store %arg6[%swap3A_6], %swap3A_9 {strides = array<i32>} : memref<128xf32, #tpu.memory_space<vmem>>, vector<16xf32>,
    %broadcast_in_dim3A_10 = arith.constant 1.000000e+00 : f32
    %broadcast_in_dim3A_11 = vector.broadcast %broadcast_in_dim3A_10 : f32 to vector<16xf32>
    %swap3A_12 = arith.constant 32 : index
    %swap3A_13 = tpu.vector_load %arg6[%swap3A_12] {strides = array<i32>} : memref<128xf32, #tpu.memory_space<vmem>>, vector<16xf32>,
    %swap3A_14 = vector.shape_cast %swap3A_13 : vector<16xf32> to vector<16xf32>
    %swap3A_15 = vector.shape_cast %broadcast_in_dim3A_11 : vector<16xf32> to vector<16xf32>
    tpu.vector_store %arg6[%swap3A_12], %swap3A_15 {strides = array<i32>} : memref<128xf32, #tpu.memory_space<vmem>>, vector<16xf32>,
    %broadcast_in_dim3A_16 = arith.constant 1.000000e+00 : f32
    %broadcast_in_dim3A_17 = vector.broadcast %broadcast_in_dim3A_16 : f32 to vector<16xf32>
    %swap3A_18 = arith.constant 48 : index
    %swap3A_19 = tpu.vector_load %arg6[%swap3A_18] {strides = array<i32>} : memref<128xf32, #tpu.memory_space<vmem>>, vector<16xf32>,
    %swap3A_20 = vector.shape_cast %swap3A_19 : vector<16xf32> to vector<16xf32>
    %swap3A_21 = vector.shape_cast %broadcast_in_dim3A_17 : vector<16xf32> to vector<16xf32>
    tpu.vector_store %arg6[%swap3A_18], %swap3A_21 {strides = array<i32>} : memref<128xf32, #tpu.memory_space<vmem>>, vector<16xf32>,
    %broadcast_in_dim3A_22 = arith.constant 1.000000e+00 : f32
    %broadcast_in_dim3A_23 = vector.broadcast %broadcast_in_dim3A_22 : f32 to vector<16xf32>
    %swap3A_24 = arith.constant 64 : index
    %swap3A_25 = tpu.vector_load %arg6[%swap3A_24] {strides = array<i32>} : memref<128xf32, #tpu.memory_space<vmem>>, vector<16xf32>,
    %swap3A_26 = vector.shape_cast %swap3A_25 : vector<16xf32> to vector<16xf32>
    %swap3A_27 = vector.shape_cast %broadcast_in_dim3A_23 : vector<16xf32> to vector<16xf32>
    tpu.vector_store %arg6[%swap3A_24], %swap3A_27 {strides = array<i32>} : memref<128xf32, #tpu.memory_space<vmem>>, vector<16xf32>,
    %broadcast_in_dim3A_28 = arith.constant 1.000000e+00 : f32
    %broadcast_in_dim3A_29 = vector.broadcast %broadcast_in_dim3A_28 : f32 to vector<16xf32>
    %swap3A_30 = arith.constant 80 : index
    %swap3A_31 = tpu.vector_load %arg6[%swap3A_30] {strides = array<i32>} : memref<128xf32, #tpu.memory_space<vmem>>, vector<16xf32>,
    %swap3A_32 = vector.shape_cast %swap3A_31 : vector<16xf32> to vector<16xf32>
    %swap3A_33 = vector.shape_cast %broadcast_in_dim3A_29 : vector<16xf32> to vector<16xf32>
    tpu.vector_store %arg6[%swap3A_30], %swap3A_33 {strides = array<i32>} : memref<128xf32, #tpu.memory_space<vmem>>, vector<16xf32>,
    %broadcast_in_dim3A_34 = arith.constant 1.000000e+00 : f32
    %broadcast_in_dim3A_35 = vector.broadcast %broadcast_in_dim3A_34 : f32 to vector<16xf32>
    %swap3A_36 = arith.constant 96 : index
    %swap3A_37 = tpu.vector_load %arg6[%swap3A_36] {strides = array<i32>} : memref<128xf32, #tpu.memory_space<vmem>>, vector<16xf32>,
    %swap3A_38 = vector.shape_cast %swap3A_37 : vector<16xf32> to vector<16xf32>
    %swap3A_39 = vector.shape_cast %broadcast_in_dim3A_35 : vector<16xf32> to vector<16xf32>
    tpu.vector_store %arg6[%swap3A_36], %swap3A_39 {strides = array<i32>} : memref<128xf32, #tpu.memory_space<vmem>>, vector<16xf32>,
    %broadcast_in_dim3A_40 = arith.constant 1.000000e+00 : f32
    %broadcast_in_dim3A_41 = vector.broadcast %broadcast_in_dim3A_40 : f32 to vector<16xf32>
    %swap3A_42 = arith.constant 112 : index
    %swap3A_43 = tpu.vector_load %arg6[%swap3A_42] {strides = array<i32>} : memref<128xf32, #tpu.memory_space<vmem>>, vector<16xf32>,
    %swap3A_44 = vector.shape_cast %swap3A_43 : vector<16xf32> to vector<16xf32>
    %swap3A_45 = vector.shape_cast %broadcast_in_dim3A_41 : vector<16xf32> to vector<16xf32>
    tpu.vector_store %arg6[%swap3A_42], %swap3A_45 {strides = array<i32>} : memref<128xf32, #tpu.memory_space<vmem>>, vector<16xf32>,
    %eq3A = arith.constant 0 : i32
    %eq3A_46 = arith.cmpi eq, %arg1, %eq3A : i32
    %convert_element_type3A = arith.extui %eq3A_46 : i1 to i32
    %cond3A = arith.constant 0 : i32
    %cond3A_47 = arith.cmpi ne, %convert_element_type3A, %cond3A : i32
    scf.if %cond3A_47 {
      "tpu.region"() ({
        %run_scoped3A = tpu.sem_alloc : memref<!tpu.dma_semaphore, #tpu.memory_space<semaphore_mem>>
        tpu.enqueue_dma source(%arg3 : memref<10240xf32, #tpu.memory_space<hbm>>) target(%arg7 : memref<10240xf32, #tpu.memory_space<vmem_shared>>) target_semaphore(%run_scoped3A : memref<!tpu.dma_semaphore, #tpu.memory_space<semaphore_mem>>)
        tpu.wait_dma2 semaphore(%run_scoped3A : memref<!tpu.dma_semaphore, #tpu.memory_space<semaphore_mem>>) src(%arg3 : memref<10240xf32, #tpu.memory_space<hbm>>) dst(%arg7 : memref<10240xf32, #tpu.memory_space<vmem_shared>>)
        tpu.yield
      }) : () -> ()
    } else {
    }
    %eq3A_48 = arith.constant 1 : i32
    %eq3A_49 = arith.cmpi eq, %arg1, %eq3A_48 : i32
    %convert_element_type3A_50 = arith.extui %eq3A_49 : i1 to i32
    %cond3A_51 = arith.constant 0 : i32
    %cond3A_52 = arith.cmpi ne, %convert_element_type3A_50, %cond3A_51 : i32
    scf.if %cond3A_52 {
      "tpu.region"() ({
        %run_scoped3A = tpu.sem_alloc : memref<!tpu.dma_semaphore, #tpu.memory_space<semaphore_mem>>
        tpu.enqueue_dma source(%arg3 : memref<10240xf32, #tpu.memory_space<hbm>>) target(%arg8 : memref<10240xf32, #tpu.memory_space<vmem_shared>>) target_semaphore(%run_scoped3A : memref<!tpu.dma_semaphore, #tpu.memory_space<semaphore_mem>>)
        tpu.wait_dma2 semaphore(%run_scoped3A : memref<!tpu.dma_semaphore, #tpu.memory_space<semaphore_mem>>) src(%arg3 : memref<10240xf32, #tpu.memory_space<hbm>>) dst(%arg8 : memref<10240xf32, #tpu.memory_space<vmem_shared>>)
        tpu.yield
      }) : () -> ()
    } else {
    }
    %barrier3A = arith.constant 0 : index
    tpu.barrier barrier_id(%barrier3A)
    %mul3A = arith.constant 2 : i32
    %mul3A_53 = arith.muli %arg1, %mul3A : i32
    %add3A = arith.addi %mul3A_53, %arg0 : i32
    %mul3A_54 = arith.constant 80 : i32
    %mul3A_55 = arith.muli %add3A, %mul3A_54 : i32
    "tpu.region"() ({
      %run_scoped3A = tpu.sem_alloc : memref<!tpu.dma_semaphore, #tpu.memory_space<semaphore_mem>>
      %dma_start3A = arith.constant 0 : i32
      %dma_start3A_127 = arith.constant 0 : i32
      %dma_start3A_128 = tpu.memref_slice %arg2[%mul3A_55, %dma_start3A, %dma_start3A_127] : memref<2562x2x128xi32, #tpu.memory_space<hbm>> -> memref<80x2x128xi32, #tpu.memory_space<hbm>>
      %dma_start3A_129 = arith.constant 0 : i32
      %dma_start3A_130 = arith.constant 0 : i32
      %dma_start3A_131 = tpu.memref_slice %arg2[%mul3A_55, %dma_start3A_129, %dma_start3A_130] : memref<2562x2x128xi32, #tpu.memory_space<hbm>> -> memref<80x2x128xi32, #tpu.memory_space<hbm>>
      tpu.enqueue_dma source(%dma_start3A_131 : memref<80x2x128xi32, #tpu.memory_space<hbm>>) target(%arg5 : memref<80x2x128xi32, #tpu.memory_space<vmem>>) target_semaphore(%run_scoped3A : memref<!tpu.dma_semaphore, #tpu.memory_space<semaphore_mem>>)
      %dma_wait3A_132 = arith.constant 0 : i32
      %dma_wait3A_133 = arith.constant 0 : i32
      %dma_wait3A_134 = tpu.memref_slice %arg2[%mul3A_55, %dma_wait3A_132, %dma_wait3A_133] : memref<2562x2x128xi32, #tpu.memory_space<hbm>> -> memref<80x2x128xi32, #tpu.memory_space<hbm>>
      %dma_wait3A_135 = arith.constant 0 : i32
      %dma_wait3A_136 = arith.constant 0 : i32
      %dma_wait3A_137 = tpu.memref_slice %arg2[%mul3A_55, %dma_wait3A_135, %dma_wait3A_136] : memref<2562x2x128xi32, #tpu.memory_space<hbm>> -> memref<80x2x128xi32, #tpu.memory_space<hbm>>
      tpu.wait_dma2 semaphore(%run_scoped3A : memref<!tpu.dma_semaphore, #tpu.memory_space<semaphore_mem>>) src(%dma_wait3A_137 : memref<80x2x128xi32, #tpu.memory_space<hbm>>) dst(%arg5 : memref<80x2x128xi32, #tpu.memory_space<vmem>>)
      tpu.yield
    }) : () -> ()
    %scan3A = arith.constant 0 : i32
    %scan3A_56 = arith.constant 0 : i32
    %scan3A_57 = arith.constant 80 : i32
    %scan3A_58 = arith.addi %scan3A_56, %scan3A_57 : i32
    %scan3A_59 = arith.constant 1 : i32
    scf.for %scan3A_127 = %scan3A_56 to %scan3A_58 step %scan3A_59  : i32 {
      %dma_start3A = arith.constant 0 : i32
      %dma_start3A_128 = arith.constant 0 : i32
      %dma_start3A_129 = tpu.memref_slice %arg5[%scan3A_127, %dma_start3A, %dma_start3A_128] : memref<80x2x128xi32, #tpu.memory_space<vmem>> -> memref<1x1x128xi32, #tpu.memory_space<vmem>>
      %dma_start3A_130 = tpu.memref_squeeze %dma_start3A_129 : memref<1x1x128xi32, #tpu.memory_space<vmem>> -> memref<128xi32, #tpu.memory_space<vmem>>
      %dma_start3A_131 = arith.constant 0 : i32
      %dma_start3A_132 = tpu.memref_slice %arg7[%dma_start3A_131] : memref<10240xf32, #tpu.memory_space<vmem_shared>> -> memref<10240xf32, #tpu.memory_space<vmem_shared>>
      tpu.enqueue_indirect_dma source(%arg6 : memref<128xf32, #tpu.memory_space<vmem>>) target(%dma_start3A_132 : memref<10240xf32, #tpu.memory_space<vmem_shared>>) offsets(%dma_start3A_130 : memref<128xi32, #tpu.memory_space<vmem>>) semaphore(%arg9 : memref<!tpu.dma_semaphore, #tpu.memory_space<semaphore_mem>>) {add = true}
      %dma_start3A_133 = arith.constant 1 : i32
      %dma_start3A_134 = arith.constant 0 : i32
      %dma_start3A_135 = tpu.memref_slice %arg5[%scan3A_127, %dma_start3A_133, %dma_start3A_134] : memref<80x2x128xi32, #tpu.memory_space<vmem>> -> memref<1x1x128xi32, #tpu.memory_space<vmem>>
      %dma_start3A_136 = tpu.memref_squeeze %dma_start3A_135 : memref<1x1x128xi32, #tpu.memory_space<vmem>> -> memref<128xi32, #tpu.memory_space<vmem>>
      %dma_start3A_137 = arith.constant 0 : i32
      %dma_start3A_138 = tpu.memref_slice %arg8[%dma_start3A_137] : memref<10240xf32, #tpu.memory_space<vmem_shared>> -> memref<10240xf32, #tpu.memory_space<vmem_shared>>
      tpu.enqueue_indirect_dma source(%arg6 : memref<128xf32, #tpu.memory_space<vmem>>) target(%dma_start3A_138 : memref<10240xf32, #tpu.memory_space<vmem_shared>>) offsets(%dma_start3A_136 : memref<128xi32, #tpu.memory_space<vmem>>) semaphore(%arg9 : memref<!tpu.dma_semaphore, #tpu.memory_space<semaphore_mem>>) {add = true}
      %ge3A = arith.constant 4 : i32
      %ge3A_139 = arith.cmpi sge, %scan3A_127, %ge3A : i32
      %convert_element_type3A_140 = arith.extui %ge3A_139 : i1 to i32
      %cond3A_141 = arith.constant 0 : i32
      %cond3A_142 = arith.cmpi ne, %convert_element_type3A_140, %cond3A_141 : i32
      scf.if %cond3A_142 {
        %dma_wait3A_143 = arith.constant 0 : i32
        %dma_wait3A_144 = arith.constant 0 : i32
        %dma_wait3A_145 = arith.constant 0 : i32
        %dma_wait3A_146 = tpu.memref_slice %arg5[%dma_wait3A_143, %dma_wait3A_144, %dma_wait3A_145] : memref<80x2x128xi32, #tpu.memory_space<vmem>> -> memref<1x1x128xi32, #tpu.memory_space<vmem>>
        %dma_wait3A_147 = tpu.memref_squeeze %dma_wait3A_146 : memref<1x1x128xi32, #tpu.memory_space<vmem>> -> memref<128xi32, #tpu.memory_space<vmem>>
        %dma_wait3A_148 = arith.constant 0 : i32
        %dma_wait3A_149 = tpu.memref_slice %arg7[%dma_wait3A_148] : memref<10240xf32, #tpu.memory_space<vmem_shared>> -> memref<10240xf32, #tpu.memory_space<vmem_shared>>
        tpu.wait_indirect_dma semaphore(%arg9 : memref<!tpu.dma_semaphore, #tpu.memory_space<semaphore_mem>>) src(%arg6 : memref<128xf32, #tpu.memory_space<vmem>>) dst(%dma_wait3A_149 : memref<10240xf32, #tpu.memory_space<vmem_shared>>)
        %dma_wait3A_150 = arith.constant 0 : i32
        %dma_wait3A_151 = arith.constant 0 : i32
        %dma_wait3A_152 = arith.constant 0 : i32
        %dma_wait3A_153 = tpu.memref_slice %arg5[%dma_wait3A_150, %dma_wait3A_151, %dma_wait3A_152] : memref<80x2x128xi32, #tpu.memory_space<vmem>> -> memref<1x1x128xi32, #tpu.memory_space<vmem>>
        %dma_wait3A_154 = tpu.memref_squeeze %dma_wait3A_153 : memref<1x1x128xi32, #tpu.memory_space<vmem>> -> memref<128xi32, #tpu.memory_space<vmem>>
        %dma_wait3A_155 = arith.constant 0 : i32
        %dma_wait3A_156 = tpu.memref_slice %arg7[%dma_wait3A_155] : memref<10240xf32, #tpu.memory_space<vmem_shared>> -> memref<10240xf32, #tpu.memory_space<vmem_shared>>
        tpu.wait_indirect_dma semaphore(%arg9 : memref<!tpu.dma_semaphore, #tpu.memory_space<semaphore_mem>>) src(%arg6 : memref<128xf32, #tpu.memory_space<vmem>>) dst(%dma_wait3A_156 : memref<10240xf32, #tpu.memory_space<vmem_shared>>)
      } else {
      }
    }
    %scan3A_60 = arith.constant 80 : i32
    %dma_wait3A = arith.constant 0 : i32
    %dma_wait3A_61 = arith.constant 0 : i32
    %dma_wait3A_62 = arith.constant 0 : i32
    %dma_wait3A_63 = tpu.memref_slice %arg5[%dma_wait3A, %dma_wait3A_61, %dma_wait3A_62] : memref<80x2x128xi32, #tpu.memory_space<vmem>> -> memref<1x1x128xi32, #tpu.memory_space<vmem>>
    %dma_wait3A_64 = tpu.memref_squeeze %dma_wait3A_63 : memref<1x1x128xi32, #tpu.memory_space<vmem>> -> memref<128xi32, #tpu.memory_space<vmem>>
    %dma_wait3A_65 = arith.constant 0 : i32
    %dma_wait3A_66 = tpu.memref_slice %arg7[%dma_wait3A_65] : memref<10240xf32, #tpu.memory_space<vmem_shared>> -> memref<10240xf32, #tpu.memory_space<vmem_shared>>
    tpu.wait_indirect_dma semaphore(%arg9 : memref<!tpu.dma_semaphore, #tpu.memory_space<semaphore_mem>>) src(%arg6 : memref<128xf32, #tpu.memory_space<vmem>>) dst(%dma_wait3A_66 : memref<10240xf32, #tpu.memory_space<vmem_shared>>)
    %dma_wait3A_67 = arith.constant 0 : i32
    %dma_wait3A_68 = arith.constant 0 : i32
    %dma_wait3A_69 = arith.constant 0 : i32
    %dma_wait3A_70 = tpu.memref_slice %arg5[%dma_wait3A_67, %dma_wait3A_68, %dma_wait3A_69] : memref<80x2x128xi32, #tpu.memory_space<vmem>> -> memref<1x1x128xi32, #tpu.memory_space<vmem>>
    %dma_wait3A_71 = tpu.memref_squeeze %dma_wait3A_70 : memref<1x1x128xi32, #tpu.memory_space<vmem>> -> memref<128xi32, #tpu.memory_space<vmem>>
    %dma_wait3A_72 = arith.constant 0 : i32
    %dma_wait3A_73 = tpu.memref_slice %arg7[%dma_wait3A_72] : memref<10240xf32, #tpu.memory_space<vmem_shared>> -> memref<10240xf32, #tpu.memory_space<vmem_shared>>
    tpu.wait_indirect_dma semaphore(%arg9 : memref<!tpu.dma_semaphore, #tpu.memory_space<semaphore_mem>>) src(%arg6 : memref<128xf32, #tpu.memory_space<vmem>>) dst(%dma_wait3A_73 : memref<10240xf32, #tpu.memory_space<vmem_shared>>)
    %dma_wait3A_74 = arith.constant 0 : i32
    %dma_wait3A_75 = arith.constant 0 : i32
    %dma_wait3A_76 = arith.constant 0 : i32
    %dma_wait3A_77 = tpu.memref_slice %arg5[%dma_wait3A_74, %dma_wait3A_75, %dma_wait3A_76] : memref<80x2x128xi32, #tpu.memory_space<vmem>> -> memref<1x1x128xi32, #tpu.memory_space<vmem>>
    %dma_wait3A_78 = tpu.memref_squeeze %dma_wait3A_77 : memref<1x1x128xi32, #tpu.memory_space<vmem>> -> memref<128xi32, #tpu.memory_space<vmem>>
    %dma_wait3A_79 = arith.constant 0 : i32
    %dma_wait3A_80 = tpu.memref_slice %arg7[%dma_wait3A_79] : memref<10240xf32, #tpu.memory_space<vmem_shared>> -> memref<10240xf32, #tpu.memory_space<vmem_shared>>
    tpu.wait_indirect_dma semaphore(%arg9 : memref<!tpu.dma_semaphore, #tpu.memory_space<semaphore_mem>>) src(%arg6 : memref<128xf32, #tpu.memory_space<vmem>>) dst(%dma_wait3A_80 : memref<10240xf32, #tpu.memory_space<vmem_shared>>)
    %dma_wait3A_81 = arith.constant 0 : i32
    %dma_wait3A_82 = arith.constant 0 : i32
    %dma_wait3A_83 = arith.constant 0 : i32
    %dma_wait3A_84 = tpu.memref_slice %arg5[%dma_wait3A_81, %dma_wait3A_82, %dma_wait3A_83] : memref<80x2x128xi32, #tpu.memory_space<vmem>> -> memref<1x1x128xi32, #tpu.memory_space<vmem>>
    %dma_wait3A_85 = tpu.memref_squeeze %dma_wait3A_84 : memref<1x1x128xi32, #tpu.memory_space<vmem>> -> memref<128xi32, #tpu.memory_space<vmem>>
    %dma_wait3A_86 = arith.constant 0 : i32
    %dma_wait3A_87 = tpu.memref_slice %arg7[%dma_wait3A_86] : memref<10240xf32, #tpu.memory_space<vmem_shared>> -> memref<10240xf32, #tpu.memory_space<vmem_shared>>
    tpu.wait_indirect_dma semaphore(%arg9 : memref<!tpu.dma_semaphore, #tpu.memory_space<semaphore_mem>>) src(%arg6 : memref<128xf32, #tpu.memory_space<vmem>>) dst(%dma_wait3A_87 : memref<10240xf32, #tpu.memory_space<vmem_shared>>)
    %dma_wait3A_88 = arith.constant 0 : i32
    %dma_wait3A_89 = arith.constant 0 : i32
    %dma_wait3A_90 = arith.constant 0 : i32
    %dma_wait3A_91 = tpu.memref_slice %arg5[%dma_wait3A_88, %dma_wait3A_89, %dma_wait3A_90] : memref<80x2x128xi32, #tpu.memory_space<vmem>> -> memref<1x1x128xi32, #tpu.memory_space<vmem>>
    %dma_wait3A_92 = tpu.memref_squeeze %dma_wait3A_91 : memref<1x1x128xi32, #tpu.memory_space<vmem>> -> memref<128xi32, #tpu.memory_space<vmem>>
    %dma_wait3A_93 = arith.constant 0 : i32
    %dma_wait3A_94 = tpu.memref_slice %arg7[%dma_wait3A_93] : memref<10240xf32, #tpu.memory_space<vmem_shared>> -> memref<10240xf32, #tpu.memory_space<vmem_shared>>
    tpu.wait_indirect_dma semaphore(%arg9 : memref<!tpu.dma_semaphore, #tpu.memory_space<semaphore_mem>>) src(%arg6 : memref<128xf32, #tpu.memory_space<vmem>>) dst(%dma_wait3A_94 : memref<10240xf32, #tpu.memory_space<vmem_shared>>)
    %dma_wait3A_95 = arith.constant 0 : i32
    %dma_wait3A_96 = arith.constant 0 : i32
    %dma_wait3A_97 = arith.constant 0 : i32
    %dma_wait3A_98 = tpu.memref_slice %arg5[%dma_wait3A_95, %dma_wait3A_96, %dma_wait3A_97] : memref<80x2x128xi32, #tpu.memory_space<vmem>> -> memref<1x1x128xi32, #tpu.memory_space<vmem>>
    %dma_wait3A_99 = tpu.memref_squeeze %dma_wait3A_98 : memref<1x1x128xi32, #tpu.memory_space<vmem>> -> memref<128xi32, #tpu.memory_space<vmem>>
    %dma_wait3A_100 = arith.constant 0 : i32
    %dma_wait3A_101 = tpu.memref_slice %arg7[%dma_wait3A_100] : memref<10240xf32, #tpu.memory_space<vmem_shared>> -> memref<10240xf32, #tpu.memory_space<vmem_shared>>
    tpu.wait_indirect_dma semaphore(%arg9 : memref<!tpu.dma_semaphore, #tpu.memory_space<semaphore_mem>>) src(%arg6 : memref<128xf32, #tpu.memory_space<vmem>>) dst(%dma_wait3A_101 : memref<10240xf32, #tpu.memory_space<vmem_shared>>)
    %dma_wait3A_102 = arith.constant 0 : i32
    %dma_wait3A_103 = arith.constant 0 : i32
    %dma_wait3A_104 = arith.constant 0 : i32
    %dma_wait3A_105 = tpu.memref_slice %arg5[%dma_wait3A_102, %dma_wait3A_103, %dma_wait3A_104] : memref<80x2x128xi32, #tpu.memory_space<vmem>> -> memref<1x1x128xi32, #tpu.memory_space<vmem>>
    %dma_wait3A_106 = tpu.memref_squeeze %dma_wait3A_105 : memref<1x1x128xi32, #tpu.memory_space<vmem>> -> memref<128xi32, #tpu.memory_space<vmem>>
    %dma_wait3A_107 = arith.constant 0 : i32
    %dma_wait3A_108 = tpu.memref_slice %arg7[%dma_wait3A_107] : memref<10240xf32, #tpu.memory_space<vmem_shared>> -> memref<10240xf32, #tpu.memory_space<vmem_shared>>
    tpu.wait_indirect_dma semaphore(%arg9 : memref<!tpu.dma_semaphore, #tpu.memory_space<semaphore_mem>>) src(%arg6 : memref<128xf32, #tpu.memory_space<vmem>>) dst(%dma_wait3A_108 : memref<10240xf32, #tpu.memory_space<vmem_shared>>)
    %dma_wait3A_109 = arith.constant 0 : i32
    %dma_wait3A_110 = arith.constant 0 : i32
    %dma_wait3A_111 = arith.constant 0 : i32
    %dma_wait3A_112 = tpu.memref_slice %arg5[%dma_wait3A_109, %dma_wait3A_110, %dma_wait3A_111] : memref<80x2x128xi32, #tpu.memory_space<vmem>> -> memref<1x1x128xi32, #tpu.memory_space<vmem>>
    %dma_wait3A_113 = tpu.memref_squeeze %dma_wait3A_112 : memref<1x1x128xi32, #tpu.memory_space<vmem>> -> memref<128xi32, #tpu.memory_space<vmem>>
    %dma_wait3A_114 = arith.constant 0 : i32
    %dma_wait3A_115 = tpu.memref_slice %arg7[%dma_wait3A_114] : memref<10240xf32, #tpu.memory_space<vmem_shared>> -> memref<10240xf32, #tpu.memory_space<vmem_shared>>
    tpu.wait_indirect_dma semaphore(%arg9 : memref<!tpu.dma_semaphore, #tpu.memory_space<semaphore_mem>>) src(%arg6 : memref<128xf32, #tpu.memory_space<vmem>>) dst(%dma_wait3A_115 : memref<10240xf32, #tpu.memory_space<vmem_shared>>)
    %barrier3A_116 = arith.constant 0 : index
    tpu.barrier barrier_id(%barrier3A_116)
    %eq3A_117 = arith.constant 0 : i32
    %eq3A_118 = arith.cmpi eq, %arg1, %eq3A_117 : i32
    %convert_element_type3A_119 = arith.extui %eq3A_118 : i1 to i32
    %cond3A_120 = arith.constant 0 : i32
    %cond3A_121 = arith.cmpi ne, %convert_element_type3A_119, %cond3A_120 : i32
    scf.if %cond3A_121 {
      %run_scoped3A = arith.constant 0 : i32
      "tpu.region"() ({
        %run_scoped3A_127 = tpu.sem_alloc : memref<!tpu.dma_semaphore, #tpu.memory_space<semaphore_mem>>
        %dma_start3A = arith.constant 0 : i32
        %dma_start3A_128 = tpu.memref_slice %arg4[%arg0, %run_scoped3A, %dma_start3A] : memref<2x2x10240xf32, #tpu.memory_space<hbm>> -> memref<1x1x10240xf32, #tpu.memory_space<hbm>>
        %dma_start3A_129 = tpu.memref_squeeze %dma_start3A_128 : memref<1x1x10240xf32, #tpu.memory_space<hbm>> -> memref<10240xf32, #tpu.memory_space<hbm>>
        tpu.enqueue_dma source(%arg7 : memref<10240xf32, #tpu.memory_space<vmem_shared>>) target(%dma_start3A_129 : memref<10240xf32, #tpu.memory_space<hbm>>) target_semaphore(%run_scoped3A_127 : memref<!tpu.dma_semaphore, #tpu.memory_space<semaphore_mem>>)
        %dma_wait3A_130 = arith.constant 0 : i32
        %dma_wait3A_131 = tpu.memref_slice %arg4[%arg0, %run_scoped3A, %dma_wait3A_130] : memref<2x2x10240xf32, #tpu.memory_space<hbm>> -> memref<1x1x10240xf32, #tpu.memory_space<hbm>>
        %dma_wait3A_132 = tpu.memref_squeeze %dma_wait3A_131 : memref<1x1x10240xf32, #tpu.memory_space<hbm>> -> memref<10240xf32, #tpu.memory_space<hbm>>
        tpu.wait_dma2 semaphore(%run_scoped3A_127 : memref<!tpu.dma_semaphore, #tpu.memory_space<semaphore_mem>>) src(%arg7 : memref<10240xf32, #tpu.memory_space<vmem_shared>>) dst(%dma_wait3A_132 : memref<10240xf32, #tpu.memory_space<hbm>>)
        tpu.yield
      }) : () -> ()
    } else {
    }
    %eq3A_122 = arith.constant 1 : i32
    %eq3A_123 = arith.cmpi eq, %arg1, %eq3A_122 : i32
    %convert_element_type3A_124 = arith.extui %eq3A_123 : i1 to i32
    %cond3A_125 = arith.constant 0 : i32
    %cond3A_126 = arith.cmpi ne, %convert_element_type3A_124, %cond3A_125 : i32
    scf.if %cond3A_126 {
      %run_scoped3A = arith.constant 1 : i32
      "tpu.region"() ({
        %run_scoped3A_127 = tpu.sem_alloc : memref<!tpu.dma_semaphore, #tpu.memory_space<semaphore_mem>>
        %dma_start3A = arith.constant 0 : i32
        %dma_start3A_128 = tpu.memref_slice %arg4[%arg0, %run_scoped3A, %dma_start3A] : memref<2x2x10240xf32, #tpu.memory_space<hbm>> -> memref<1x1x10240xf32, #tpu.memory_space<hbm>>
        %dma_start3A_129 = tpu.memref_squeeze %dma_start3A_128 : memref<1x1x10240xf32, #tpu.memory_space<hbm>> -> memref<10240xf32, #tpu.memory_space<hbm>>
        tpu.enqueue_dma source(%arg8 : memref<10240xf32, #tpu.memory_space<vmem_shared>>) target(%dma_start3A_129 : memref<10240xf32, #tpu.memory_space<hbm>>) target_semaphore(%run_scoped3A_127 : memref<!tpu.dma_semaphore, #tpu.memory_space<semaphore_mem>>)
        %dma_wait3A_130 = arith.constant 0 : i32
        %dma_wait3A_131 = tpu.memref_slice %arg4[%arg0, %run_scoped3A, %dma_wait3A_130] : memref<2x2x10240xf32, #tpu.memory_space<hbm>> -> memref<1x1x10240xf32, #tpu.memory_space<hbm>>
        %dma_wait3A_132 = tpu.memref_squeeze %dma_wait3A_131 : memref<1x1x10240xf32, #tpu.memory_space<hbm>> -> memref<10240xf32, #tpu.memory_space<hbm>>
        tpu.wait_dma2 semaphore(%run_scoped3A_127 : memref<!tpu.dma_semaphore, #tpu.memory_space<semaphore_mem>>) src(%arg8 : memref<10240xf32, #tpu.memory_space<vmem_shared>>) dst(%dma_wait3A_132 : memref<10240xf32, #tpu.memory_space<hbm>>)
        tpu.yield
      }) : () -> ()
    } else {
    }
    return
  }
}

module attributes {stable_mosaic.version = 14 : i64} {
  func.func @_tc_prep_body(%arg0: memref<2x2x10240xf32, #tpu.memory_space<vmem>>, %arg1: memref<10000x128xf32, #tpu.memory_space<vmem>>, %arg2: memref<10000xf32, #tpu.memory_space<vmem>>, %arg3: memref<10000xf32, #tpu.memory_space<vmem>>, %arg4: memref<2x10240x64xf32, #tpu.memory_space<vmem>>) attributes {dimension_semantics = [], scalar_prefetch = 0 : i64, scratch_operands = 0 : i64, tpu.core_type = #tpu.core_type<tc>} {
    %get3A = arith.constant 0 : index
    %get3A_0 = arith.constant 0 : index
    %get3A_1 = arith.constant 0 : index
    %get3A_2 = vector.load %arg0[%get3A, %get3A_0, %get3A_1] : memref<2x2x10240xf32, #tpu.memory_space<vmem>>, vector<1x1x10000xf32>
    %get3A_3 = vector.shape_cast %get3A_2 : vector<1x1x10000xf32> to vector<10000xf32>
    %get3A_4 = arith.constant 1 : index
    %get3A_5 = arith.constant 0 : index
    %get3A_6 = arith.constant 0 : index
    %get3A_7 = vector.load %arg0[%get3A_4, %get3A_5, %get3A_6] : memref<2x2x10240xf32, #tpu.memory_space<vmem>>, vector<1x1x10000xf32>
    %get3A_8 = vector.shape_cast %get3A_7 : vector<1x1x10000xf32> to vector<10000xf32>
    %add3A = arith.addf %get3A_3, %get3A_8 : vector<10000xf32>
    %get3A_9 = arith.constant 0 : index
    %get3A_10 = arith.constant 1 : index
    %get3A_11 = arith.constant 0 : index
    %get3A_12 = vector.load %arg0[%get3A_9, %get3A_10, %get3A_11] : memref<2x2x10240xf32, #tpu.memory_space<vmem>>, vector<1x1x10000xf32>
    %get3A_13 = vector.shape_cast %get3A_12 : vector<1x1x10000xf32> to vector<10000xf32>
    %get3A_14 = arith.constant 1 : index
    %get3A_15 = arith.constant 1 : index
    %get3A_16 = arith.constant 0 : index
    %get3A_17 = vector.load %arg0[%get3A_14, %get3A_15, %get3A_16] : memref<2x2x10240xf32, #tpu.memory_space<vmem>>, vector<1x1x10000xf32>
    %get3A_18 = vector.shape_cast %get3A_17 : vector<1x1x10000xf32> to vector<10000xf32>
    %add3A_19 = arith.addf %get3A_13, %get3A_18 : vector<10000xf32>
    %max3A = arith.constant 1.000000e+00 : f32
    %max3A_20 = vector.broadcast %max3A : f32 to vector<10000xf32>
    %max3A_21 = arith.maximumf %add3A, %max3A_20 : vector<10000xf32>
    %rsqrt3A = math.rsqrt %max3A_21 : vector<10000xf32>
    %max3A_22 = arith.constant 1.000000e+00 : f32
    %max3A_23 = vector.broadcast %max3A_22 : f32 to vector<10000xf32>
    %max3A_24 = arith.maximumf %add3A_19, %max3A_23 : vector<10000xf32>
    %rsqrt3A_25 = math.rsqrt %max3A_24 : vector<10000xf32>
    %swap3A = arith.constant 0 : index
    %swap3A_26 = vector.load %arg2[%swap3A] : memref<10000xf32, #tpu.memory_space<vmem>>, vector<10000xf32>
    tpu.vector_store %arg2[%swap3A], %rsqrt3A {strides = array<i32>} : memref<10000xf32, #tpu.memory_space<vmem>>, vector<10000xf32>,
    %swap3A_27 = arith.constant 0 : index
    %swap3A_28 = vector.load %arg3[%swap3A_27] : memref<10000xf32, #tpu.memory_space<vmem>>, vector<10000xf32>
    tpu.vector_store %arg3[%swap3A_27], %rsqrt3A_25 {strides = array<i32>} : memref<10000xf32, #tpu.memory_space<vmem>>, vector<10000xf32>,
    %get3A_29 = arith.constant 0 : index
    %get3A_30 = arith.constant 0 : index
    %get3A_31 = vector.load %arg1[%get3A_29, %get3A_30] : memref<10000x128xf32, #tpu.memory_space<vmem>>, vector<10000x128xf32>
    %broadcast_in_dim3A = vector.shape_cast %rsqrt3A : vector<10000xf32> to vector<10000x1xf32>
    %mul3A = vector.broadcast %broadcast_in_dim3A : vector<10000x1xf32> to vector<10000x128xf32>
    %mul3A_32 = arith.mulf %get3A_31, %mul3A : vector<10000x128xf32>
    %slice3A = vector.extract_strided_slice %mul3A_32 {offsets = [0, 0], sizes = [10000, 64], strides = [1, 1]} : vector<10000x128xf32> to vector<10000x64xf32>
    %swap3A_33 = arith.constant 0 : index
    %swap3A_34 = arith.constant 0 : index
    %swap3A_35 = arith.constant 0 : index
    %swap3A_36 = vector.load %arg4[%swap3A_33, %swap3A_34, %swap3A_35] : memref<2x10240x64xf32, #tpu.memory_space<vmem>>, vector<1x10000x64xf32>
    %swap3A_37 = vector.shape_cast %swap3A_36 : vector<1x10000x64xf32> to vector<10000x64xf32>
    %swap3A_38 = vector.shape_cast %slice3A : vector<10000x64xf32> to vector<1x10000x64xf32>
    tpu.vector_store %arg4[%swap3A_33, %swap3A_34, %swap3A_35], %swap3A_38 {strides = array<i32>} : memref<2x10240x64xf32, #tpu.memory_space<vmem>>, vector<1x10000x64xf32>,
    %slice3A_39 = vector.extract_strided_slice %mul3A_32 {offsets = [0, 64], sizes = [10000, 64], strides = [1, 1]} : vector<10000x128xf32> to vector<10000x64xf32>
    %swap3A_40 = arith.constant 1 : index
    %swap3A_41 = arith.constant 0 : index
    %swap3A_42 = arith.constant 0 : index
    %swap3A_43 = vector.load %arg4[%swap3A_40, %swap3A_41, %swap3A_42] : memref<2x10240x64xf32, #tpu.memory_space<vmem>>, vector<1x10000x64xf32>
    %swap3A_44 = vector.shape_cast %swap3A_43 : vector<1x10000x64xf32> to vector<10000x64xf32>
    %swap3A_45 = vector.shape_cast %slice3A_39 : vector<10000x64xf32> to vector<1x10000x64xf32>
    tpu.vector_store %arg4[%swap3A_40, %swap3A_41, %swap3A_42], %swap3A_45 {strides = array<i32>} : memref<2x10240x64xf32, #tpu.memory_space<vmem>>, vector<1x10000x64xf32>,
    return
  }
}

module attributes {stable_mosaic.version = 14 : i64} {
  func.func @_tc_mid_body(%arg0: memref<2x10240x64xf32, #tpu.memory_space<vmem>>, %arg1: memref<10000xf32, #tpu.memory_space<vmem>>, %arg2: memref<10000xf32, #tpu.memory_space<vmem>>, %arg3: memref<128x256xf32, #tpu.memory_space<vmem>>, %arg4: memref<256xf32, #tpu.memory_space<vmem>>, %arg5: memref<256xf32, #tpu.memory_space<vmem>>, %arg6: memref<256xf32, #tpu.memory_space<vmem>>, %arg7: memref<1x1xf32, #tpu.memory_space<vmem>>, %arg8: memref<256x128xf32, #tpu.memory_space<vmem>>, %arg9: memref<2x10240x64xf32, #tpu.memory_space<vmem>>) attributes {dimension_semantics = [], scalar_prefetch = 0 : i64, scratch_operands = 0 : i64, tpu.core_type = #tpu.core_type<tc>} {
    %get3A = arith.constant 0 : index
    %get3A_0 = vector.load %arg1[%get3A] : memref<10000xf32, #tpu.memory_space<vmem>>, vector<10000xf32>
    %broadcast_in_dim3A = vector.shape_cast %get3A_0 : vector<10000xf32> to vector<10000x1xf32>
    %get3A_1 = arith.constant 0 : index
    %get3A_2 = arith.constant 0 : index
    %get3A_3 = arith.constant 0 : index
    %get3A_4 = vector.load %arg0[%get3A_1, %get3A_2, %get3A_3] : memref<2x10240x64xf32, #tpu.memory_space<vmem>>, vector<1x10000x64xf32>
    %get3A_5 = vector.shape_cast %get3A_4 : vector<1x10000x64xf32> to vector<10000x64xf32>
    %mul3A = vector.broadcast %broadcast_in_dim3A : vector<10000x1xf32> to vector<10000x64xf32>
    %mul3A_6 = arith.mulf %get3A_5, %mul3A : vector<10000x64xf32>
    %get3A_7 = arith.constant 1 : index
    %get3A_8 = arith.constant 0 : index
    %get3A_9 = arith.constant 0 : index
    %get3A_10 = vector.load %arg0[%get3A_7, %get3A_8, %get3A_9] : memref<2x10240x64xf32, #tpu.memory_space<vmem>>, vector<1x10000x64xf32>
    %get3A_11 = vector.shape_cast %get3A_10 : vector<1x10000x64xf32> to vector<10000x64xf32>
    %mul3A_12 = vector.broadcast %broadcast_in_dim3A : vector<10000x1xf32> to vector<10000x64xf32>
    %mul3A_13 = arith.mulf %get3A_11, %mul3A_12 : vector<10000x64xf32>
    %get3A_14 = arith.constant 0 : index
    %get3A_15 = arith.constant 0 : index
    %get3A_16 = vector.load %arg3[%get3A_14, %get3A_15] : memref<128x256xf32, #tpu.memory_space<vmem>>, vector<64x256xf32>
    %dot_general3A = arith.constant dense<0.000000e+00> : vector<10000x256xf32>
    %dot_general3A_17 = tpu.matmul %mul3A_6, %get3A_16, %dot_general3A {dimension_numbers = #tpu.dot_dimension_numbers<[1], [0], [0], [1], [0, 0, 1, 1], [], []>, transpose_lhs_hint = false} : vector<10000x64xf32>, vector<64x256xf32>, vector<10000x256xf32> -> vector<10000x256xf32>
    %get3A_18 = arith.constant 64 : index
    %get3A_19 = arith.constant 0 : index
    %get3A_20 = vector.load %arg3[%get3A_18, %get3A_19] : memref<128x256xf32, #tpu.memory_space<vmem>>, vector<64x256xf32>
    %dot_general3A_21 = arith.constant dense<0.000000e+00> : vector<10000x256xf32>
    %dot_general3A_22 = tpu.matmul %mul3A_13, %get3A_20, %dot_general3A_21 {dimension_numbers = #tpu.dot_dimension_numbers<[1], [0], [0], [1], [0, 0, 1, 1], [], []>, transpose_lhs_hint = false} : vector<10000x64xf32>, vector<64x256xf32>, vector<10000x256xf32> -> vector<10000x256xf32>
    %add3A = arith.addf %dot_general3A_17, %dot_general3A_22 : vector<10000x256xf32>
    %get3A_23 = arith.constant 0 : index
    %get3A_24 = vector.load %arg4[%get3A_23] : memref<256xf32, #tpu.memory_space<vmem>>, vector<256xf32>
    %broadcast_in_dim3A_25 = vector.shape_cast %get3A_24 : vector<256xf32> to vector<1x256xf32>
    %add3A_26 = vector.broadcast %broadcast_in_dim3A_25 : vector<1x256xf32> to vector<10000x256xf32>
    %add3A_27 = arith.addf %add3A, %add3A_26 : vector<10000x256xf32>
    %reduce_sum3A = arith.constant dense<0.000000e+00> : vector<256xf32>
    %reduce_sum3A_28 = vector.multi_reduction <add>, %add3A_27, %reduce_sum3A [0] : vector<10000x256xf32> to vector<256xf32>
    %div3A = arith.constant 1.000000e+04 : f32
    %div3A_29 = vector.broadcast %div3A : f32 to vector<256xf32>
    %div3A_30 = arith.divf %reduce_sum3A_28, %div3A_29 : vector<256xf32>
    %broadcast_in_dim3A_31 = vector.shape_cast %div3A_30 : vector<256xf32> to vector<1x256xf32>
    %sub3A = vector.broadcast %broadcast_in_dim3A_31 : vector<1x256xf32> to vector<10000x256xf32>
    %sub3A_32 = arith.subf %add3A_27, %sub3A : vector<10000x256xf32>
    %mul3A_33 = arith.mulf %sub3A_32, %sub3A_32 : vector<10000x256xf32>
    %reduce_sum3A_34 = arith.constant dense<0.000000e+00> : vector<256xf32>
    %reduce_sum3A_35 = vector.multi_reduction <add>, %mul3A_33, %reduce_sum3A_34 [0] : vector<10000x256xf32> to vector<256xf32>
    %div3A_36 = arith.constant 1.000000e+04 : f32
    %div3A_37 = vector.broadcast %div3A_36 : f32 to vector<256xf32>
    %div3A_38 = arith.divf %reduce_sum3A_35, %div3A_37 : vector<256xf32>
    %add3A_39 = arith.constant 9.99999974E-6 : f32
    %add3A_40 = vector.broadcast %add3A_39 : f32 to vector<256xf32>
    %add3A_41 = arith.addf %div3A_38, %add3A_40 : vector<256xf32>
    %rsqrt3A = math.rsqrt %add3A_41 : vector<256xf32>
    %broadcast_in_dim3A_42 = vector.shape_cast %rsqrt3A : vector<256xf32> to vector<1x256xf32>
    %mul3A_43 = vector.broadcast %broadcast_in_dim3A_42 : vector<1x256xf32> to vector<10000x256xf32>
    %mul3A_44 = arith.mulf %sub3A_32, %mul3A_43 : vector<10000x256xf32>
    %get3A_45 = arith.constant 0 : index
    %get3A_46 = vector.load %arg5[%get3A_45] : memref<256xf32, #tpu.memory_space<vmem>>, vector<256xf32>
    %broadcast_in_dim3A_47 = vector.shape_cast %get3A_46 : vector<256xf32> to vector<1x256xf32>
    %mul3A_48 = vector.broadcast %broadcast_in_dim3A_47 : vector<1x256xf32> to vector<10000x256xf32>
    %mul3A_49 = arith.mulf %mul3A_44, %mul3A_48 : vector<10000x256xf32>
    %get3A_50 = arith.constant 0 : index
    %get3A_51 = vector.load %arg6[%get3A_50] : memref<256xf32, #tpu.memory_space<vmem>>, vector<256xf32>
    %broadcast_in_dim3A_52 = vector.shape_cast %get3A_51 : vector<256xf32> to vector<1x256xf32>
    %add3A_53 = vector.broadcast %broadcast_in_dim3A_52 : vector<1x256xf32> to vector<10000x256xf32>
    %add3A_54 = arith.addf %mul3A_49, %add3A_53 : vector<10000x256xf32>
    %gt3A = arith.constant 0.000000e+00 : f32
    %gt3A_55 = vector.broadcast %gt3A : f32 to vector<10000x256xf32>
    %gt3A_56 = arith.cmpf ogt, %add3A_54, %gt3A_55 : vector<10000x256xf32>
    %get3A_57 = arith.constant 0 : index
    %get3A_58 = arith.constant 0 : index
    %get3A_59 = vector.load %arg7[%get3A_57, %get3A_58] : memref<1x1xf32, #tpu.memory_space<vmem>>, vector<1x1xf32>
    %mul3A_60 = vector.broadcast %get3A_59 : vector<1x1xf32> to vector<10000x256xf32>
    %mul3A_61 = arith.mulf %add3A_54, %mul3A_60 : vector<10000x256xf32>
    %select_n3A = arith.select %gt3A_56, %add3A_54, %mul3A_61 : vector<10000x256xi1>, vector<10000x256xf32>
    %get3A_62 = arith.constant 0 : index
    %get3A_63 = vector.load %arg2[%get3A_62] : memref<10000xf32, #tpu.memory_space<vmem>>, vector<10000xf32>
    %broadcast_in_dim3A_64 = vector.shape_cast %get3A_63 : vector<10000xf32> to vector<10000x1xf32>
    %mul3A_65 = vector.broadcast %broadcast_in_dim3A_64 : vector<10000x1xf32> to vector<10000x256xf32>
    %mul3A_66 = arith.mulf %select_n3A, %mul3A_65 : vector<10000x256xf32>
    %get3A_67 = arith.constant 0 : index
    %get3A_68 = arith.constant 0 : index
    %get3A_69 = vector.load %arg8[%get3A_67, %get3A_68] : memref<256x128xf32, #tpu.memory_space<vmem>>, vector<256x64xf32>
    %dot_general3A_70 = arith.constant dense<0.000000e+00> : vector<10000x64xf32>
    %dot_general3A_71 = tpu.matmul %mul3A_66, %get3A_69, %dot_general3A_70 {dimension_numbers = #tpu.dot_dimension_numbers<[1], [0], [0], [1], [0, 0, 1, 1], [], []>, transpose_lhs_hint = false} : vector<10000x256xf32>, vector<256x64xf32>, vector<10000x64xf32> -> vector<10000x64xf32>
    %swap3A = arith.constant 0 : index
    %swap3A_72 = arith.constant 0 : index
    %swap3A_73 = arith.constant 0 : index
    %swap3A_74 = vector.load %arg9[%swap3A, %swap3A_72, %swap3A_73] : memref<2x10240x64xf32, #tpu.memory_space<vmem>>, vector<1x10000x64xf32>
    %swap3A_75 = vector.shape_cast %swap3A_74 : vector<1x10000x64xf32> to vector<10000x64xf32>
    %swap3A_76 = vector.shape_cast %dot_general3A_71 : vector<10000x64xf32> to vector<1x10000x64xf32>
    tpu.vector_store %arg9[%swap3A, %swap3A_72, %swap3A_73], %swap3A_76 {strides = array<i32>} : memref<2x10240x64xf32, #tpu.memory_space<vmem>>, vector<1x10000x64xf32>,
    %get3A_77 = arith.constant 0 : index
    %get3A_78 = arith.constant 64 : index
    %get3A_79 = vector.load %arg8[%get3A_77, %get3A_78] : memref<256x128xf32, #tpu.memory_space<vmem>>, vector<256x64xf32>
    %dot_general3A_80 = arith.constant dense<0.000000e+00> : vector<10000x64xf32>
    %dot_general3A_81 = tpu.matmul %mul3A_66, %get3A_79, %dot_general3A_80 {dimension_numbers = #tpu.dot_dimension_numbers<[1], [0], [0], [1], [0, 0, 1, 1], [], []>, transpose_lhs_hint = false} : vector<10000x256xf32>, vector<256x64xf32>, vector<10000x64xf32> -> vector<10000x64xf32>
    %swap3A_82 = arith.constant 1 : index
    %swap3A_83 = arith.constant 0 : index
    %swap3A_84 = arith.constant 0 : index
    %swap3A_85 = vector.load %arg9[%swap3A_82, %swap3A_83, %swap3A_84] : memref<2x10240x64xf32, #tpu.memory_space<vmem>>, vector<1x10000x64xf32>
    %swap3A_86 = vector.shape_cast %swap3A_85 : vector<1x10000x64xf32> to vector<10000x64xf32>
    %swap3A_87 = vector.shape_cast %dot_general3A_81 : vector<10000x64xf32> to vector<1x10000x64xf32>
    tpu.vector_store %arg9[%swap3A_82, %swap3A_83, %swap3A_84], %swap3A_87 {strides = array<i32>} : memref<2x10240x64xf32, #tpu.memory_space<vmem>>, vector<1x10000x64xf32>,
    return
  }
}

module attributes {stable_mosaic.version = 14 : i64} {
  func.func @_tc_out_body(%arg0: memref<2x10240x64xf32, #tpu.memory_space<vmem>>, %arg1: memref<10000xf32, #tpu.memory_space<vmem>>, %arg2: memref<128xf32, #tpu.memory_space<vmem>>, %arg3: memref<128xf32, #tpu.memory_space<vmem>>, %arg4: memref<128xf32, #tpu.memory_space<vmem>>, %arg5: memref<1x1xf32, #tpu.memory_space<vmem>>, %arg6: memref<10000x128xf32, #tpu.memory_space<vmem>>) attributes {dimension_semantics = [], scalar_prefetch = 0 : i64, scratch_operands = 0 : i64, tpu.core_type = #tpu.core_type<tc>} {
    %get3A = arith.constant 0 : index
    %get3A_0 = arith.constant 0 : index
    %get3A_1 = arith.constant 0 : index
    %get3A_2 = vector.load %arg0[%get3A, %get3A_0, %get3A_1] : memref<2x10240x64xf32, #tpu.memory_space<vmem>>, vector<1x10000x64xf32>
    %get3A_3 = vector.shape_cast %get3A_2 : vector<1x10000x64xf32> to vector<10000x64xf32>
    %get3A_4 = arith.constant 1 : index
    %get3A_5 = arith.constant 0 : index
    %get3A_6 = arith.constant 0 : index
    %get3A_7 = vector.load %arg0[%get3A_4, %get3A_5, %get3A_6] : memref<2x10240x64xf32, #tpu.memory_space<vmem>>, vector<1x10000x64xf32>
    %get3A_8 = vector.shape_cast %get3A_7 : vector<1x10000x64xf32> to vector<10000x64xf32>
    %concatenate3A = tpu.concatenate %get3A_3, %get3A_8 in 1 : vector<10000x64xf32>, vector<10000x64xf32> -> vector<10000x128xf32>
    %get3A_9 = arith.constant 0 : index
    %get3A_10 = vector.load %arg1[%get3A_9] : memref<10000xf32, #tpu.memory_space<vmem>>, vector<10000xf32>
    %broadcast_in_dim3A = vector.shape_cast %get3A_10 : vector<10000xf32> to vector<10000x1xf32>
    %mul3A = vector.broadcast %broadcast_in_dim3A : vector<10000x1xf32> to vector<10000x128xf32>
    %mul3A_11 = arith.mulf %concatenate3A, %mul3A : vector<10000x128xf32>
    %get3A_12 = arith.constant 0 : index
    %get3A_13 = vector.load %arg2[%get3A_12] : memref<128xf32, #tpu.memory_space<vmem>>, vector<128xf32>
    %broadcast_in_dim3A_14 = vector.shape_cast %get3A_13 : vector<128xf32> to vector<1x128xf32>
    %add3A = vector.broadcast %broadcast_in_dim3A_14 : vector<1x128xf32> to vector<10000x128xf32>
    %add3A_15 = arith.addf %mul3A_11, %add3A : vector<10000x128xf32>
    %reduce_sum3A = arith.constant dense<0.000000e+00> : vector<128xf32>
    %reduce_sum3A_16 = vector.multi_reduction <add>, %add3A_15, %reduce_sum3A [0] : vector<10000x128xf32> to vector<128xf32>
    %div3A = arith.constant 1.000000e+04 : f32
    %div3A_17 = vector.broadcast %div3A : f32 to vector<128xf32>
    %div3A_18 = arith.divf %reduce_sum3A_16, %div3A_17 : vector<128xf32>
    %broadcast_in_dim3A_19 = vector.shape_cast %div3A_18 : vector<128xf32> to vector<1x128xf32>
    %sub3A = vector.broadcast %broadcast_in_dim3A_19 : vector<1x128xf32> to vector<10000x128xf32>
    %sub3A_20 = arith.subf %add3A_15, %sub3A : vector<10000x128xf32>
    %mul3A_21 = arith.mulf %sub3A_20, %sub3A_20 : vector<10000x128xf32>
    %reduce_sum3A_22 = arith.constant dense<0.000000e+00> : vector<128xf32>
    %reduce_sum3A_23 = vector.multi_reduction <add>, %mul3A_21, %reduce_sum3A_22 [0] : vector<10000x128xf32> to vector<128xf32>
    %div3A_24 = arith.constant 1.000000e+04 : f32
    %div3A_25 = vector.broadcast %div3A_24 : f32 to vector<128xf32>
    %div3A_26 = arith.divf %reduce_sum3A_23, %div3A_25 : vector<128xf32>
    %add3A_27 = arith.constant 9.99999974E-6 : f32
    %add3A_28 = vector.broadcast %add3A_27 : f32 to vector<128xf32>
    %add3A_29 = arith.addf %div3A_26, %add3A_28 : vector<128xf32>
    %rsqrt3A = math.rsqrt %add3A_29 : vector<128xf32>
    %broadcast_in_dim3A_30 = vector.shape_cast %rsqrt3A : vector<128xf32> to vector<1x128xf32>
    %mul3A_31 = vector.broadcast %broadcast_in_dim3A_30 : vector<1x128xf32> to vector<10000x128xf32>
    %mul3A_32 = arith.mulf %sub3A_20, %mul3A_31 : vector<10000x128xf32>
    %get3A_33 = arith.constant 0 : index
    %get3A_34 = vector.load %arg3[%get3A_33] : memref<128xf32, #tpu.memory_space<vmem>>, vector<128xf32>
    %broadcast_in_dim3A_35 = vector.shape_cast %get3A_34 : vector<128xf32> to vector<1x128xf32>
    %mul3A_36 = vector.broadcast %broadcast_in_dim3A_35 : vector<1x128xf32> to vector<10000x128xf32>
    %mul3A_37 = arith.mulf %mul3A_32, %mul3A_36 : vector<10000x128xf32>
    %get3A_38 = arith.constant 0 : index
    %get3A_39 = vector.load %arg4[%get3A_38] : memref<128xf32, #tpu.memory_space<vmem>>, vector<128xf32>
    %broadcast_in_dim3A_40 = vector.shape_cast %get3A_39 : vector<128xf32> to vector<1x128xf32>
    %add3A_41 = vector.broadcast %broadcast_in_dim3A_40 : vector<1x128xf32> to vector<10000x128xf32>
    %add3A_42 = arith.addf %mul3A_37, %add3A_41 : vector<10000x128xf32>
    %gt3A = arith.constant 0.000000e+00 : f32
    %gt3A_43 = vector.broadcast %gt3A : f32 to vector<10000x128xf32>
    %gt3A_44 = arith.cmpf ogt, %add3A_42, %gt3A_43 : vector<10000x128xf32>
    %get3A_45 = arith.constant 0 : index
    %get3A_46 = arith.constant 0 : index
    %get3A_47 = vector.load %arg5[%get3A_45, %get3A_46] : memref<1x1xf32, #tpu.memory_space<vmem>>, vector<1x1xf32>
    %mul3A_48 = vector.broadcast %get3A_47 : vector<1x1xf32> to vector<10000x128xf32>
    %mul3A_49 = arith.mulf %add3A_42, %mul3A_48 : vector<10000x128xf32>
    %select_n3A = arith.select %gt3A_44, %add3A_42, %mul3A_49 : vector<10000x128xi1>, vector<10000x128xf32>
    %swap3A = arith.constant 0 : index
    %swap3A_50 = arith.constant 0 : index
    %swap3A_51 = vector.load %arg6[%swap3A, %swap3A_50] : memref<10000x128xf32, #tpu.memory_space<vmem>>, vector<10000x128xf32>
    tpu.vector_store %arg6[%swap3A, %swap3A_50], %select_n3A {strides = array<i32>} : memref<10000x128xf32, #tpu.memory_space<vmem>>, vector<10000x128xf32>,
    return
  }
}

</mosaic_0001>

<sc_bundles>
// kernel: kernel.11.cloned.1.call-start
scs
__scs_entry_jumppad:
0x0: {  	(pc) =	sbr.rel $0x88, $3  }
0x1: {  	(tag) =	ssettag $0x0;
	lr =	simm.s32 $0x1  }
0x2: {  	[smem:$0x3F95] =	sst lr;
	_ =	strace $0xD0000000  }
0x3: {  	_ = 	snop  }
0x4: {  	_ = 	snop  }
0x5: {  	_ = 	snop  }
0x6: {  	_ = 	snop  }
0x7: {  	_ = 	snop  }
__scs_overlays_trampoline_lowered:
0x8: {  	[smem:$0x3FA4] =	sst s0  }
0x9: {  	[smem:$0x3FA5] =	sst s1  }
0xa: {  	[smem:$0x3FA6] =	sst s2  }
0xb: {  	[smem:$0x3FA7] =	sst s3  }
0xc: {  	[smem:$0x3FA8] =	sst s4  }
0xd: {  	[smem:$0x3FA9] =	sst s5  }
0xe: {  	[smem:$0x3FAA] =	sst s6  }
0xf: {  	[smem:$0x3FAB] =	sst s7  }
0x10: {  	[smem:$0x3FAC] =	sst s8  }
0x11: {  	[smem:$0x3FAD] =	sst s9;
	s0 =	simm.s32 @!p0 $0x0  }
0x12: {  	s1 =	sld [smem:$0x3F93];
	s0 =	simm.s32 @p0 $0x1  }
0x13: {  	[smem:$0x3FAE] =	sst s0;
	s0 =	simm.s32 @!p1 $0x0  }
0x14: {  	s2 =	sld [smem:$0x3F92];
	s0 =	simm.s32 @p1 $0x1  }
0x15: {  	[smem:$0x3FAF] =	sst s0;
	s0 =	simm.s32 @!p2 $0x0  }
0x16: {  	s3 =	sld [smem:$0x3FDB];
	s0 =	simm.s32 @p2 $0x1  }
0x17: {  	s4 =	simm.s32 $0x1BF5;
	[smem:$0x3FB1] =	sst s0  }
0x18: {  	s0 =	sld [smem:$0x3F94];
	_ =	swait.ge [sflag:s4], $0x0  }
0x19: {  	s7 =	sld [smem:$0x3F95]  }
0x1a: {  	s8 =	sadd.s32 $0xFFFFE003, lr  }
0x1b: {  	s9 =	sadd.s32 $0xFFFFFEF7, lr;
	s5 =	simm.s32 $0xFFFFFFFF;
	p2 =	slt.u32 s8, $0xFFFFF086  }
0x1c: {  	p1 =	slt.u32 s9, $0xF7A;
	s5 =	simm.s32 @!p2 $0x0  }
0x1d: {  	s5 =	simm.s32 @p1 $0x1;
	p0 =	seq.s32 s7, s2  }
0x1e: {  	s7 =	smul.u32 @!p0 $0xF7A, s2;
	p2 =	seq.s32 @!p0 s5, $0x0  }
0x1f: {  	s9 =	smul.u32 $0xF7A, s1;
	s8 =	simm.s32 @!p0 $0x1BF5;
	p2 =	por !p2, p0  }
0x20: {  	[sflag:s8] =	ssyncset.s32 @!p0 $0xFFFFF086;
	s6 =	sadd.s32 @!p0 s3, s7;
	s7 =	simm.s32 @!p0 $0x108  }
0x21: {  	s3 =	sadd.s32 s3, s9;
	s6 =	sadd.s32 @!p0 $0x88, s6;
	s7 =	simm.s32 @p2 $0x1082  }
0x22: {  	[simem:s7], [sflag:s8] =	dma.local @!p0 [hbm:s6], $0xF7A  }
0x23: {  	s9 =	sor.u32 $0xD0000000, s2;
	s6 =	simm.s32 $0x108;
	_ =	swait.ge @!p0 [sflag:s8], $0x0  }
0x24: {  	s3 =	sadd.s32 $0x88, s3;
	s6 =	simm.s32 @!p1 $0x1082;
	[sflag:s4] =	ssyncset.s32 $0xFFFFF086  }
0x25: {  	[simem:s6], [sflag:s4] =	dma.local [hbm:s3], $0xF7A  }
0x26: {  	[smem:$0x3F95] =	sst s1;
	(tag) =	ssettag s2;
	_ =	strace s9  }
0x27: {  	s1 =	sld [smem:$0x3FA5]  }
0x28: {  	s2 =	sld [smem:$0x3FA6]  }
0x29: {  	s4 =	sld [smem:$0x3FA8]  }
0x2a: {  	p0 =	seq.s32 s5, $0x0;
	s5 =	sld [smem:$0x3FA9]  }
0x2b: {  	s6 =	sld [smem:$0x3FAA]  }
0x2c: {  	s7 =	sld [smem:$0x3FAB]  }
0x2d: {  	s3 =	simm.s32 $0x108;
	s8 =	sld [smem:$0x3FAC]  }
0x2e: {  	s3 =	simm.s32 @!p0 $0x1082;
	s9 =	sld [smem:$0x3FAD]  }
0x2f: {  	lr =	sadd.s32 s0, s3;
	s0 =	sld [smem:$0x3FA4]  }
0x30: {  	s3 =	sld [smem:$0x3FA7]  }
0x31: {  	[smem:$0x3FB0] =	sst s10  }
0x32: {  	s10 =	sld [smem:$0x3FAE];
	_ =	sdelay $0x3  }
0x33: {  	p0 =	seq.s32 s10, $0x1;
	s10 =	sld [smem:$0x3FB0];
	_ =	sdelay $0x3  }
0x34: {  	[smem:$0x3FB0] =	sst s10  }
0x35: {  	s10 =	sld [smem:$0x3FAF];
	_ =	sdelay $0x3  }
0x36: {  	p1 =	seq.s32 s10, $0x1;
	s10 =	sld [smem:$0x3FB0];
	_ =	sdelay $0x3  }
0x37: {  	[smem:$0x3FB0] =	sst s10  }
0x38: {  	s10 =	sld [smem:$0x3FB1]  }
0x39: {  	_ = 	snop;
	(pc) =	sbr.ind lr, $3  }
0x3a: {  	_ = 	snop  }
0x3b: {  	_ = 	snop  }
0x3c: {  	p2 =	seq.s32 s10, $0x1;
	s10 =	sld [smem:$0x3FB0]  }
0x3d: {  	_ =	shalt  }
0x3e: {  	_ =	shalt  }
0x3f: {  	_ =	shalt  }
0x40: {  	_ =	shalt  }
0x41: {  	_ =	shalt  }
0x42: {  	_ =	shalt  }
0x43: {  	_ =	shalt  }
0x44: {  	_ =	shalt  }
0x45: {  	_ =	shalt  }
0x46: {  	_ =	shalt  }
0x47: {  	_ =	shalt  }
0x48: {  	_ =	shalt  }
0x49: {  	_ =	shalt  }
0x4a: {  	_ =	shalt  }
0x4b: {  	_ =	shalt  }
0x4c: {  	_ =	shalt  }
0x4d: {  	_ =	shalt  }
0x4e: {  	_ =	shalt  }
0x4f: {  	_ =	shalt  }
0x50: {  	_ =	shalt  }
0x51: {  	_ =	shalt  }
0x52: {  	_ =	shalt  }
0x53: {  	_ =	shalt  }
0x54: {  	_ =	shalt  }
0x55: {  	_ =	shalt  }
0x56: {  	_ =	shalt  }
0x57: {  	_ =	shalt  }
0x58: {  	_ =	shalt  }
0x59: {  	_ =	shalt  }
0x5a: {  	_ =	shalt  }
0x5b: {  	_ =	shalt  }
0x5c: {  	_ =	shalt  }
0x5d: {  	_ =	shalt  }
0x5e: {  	_ =	shalt  }
0x5f: {  	_ =	shalt  }
0x60: {  	_ =	shalt  }
0x61: {  	_ =	shalt  }
0x62: {  	_ =	shalt  }
0x63: {  	_ =	shalt  }
0x64: {  	_ =	shalt  }
0x65: {  	_ =	shalt  }
0x66: {  	_ =	shalt  }
0x67: {  	_ =	shalt  }
0x68: {  	_ =	shalt  }
0x69: {  	_ =	shalt  }
0x6a: {  	_ =	shalt  }
0x6b: {  	_ =	shalt  }
0x6c: {  	_ =	shalt  }
0x6d: {  	_ =	shalt  }
0x6e: {  	_ =	shalt  }
0x6f: {  	_ =	shalt  }
0x70: {  	_ =	shalt  }
0x71: {  	_ =	shalt  }
0x72: {  	_ =	shalt  }
0x73: {  	_ =	shalt  }
0x74: {  	_ =	shalt  }
0x75: {  	_ =	shalt  }
0x76: {  	_ =	shalt  }
0x77: {  	_ =	shalt  }
0x78: {  	_ =	shalt  }
0x79: {  	_ =	shalt  }
0x7a: {  	_ =	shalt  }
0x7b: {  	_ =	shalt  }
0x7c: {  	_ =	shalt  }
0x7d: {  	_ =	shalt  }
0x7e: {  	_ =	shalt  }
0x7f: {  	_ =	shalt  }
0x80: {  	_ =	shalt  }
0x81: {  	_ =	shalt  }
0x82: {  	_ =	shalt  }
0x83: {  	_ =	shalt  }
0x84: {  	_ =	shalt  }
0x85: {  	_ =	shalt  }
0x86: {  	_ =	shalt  }
0x87: {  	_ =	shalt  }
.Lfunc_end0:
.L_simem_size_0:
called_computation.1_lowered:
.L_overlay_start_0:
0x88: {  	s2 =	sld [smem:$0x3FD9]  }
0x89: {  	s3 =	sld [smem:$0x3FFE];
	_ =	sdelay $0x1  }
0x8a: {  	s1 =	srdreg.scid  }
0x8b: {  	s0 =	sand.u32 $0x1, s1  }
0x8c: {  	s17 =	sshll.u32 s0, $0xA;
	s2 =	sadd.s32 s3, s2  }
0x8d: {  	s2 =	sadd.s32 s2, s17  }
0x8e: {  	[smem:$0x3FBC] =	sst s2  }
0x8f: {  	_ = 	snop  }
0x90: {  	s2 =	sld [smem:$0x3FD0];
	(tm) =	ssettm $0x1  }
0x91: {  	s18 =	sld [smem:$0x3FFB];
	_ =	sdelay $0x3  }
0x92: {  	_ =	strace s18  }
0x93: {  	s3 =	sld [smem:$0x3FFC];
	_ =	sdelay $0x3  }
0x94: {  	_ =	strace s3  }
0x95: {  	s3 =	sld [smem:$0x3FFD];
	_ =	sdelay $0x3  }
0x96: {  	_ =	strace s3  }
0x97: {  	_ =	strace $0x8FFFFFFF  }
0x98: {  	s19 =	sld [smem:$0x3FDB];
	_ =	sdelay $0x1  }
0x99: {  	s4 =	simm.s32 $_scs_section_size  }
0x9a: {  	s5 =	simm.s32 $_size__tile_overlayer_lowered;
	s6 =	simm.s32 $_tile_overlayer_lowered  }
0x9b: {  	s22 =	simm.s32 $0x1BFF;
	s21 =	sshll.u32 s6, $0x1;
	s3 =	sadd.s32 s4, s19  }
0x9c: {  	s7 =	simm.s32 $0x0;
	s20 =	sshll.u32 s5, $0x1;
	s5 =	sadd.s32 s21, s3  }
0x9d: {  	[timem:s7], [sflag:s22] =	dma.local [hbm:s5], s20  }
0x9e: {  	_ =	swait.ge [sflag:s22], s20  }
0x9f: {  	s4 =	ssub.s32 $0x0, s20;
	[sflag:s22] =	ssyncset.done $0x0  }
0xa0: {  	[sflag:s22] =	ssyncadd.s32 s4;
	_ =	sdelay $0x1  }
0xa1: {  	s23 =	simm.s32 $0x1B8B  }
0xa2: {  	_ =	swait.ge [sflag:s23], $0x1  }
0xa3: {  	[sflag:s23] =	ssyncset.done $0x0  }
0xa4: {  	s25 =	simm.s32 $0x1B8E;
	s24 =	sld [smem:$0x3FFE];
	[sflag:s23] =	ssyncadd.s32 $0xFFFFFFFF  }
0xa5: {  	s26 =	simm.s32 $execute0_lowered;
	[smem:$0x3FD2] =	sst s25  }
0xa6: {  	s5 =	sshll.u32 s26, $0x1;
	_ =	strace $0x80000049;
	[dreg:$0x1] =	wrdreg $0xFFFFFFFF  }
0xa7: {  	s28 =	simm.s32 $_size_execute0_lowered;
	s3 =	sadd.s32 s3, s5;
	[dreg:$0x0] =	wrdreg $0x0  }
0xa8: {  	s5 =	sshll.u32 s28, $0x1;
	[dreg:$0x2] =	wrdreg s3  }
0xa9: {  	[dreg:$0x3] =	wrdreg s5  }
0xaa: {  	[dreg:$0x4] =	wrdreg $0xC0  }
0xab: {  	_ =	task [dreg:s7], $0x5FFFF  }
0xac: {  	[dreg:$0x1] =	wrdreg $0xFFFFFFFF  }
0xad: {  	[dreg:$0x0] =	wrdreg $0x60  }
0xae: {  	[dreg:$0x2] =	wrdreg s24  }
0xaf: {  	[dreg:$0x3] =	wrdreg s2  }
0xb0: {  	[dreg:$0x4] =	wrdreg $0x84000  }
0xb1: {  	[dreg:$0x5] =	wrdreg $0x124000  }
0xb2: {  	[dreg:$0x6] =	wrdreg $0x9  }
0xb3: {  	_ =	task.clear_ibuf [dreg:s7], $0x7FFFF;
	_ =	strace $0x90000049  }
0xb4: {  	s29 =	simm.s32 $0x9;
	_ =	strace $0x8000004B  }
0xb5: {  	_ =	swait.ge [sflag:s29], $0x1  }
0xb6: {  	[sflag:s29] =	ssyncadd.s32 $0xFFFFFFFF  }
0xb7: {  	_ =	strace $0x9000004B  }
0xb8: {  	_ =	sfence  }
0xb9: {  	s30 =	sld [smem:$0x0];
	_ =	sdelay $0x2  }
0xba: {  	s31 =	sshll.u32 s1, $0xD;
	s1 =	sshrl.u32 s1, $0x2  }
0xbb: {  	s3 =	sand.u32 $0x4000, s31;
	s1 =	sadd.s32 s1, s30  }
0xbc: {  	s0 =	sor.u32 s3, s0;
	s1 =	sshll.u32 s1, $0x11  }
0xbd: {  	s0 =	sor.u32 s1, s0  }
0xbe: {  	s0 =	sadd.s32 $0x8F2B, s0  }
0xbf: {  	[sflag:s0] =	ssyncadd.remote.s32 $0x1  }
0xc0: {  	_ =	sfence.sel $0xFFFF  }
0xc1: {  	[dreg:$0x0] =	wrdreg $0xFFFFFFFF;
	(pc) =	sbr.abs _section_cstart, $3  }
0xc2: {  	[dreg:$0x1] =	wrdreg $0xFFFFFFFF  }
0xc3: {  	_ =	task.clear_ibuf [dreg:s7], $0x2FFFF;
	_ =	strace $0x9FFFFFFF  }
0xc4: {  	(tm) =	ssettm $0x7FFFFFFF  }
0xc5: {  	_ =	shalt  }
tec
execute0_lowered:
.L_overlay_start_1:
0x0: {  	(tag) =	ssettag $0x1  }
0x1: {  	s0 =	rddreg [dreg:$0x0]  }
0x2: {  	s1 =	rddreg [dreg:$0x1]  }
0x3: {  	s2 =	rddreg [dreg:$0x2]  }
0x4: {  	s3 =	rddreg [dreg:$0x3]  }
0x5: {  	s11 =	stileid.u32;
	s5 =	srdreg.scid;
	s4 =	simm.s32 $0x0  }
0x6: {  	s13 =	simm.s32 $0xD;
	s15 =	simm.s32 $0x100;
	s16 =	simm.s32 $0x80  }
0x7: {  	s17 =	simm.s32 $0x400;
	s25 =	simm.s32 $0x180;
	s26 =	simm.s32 $0x280  }
0x8: {  	s28 =	simm.s32 $0x5;
	s29 =	simm.s32 $0xC;
	s30 =	simm.s32 $0x6400  }
0x9: {  	s31 =	simm.s32 $0x4;
	s7 =	smul.u32 $0xA000, s11;
	s5 =	sand.u32 $0x1, s5  }
0xa: {  	[smem:$0x7FF] =	sst s4;
	s18 =	smul.u32 $0x1400, s11;
	s19 =	sshll.u32 s11, $0x6  }
0xb: {  	s6 =	smul.u32 $0xA0000, s5;
	_ =	strace $0x8000004A;
	[dreg:$0x5] =	wrdreg s25  }
0xc: {  	s5 =	ssub.s32 $0x2, s5;
	[dreg:$0x6] =	wrdreg s26;
	s25 =	simm.s32 $0x4400  }
0xd: {  	s26 =	simm.s32 $0x3;
	s8 =	sshrl.u32 s7, $0x3;
	s9 =	sshrl.u32 s5, $0x1  }
0xe: {  	s10 =	sadd.s32 s7, s2;
	s20 =	sadd.s32 s7, s3;
	s6 =	sadd.s32 s7, s6  }
0xf: {  	s8 =	sadd.s32 s8, s0;
	s5 =	ssub.s32 s5, s9;
	s7 =	sadd.s32 s1, s18  }
0x10: {  	s24 =	sshrl.u32 s10, $0x3;
	s14 =	sshrl.u32 s20, $0x3;
	s18 =	simm.s32 $0x1  }
0x11: {  	s20 =	simm.s32 $0xA;
	s1 =	simm.s32 $0x6;
	s10 =	simm.s32 $0x0  }
0x12: {  	s6 =	sshrl.u32 s6, $0x3;
	s21 =	sadd.s32 $0x2A200, s8;
	[dreg:$0xc] =	wrdreg s24  }
0x13: {  	s22 =	sadd.s32 $0x20, s7;
	s23 =	smax.u32 s5, $0x1;
	[dreg:$0x8] =	wrdreg s21  }
0x14: {  	s24 =	simm.s32 $0xB;
	s5 =	simm.s32 $0x9;
	[dreg:$0x9] =	wrdreg s22  }
0x15: {  	s0 =	sadd.s32 s6, s0;
	[dreg:$0xb] =	wrdreg s23;
	s21 =	simm.s32 $0x2400  }
0x16: {  	s22 =	simm.s32 $0x2;
	s23 =	simm.s32 $0x300;
	s6 =	sadd.s32 $0x2200, s0  }
0x17: {  	s0 =	sadd.s32 $0x3E200, s0;
	[dreg:$0x7] =	wrdreg s6;
	s6 =	sor.u32 $0x1C0D, s19  }
0x18: {  	[dreg:$0xa] =	wrdreg s0;
	s19 =	simm.s32 $0x200;
	s0 =	simm.s32 $0x380  }
.LBB2_1:
0x19: {  	s8 =	rddreg [dreg:$0x7]  }
0x1a: {  	s9 =	rddreg [dreg:$0xc]  }
0x1b: {  	[spmem:s9], [sflag:s6] =	dma.local [hbm:s8], $0x1400  }
0x1c: {  	_ =	swait.ge [sflag:s13], $0x1400  }
0x1d: {  	[sflag:s13] =	ssyncset.done $0x0  }
0x1e: {  	s11 =	rddreg [dreg:$0x8];
	[sflag:s13] =	ssyncadd.s32 $0xFFFFEC00  }
0x1f: {  	[spmem:s14], [sflag:s6] =	dma.local [hbm:s11], $0x1400  }
0x20: {  	_ =	swait.ge [sflag:s13], $0x1400  }
0x21: {  	[sflag:s13] =	ssyncset.done $0x0  }
0x22: {  	[sflag:s13] =	ssyncadd.s32 $0xFFFFEC00  }
0x23: {  	[bflag:$0x0] =	sbarrier.arrive $0xFFFF  }
0x24: {  	[tilespmem:s4], [sflag:$0xD] =	stream.linear.gather [hbm4b:s7+s4], $0x100, $0x38;
	[tilespmem:$0x1C400] =	vst v63  }
0x25: {  	_ =	swait.ge [sflag:s13], $0x100  }
0x26: {  	[sflag:s13] =	ssyncset.done $0x0  }
0x27: {  	s12 =	rddreg [dreg:$0x9];
	[sflag:s13] =	ssyncadd.s32 $0xFFFFFF00  }
0x28: {  	[tilespmem:s15], [sflag:$0xA] =	stream.linear.gather [hbm4b:s12+s4], $0x100, $0x38;
	[tilespmem:$0x1C400] =	vst v63  }
0x29: {  	_ = 	snop  }
0x2a: {  	[tilespmem:s17], [sflag:$0x1] =	stream.indirect.gather [spmem:s2], $0x40, s4, s16, $0xb8;
	[tilespmem:$0x1C400] =	vst v63  }
0x2b: {  	_ =	swait.ge [sflag:s18], $0x2000  }
0x2c: {  	p0 =	por $0x1, $0x1;
	[sflag:s18] =	ssyncset.done $0x0  }
0x2d: {  	s11 =	simm.s32 @!p0 $0x7;
	[sflag:s18] =	ssyncadd.s32 $0xFFFFE000  }
0x2e: {  	[spmem:s3] =	stream.indirect.scatter.add.f32 [tilespmem:s17], [sflag:$0x5], $0x40, s16, s16, $0xb8;
	[tilespmem:$0x1C400] =	vst v63  }
0x2f: {  	_ =	swait.ge @!p0 [sflag:s11], $0x2000  }
0x30: {  	s12 =	sadd.s32 $0x0, s7;
	[sflag:s11] =	ssyncset.done @!p0 $0x0  }
0x31: {  	s9 =	sadd.s32 $0x40, s12;
	[sflag:s11] =	ssyncadd.s32 @!p0 $0xFFFFE000  }
0x32: {  	[tilespmem:s19], [sflag:$0xB] =	stream.linear.gather [hbm4b:s9+s4], $0x100, $0x38;
	[tilespmem:$0x1C400] =	vst v63  }
0x33: {  	_ =	swait.ge [sflag:s20], $0x100  }
0x34: {  	[sflag:s20] =	ssyncset.done $0x0  }
0x35: {  	[sflag:s20] =	ssyncadd.s32 $0xFFFFFF00  }
0x36: {  	[tilespmem:s21], [sflag:$0x2] =	stream.indirect.gather [spmem:s2], $0x40, s15, s16, $0xb8;
	[tilespmem:$0x1C400] =	vst v63  }
0x37: {  	_ =	swait.ge [sflag:s22], $0x2000  }
0x38: {  	[sflag:s22] =	ssyncset.done $0x0  }
0x39: {  	s11 =	simm.s32 @!p0 $0x8;
	s8 =	rddreg [dreg:$0x5];
	[sflag:s22] =	ssyncadd.s32 $0xFFFFE000  }
0x3a: {  	[spmem:s3] =	stream.indirect.scatter.add.f32 [tilespmem:s21], [sflag:$0x6], $0x40, s8, s16, $0xb8;
	[tilespmem:$0x1C400] =	vst v63  }
0x3b: {  	_ =	swait.ge @!p0 [sflag:s11], $0x2000  }
0x3c: {  	[sflag:s11] =	ssyncset.done @!p0 $0x0  }
0x3d: {  	s9 =	sadd.s32 $0x60, s12;
	[sflag:s11] =	ssyncadd.s32 @!p0 $0xFFFFE000  }
0x3e: {  	[tilespmem:s23], [sflag:$0xC] =	stream.linear.gather [hbm4b:s9+s4], $0x100, $0x38;
	[tilespmem:$0x1C400] =	vst v63  }
0x3f: {  	_ =	swait.ge [sflag:s24], $0x100  }
0x40: {  	[sflag:s24] =	ssyncset.done $0x0  }
0x41: {  	[sflag:s24] =	ssyncadd.s32 $0xFFFFFF00  }
0x42: {  	[tilespmem:s25], [sflag:$0x3] =	stream.indirect.gather [spmem:s2], $0x40, s19, s16, $0xb8;
	[tilespmem:$0x1C400] =	vst v63  }
0x43: {  	_ =	swait.ge [sflag:s26], $0x2000  }
0x44: {  	[sflag:s26] =	ssyncset.done $0x0  }
0x45: {  	s8 =	rddreg [dreg:$0x6];
	[sflag:s26] =	ssyncadd.s32 $0xFFFFE000  }
0x46: {  	[spmem:s3] =	stream.indirect.scatter.add.f32 [tilespmem:s25], [sflag:$0x7], $0x40, s8, s16, $0xb8;
	[tilespmem:$0x1C400] =	vst v63  }
0x47: {  	_ =	swait.ge [sflag:s28], $0x2000  }
0x48: {  	[sflag:s28] =	ssyncset.done $0x0  }
0x49: {  	s9 =	sadd.s32 $0x80, s12;
	[sflag:s28] =	ssyncadd.s32 $0xFFFFE000  }
0x4a: {  	[tilespmem:s4], [sflag:$0x9] =	stream.linear.gather [hbm4b:s9+s4], $0x100, $0x38;
	[tilespmem:$0x1C400] =	vst v63  }
0x4b: {  	_ =	swait.ge [sflag:s29], $0x100  }
0x4c: {  	[sflag:s29] =	ssyncset.done $0x0  }
0x4d: {  	[sflag:s29] =	ssyncadd.s32 $0xFFFFFF00  }
0x4e: {  	[tilespmem:s30], [sflag:$0x4] =	stream.indirect.gather [spmem:s2], $0x40, s23, s16, $0xb8;
	[tilespmem:$0x1C400] =	vst v63  }
0x4f: {  	_ =	swait.ge [sflag:s31], $0x2000  }
0x50: {  	[sflag:s31] =	ssyncset.done $0x0  }
0x51: {  	[sflag:s31] =	ssyncadd.s32 $0xFFFFE000  }
0x52: {  	[spmem:s3] =	stream.indirect.scatter.add.f32 [tilespmem:s30], [sflag:$0x8], $0x40, s0, s16, $0xb8;
	[tilespmem:$0x1C400] =	vst v63  }
0x53: {  	_ =	swait.ge [sflag:s1], $0x2000  }
0x54: {  	[sflag:s1] =	ssyncset.done $0x0  }
0x55: {  	s12 =	sadd.s32 $0xA0, s12;
	[sflag:s1] =	ssyncadd.s32 $0xFFFFE000  }
0x56: {  	[tilespmem:s15], [sflag:$0xA] =	stream.linear.gather [hbm4b:s12+s4], $0x100, $0x38;
	[tilespmem:$0x1C400] =	vst v63  }
0x57: {  	_ =	swait.ge [sflag:s5], $0x100  }
0x58: {  	s11 =	simm.s32 $0x80;
	[sflag:s5] =	ssyncset.done $0x0  }
.LBB2_2:
0x59: {  	[sflag:s5] =	ssyncadd.s32 $0xFFFFFF00  }
0x5a: {  	[tilespmem:s17], [sflag:$0x1] =	stream.indirect.gather [spmem:s2], $0x40, s4, s16, $0xb8;
	[tilespmem:$0x1C400] =	vst v63  }
0x5b: {  	s12 =	smov.u32 s11;
	_ =	swait.ge [sflag:s18], $0x2000  }
0x5c: {  	p1 =	seq.s32 s12, $0x0;
	[sflag:s18] =	ssyncset.done $0x0  }
0x5d: {  	s8 =	simm.s32 @!p1 $0x7;
	[sflag:s18] =	ssyncadd.s32 $0xFFFFE000  }
0x5e: {  	[spmem:s3] =	stream.indirect.scatter.add.f32 [tilespmem:s17], [sflag:$0x5], $0x40, s16, s16, $0xb8;
	[tilespmem:$0x1C400] =	vst v63  }
0x5f: {  	_ =	swait.ge @!p1 [sflag:s8], $0x2000  }
0x60: {  	s12 =	sadd.s32 s12, s7;
	[sflag:s8] =	ssyncset.done @!p1 $0x0  }
0x61: {  	s9 =	sadd.s32 $0x40, s12;
	[sflag:s8] =	ssyncadd.s32 @!p1 $0xFFFFE000  }
0x62: {  	[tilespmem:s19], [sflag:$0xB] =	stream.linear.gather [hbm4b:s9+s4], $0x100, $0x38;
	[tilespmem:$0x1C400] =	vst v63  }
0x63: {  	_ =	swait.ge [sflag:s20], $0x100  }
0x64: {  	[sflag:s20] =	ssyncset.done $0x0  }
0x65: {  	[sflag:s20] =	ssyncadd.s32 $0xFFFFFF00  }
0x66: {  	[tilespmem:s21], [sflag:$0x2] =	stream.indirect.gather [spmem:s2], $0x40, s15, s16, $0xb8;
	[tilespmem:$0x1C400] =	vst v63  }
0x67: {  	_ =	swait.ge [sflag:s22], $0x2000  }
0x68: {  	[sflag:s22] =	ssyncset.done $0x0  }
0x69: {  	s9 =	simm.s32 @!p1 $0x8;
	s8 =	rddreg [dreg:$0x5];
	[sflag:s22] =	ssyncadd.s32 $0xFFFFE000  }
0x6a: {  	[spmem:s3] =	stream.indirect.scatter.add.f32 [tilespmem:s21], [sflag:$0x6], $0x40, s8, s16, $0xb8;
	[tilespmem:$0x1C400] =	vst v63  }
0x6b: {  	_ =	swait.ge @!p1 [sflag:s9], $0x2000  }
0x6c: {  	[sflag:s9] =	ssyncset.done @!p1 $0x0  }
0x6d: {  	s8 =	sadd.s32 $0x60, s12;
	[sflag:s9] =	ssyncadd.s32 @!p1 $0xFFFFE000  }
0x6e: {  	[tilespmem:s23], [sflag:$0xC] =	stream.linear.gather [hbm4b:s8+s4], $0x100, $0x38;
	[tilespmem:$0x1C400] =	vst v63  }
0x6f: {  	_ =	swait.ge [sflag:s24], $0x100  }
0x70: {  	[sflag:s24] =	ssyncset.done $0x0  }
0x71: {  	[sflag:s24] =	ssyncadd.s32 $0xFFFFFF00  }
0x72: {  	[tilespmem:s25], [sflag:$0x3] =	stream.indirect.gather [spmem:s2], $0x40, s19, s16, $0xb8;
	[tilespmem:$0x1C400] =	vst v63  }
0x73: {  	_ =	swait.ge [sflag:s26], $0x2000  }
0x74: {  	[sflag:s26] =	ssyncset.done $0x0  }
0x75: {  	s9 =	rddreg [dreg:$0x6];
	[sflag:s26] =	ssyncadd.s32 $0xFFFFE000  }
0x76: {  	[spmem:s3] =	stream.indirect.scatter.add.f32 [tilespmem:s25], [sflag:$0x7], $0x40, s9, s16, $0xb8;
	[tilespmem:$0x1C400] =	vst v63  }
0x77: {  	_ =	swait.ge [sflag:s28], $0x2000  }
0x78: {  	[sflag:s28] =	ssyncset.done $0x0  }
0x79: {  	s9 =	sadd.s32 $0x80, s12;
	[sflag:s28] =	ssyncadd.s32 $0xFFFFE000  }
0x7a: {  	[tilespmem:s4], [sflag:$0x9] =	stream.linear.gather [hbm4b:s9+s4], $0x100, $0x38;
	[tilespmem:$0x1C400] =	vst v63  }
0x7b: {  	_ =	swait.ge [sflag:s29], $0x100  }
0x7c: {  	[sflag:s29] =	ssyncset.done $0x0  }
0x7d: {  	[sflag:s29] =	ssyncadd.s32 $0xFFFFFF00  }
0x7e: {  	[tilespmem:s30], [sflag:$0x4] =	stream.indirect.gather [spmem:s2], $0x40, s23, s16, $0xb8;
	[tilespmem:$0x1C400] =	vst v63  }
0x7f: {  	_ =	swait.ge [sflag:s31], $0x2000  }
0x80: {  	[sflag:s31] =	ssyncset.done $0x0  }
0x81: {  	s11 =	sadd.s32 $0x80, s11;
	[sflag:s31] =	ssyncadd.s32 $0xFFFFE000  }
0x82: {  	[spmem:s3] =	stream.indirect.scatter.add.f32 [tilespmem:s30], [sflag:$0x8], $0x40, s0, s16, $0xb8;
	[tilespmem:$0x1C400] =	vst v63  }
0x83: {  	p0 =	sne.s32 s11, $0x1400;
	_ =	swait.ge [sflag:s1], $0x2000  }
.Ltmp0:
0x84: {  	[sflag:s1] =	ssyncset.done $0x0;
	(pc) =	sbr.rel @p0 .LBB2_2-.Ltmp0, $4  }
0x85: {  	s12 =	sadd.s32 $0xA0, s12;
	[sflag:s1] =	ssyncadd.s32 $0xFFFFE000  }
0x86: {  	[tilespmem:s15], [sflag:$0xA] =	stream.linear.gather [hbm4b:s12+s4], $0x100, $0x38;
	[tilespmem:$0x1C400] =	vst v63  }
0x87: {  	_ =	swait.ge [sflag:s5], $0x100  }
0x88: {  	[sflag:s5] =	ssyncset.done $0x0  }
0x89: {  	[sflag:s5] =	ssyncadd.s32 $0xFFFFFF00;
	s8 =	simm.s32 $0x7  }
0x8a: {  	[tilespmem:s17], [sflag:$0x1] =	stream.indirect.gather [spmem:s2], $0x40, s4, s16, $0xb8;
	[tilespmem:$0x1C400] =	vst v63  }
0x8b: {  	_ =	swait.ge [sflag:s8], $0x2000  }
0x8c: {  	[sflag:s8] =	ssyncset.done $0x0  }
0x8d: {  	s9 =	simm.s32 $0x8;
	[sflag:s8] =	ssyncadd.s32 $0xFFFFE000  }
0x8e: {  	_ =	swait.ge [sflag:s9], $0x2000  }
0x8f: {  	[sflag:s9] =	ssyncset.done $0x0  }
0x90: {  	[sflag:s9] =	ssyncadd.s32 $0xFFFFE000  }
0x91: {  	_ =	swait.ge [sflag:s18], $0x2000  }
0x92: {  	[sflag:s18] =	ssyncset.done $0x0  }
0x93: {  	[sflag:s18] =	ssyncadd.s32 $0xFFFFE000  }
0x94: {  	_ =	swait.ge [sflag:s20], $0x100  }
0x95: {  	[sflag:s20] =	ssyncset.done $0x0  }
0x96: {  	[sflag:s20] =	ssyncadd.s32 $0xFFFFFF00  }
0x97: {  	[bflag:$0x0] =	sbarrier.arrive $0xFFFF  }
0x98: {  	s11 =	rddreg [dreg:$0xa]  }
0x99: {  	[hbm:s11], [sflag:s6] =	dma.local [spmem:s14], $0x1400  }
0x9a: {  	_ =	swait.ge [sflag:s13], $0x1400  }
0x9b: {  	s10 =	sadd.s32 $0x1, s10;
	s12 =	rddreg [dreg:$0xb]  }
0x9c: {  	p0 =	sne.s32 s10, s12  }
.Ltmp1:
0x9d: {  	_ = 	snop;
	(pc) =	sbr.rel @p0 .LBB2_1-.Ltmp1, $3  }
0x9e: {  	_ =	sdelay $0x1  }
0x9f: {  	[sflag:s13] =	ssyncset.done $0x0  }
0xa0: {  	[sflag:s13] =	ssyncadd.s32 $0xFFFFEC00  }
0xa1: {  	_ =	sfence.sel $0x180000  }
0xa2: {  	[bflag:$0x0] =	sbarrier.arrive $0xFFFF  }
0xa3: {  	_ =	strace $0x9000004A  }
0xa4: {  	s0 =	stileid.u32;
	[bflag:$0x2] =	sbarrier.arrive $0xFFFF  }
0xa5: {  	p0 =	sne.s32 s0, $0x0;
	s0 =	rddreg [dreg:$0x4]  }
0xa6: {  	s0 =	sadd.s32 @!p0 $0x100000, s0  }
0xa7: {  	[sflag:s0] =	ssyncadd.tile.s32 @!p0 $0x1;
	_ =	shalt  }
.Lfunc_end2:
_tile_overlayer_lowered:
.L_overlay_start_2:
0xa8: {  	(tag) =	ssettag $0x2  }
0xa9: {  	s0 =	rddreg [dreg:$0x0];
	s2 =	stileid.u32  }
0xaa: {  	s1 =	rddreg [dreg:$0x1];
	p0 =	sne.s32 s2, $0x0  }
0xab: {  	s3 =	rddreg [dreg:$0x2];
	[bflag:$0x3] =	sbarrier.arrive $0xFFFF;
	s2 =	simm.s32 @!p0 $0x1C0D  }
0xac: {  	[timem:s3], [sflag:s2] =	dma.local @!p0 [hbm:s0], s1  }
0xad: {  	s0 =	simm.s32 @!p0 $0xD  }
0xae: {  	_ =	swait.ge @!p0 [sflag:s0], s1  }
0xaf: {  	s1 =	ssub.s32 @!p0 $0x0, s1;
	[sflag:s0] =	ssyncset.done @!p0 $0x0  }
0xb0: {  	[sflag:s0] =	ssyncadd.s32 @!p0 s1  }
0xb1: {  	[bflag:$0x3] =	sbarrier.arrive $0xFFFF  }
0xb2: {  	_ =	shalt  }

// kernel: kernel.14.cloned.1.call-start
scs
__scs_entry_jumppad:
0x0: {  	(pc) =	sbr.rel $0x88, $3  }
0x1: {  	(tag) =	ssettag $0x0;
	lr =	simm.s32 $0x1  }
0x2: {  	[smem:$0x3F95] =	sst lr;
	_ =	strace $0xD0000000  }
0x3: {  	_ = 	snop  }
0x4: {  	_ = 	snop  }
0x5: {  	_ = 	snop  }
0x6: {  	_ = 	snop  }
0x7: {  	_ = 	snop  }
__scs_overlays_trampoline_lowered:
0x8: {  	[smem:$0x3FA4] =	sst s0  }
0x9: {  	[smem:$0x3FA5] =	sst s1  }
0xa: {  	[smem:$0x3FA6] =	sst s2  }
0xb: {  	[smem:$0x3FA7] =	sst s3  }
0xc: {  	[smem:$0x3FA8] =	sst s4  }
0xd: {  	[smem:$0x3FA9] =	sst s5  }
0xe: {  	[smem:$0x3FAA] =	sst s6  }
0xf: {  	[smem:$0x3FAB] =	sst s7  }
0x10: {  	[smem:$0x3FAC] =	sst s8  }
0x11: {  	[smem:$0x3FAD] =	sst s9;
	s0 =	simm.s32 @!p0 $0x0  }
0x12: {  	s1 =	sld [smem:$0x3F93];
	s0 =	simm.s32 @p0 $0x1  }
0x13: {  	[smem:$0x3FAE] =	sst s0;
	s0 =	simm.s32 @!p1 $0x0  }
0x14: {  	s2 =	sld [smem:$0x3F92];
	s0 =	simm.s32 @p1 $0x1  }
0x15: {  	[smem:$0x3FAF] =	sst s0;
	s0 =	simm.s32 @!p2 $0x0  }
0x16: {  	s3 =	sld [smem:$0x3FDB];
	s0 =	simm.s32 @p2 $0x1  }
0x17: {  	s4 =	simm.s32 $0x1BF5;
	[smem:$0x3FB1] =	sst s0  }
0x18: {  	s0 =	sld [smem:$0x3F94];
	_ =	swait.ge [sflag:s4], $0x0  }
0x19: {  	s7 =	sld [smem:$0x3F95]  }
0x1a: {  	s8 =	sadd.s32 $0xFFFFE003, lr  }
0x1b: {  	s9 =	sadd.s32 $0xFFFFFEF7, lr;
	s5 =	simm.s32 $0xFFFFFFFF;
	p2 =	slt.u32 s8, $0xFFFFF086  }
0x1c: {  	p1 =	slt.u32 s9, $0xF7A;
	s5 =	simm.s32 @!p2 $0x0  }
0x1d: {  	s5 =	simm.s32 @p1 $0x1;
	p0 =	seq.s32 s7, s2  }
0x1e: {  	s7 =	smul.u32 @!p0 $0xF7A, s2;
	p2 =	seq.s32 @!p0 s5, $0x0  }
0x1f: {  	s9 =	smul.u32 $0xF7A, s1;
	s8 =	simm.s32 @!p0 $0x1BF5;
	p2 =	por !p2, p0  }
0x20: {  	[sflag:s8] =	ssyncset.s32 @!p0 $0xFFFFF086;
	s6 =	sadd.s32 @!p0 s3, s7;
	s7 =	simm.s32 @!p0 $0x108  }
0x21: {  	s3 =	sadd.s32 s3, s9;
	s6 =	sadd.s32 @!p0 $0x88, s6;
	s7 =	simm.s32 @p2 $0x1082  }
0x22: {  	[simem:s7], [sflag:s8] =	dma.local @!p0 [hbm:s6], $0xF7A  }
0x23: {  	s9 =	sor.u32 $0xD0000000, s2;
	s6 =	simm.s32 $0x108;
	_ =	swait.ge @!p0 [sflag:s8], $0x0  }
0x24: {  	s3 =	sadd.s32 $0x88, s3;
	s6 =	simm.s32 @!p1 $0x1082;
	[sflag:s4] =	ssyncset.s32 $0xFFFFF086  }
0x25: {  	[simem:s6], [sflag:s4] =	dma.local [hbm:s3], $0xF7A  }
0x26: {  	[smem:$0x3F95] =	sst s1;
	(tag) =	ssettag s2;
	_ =	strace s9  }
0x27: {  	s1 =	sld [smem:$0x3FA5]  }
0x28: {  	s2 =	sld [smem:$0x3FA6]  }
0x29: {  	s4 =	sld [smem:$0x3FA8]  }
0x2a: {  	p0 =	seq.s32 s5, $0x0;
	s5 =	sld [smem:$0x3FA9]  }
0x2b: {  	s6 =	sld [smem:$0x3FAA]  }
0x2c: {  	s7 =	sld [smem:$0x3FAB]  }
0x2d: {  	s3 =	simm.s32 $0x108;
	s8 =	sld [smem:$0x3FAC]  }
0x2e: {  	s3 =	simm.s32 @!p0 $0x1082;
	s9 =	sld [smem:$0x3FAD]  }
0x2f: {  	lr =	sadd.s32 s0, s3;
	s0 =	sld [smem:$0x3FA4]  }
0x30: {  	s3 =	sld [smem:$0x3FA7]  }
0x31: {  	[smem:$0x3FB0] =	sst s10  }
0x32: {  	s10 =	sld [smem:$0x3FAE];
	_ =	sdelay $0x3  }
0x33: {  	p0 =	seq.s32 s10, $0x1;
	s10 =	sld [smem:$0x3FB0];
	_ =	sdelay $0x3  }
0x34: {  	[smem:$0x3FB0] =	sst s10  }
0x35: {  	s10 =	sld [smem:$0x3FAF];
	_ =	sdelay $0x3  }
0x36: {  	p1 =	seq.s32 s10, $0x1;
	s10 =	sld [smem:$0x3FB0];
	_ =	sdelay $0x3  }
0x37: {  	[smem:$0x3FB0] =	sst s10  }
0x38: {  	s10 =	sld [smem:$0x3FB1]  }
0x39: {  	_ = 	snop;
	(pc) =	sbr.ind lr, $3  }
0x3a: {  	_ = 	snop  }
0x3b: {  	_ = 	snop  }
0x3c: {  	p2 =	seq.s32 s10, $0x1;
	s10 =	sld [smem:$0x3FB0]  }
0x3d: {  	_ =	shalt  }
0x3e: {  	_ =	shalt  }
0x3f: {  	_ =	shalt  }
0x40: {  	_ =	shalt  }
0x41: {  	_ =	shalt  }
0x42: {  	_ =	shalt  }
0x43: {  	_ =	shalt  }
0x44: {  	_ =	shalt  }
0x45: {  	_ =	shalt  }
0x46: {  	_ =	shalt  }
0x47: {  	_ =	shalt  }
0x48: {  	_ =	shalt  }
0x49: {  	_ =	shalt  }
0x4a: {  	_ =	shalt  }
0x4b: {  	_ =	shalt  }
0x4c: {  	_ =	shalt  }
0x4d: {  	_ =	shalt  }
0x4e: {  	_ =	shalt  }
0x4f: {  	_ =	shalt  }
0x50: {  	_ =	shalt  }
0x51: {  	_ =	shalt  }
0x52: {  	_ =	shalt  }
0x53: {  	_ =	shalt  }
0x54: {  	_ =	shalt  }
0x55: {  	_ =	shalt  }
0x56: {  	_ =	shalt  }
0x57: {  	_ =	shalt  }
0x58: {  	_ =	shalt  }
0x59: {  	_ =	shalt  }
0x5a: {  	_ =	shalt  }
0x5b: {  	_ =	shalt  }
0x5c: {  	_ =	shalt  }
0x5d: {  	_ =	shalt  }
0x5e: {  	_ =	shalt  }
0x5f: {  	_ =	shalt  }
0x60: {  	_ =	shalt  }
0x61: {  	_ =	shalt  }
0x62: {  	_ =	shalt  }
0x63: {  	_ =	shalt  }
0x64: {  	_ =	shalt  }
0x65: {  	_ =	shalt  }
0x66: {  	_ =	shalt  }
0x67: {  	_ =	shalt  }
0x68: {  	_ =	shalt  }
0x69: {  	_ =	shalt  }
0x6a: {  	_ =	shalt  }
0x6b: {  	_ =	shalt  }
0x6c: {  	_ =	shalt  }
0x6d: {  	_ =	shalt  }
0x6e: {  	_ =	shalt  }
0x6f: {  	_ =	shalt  }
0x70: {  	_ =	shalt  }
0x71: {  	_ =	shalt  }
0x72: {  	_ =	shalt  }
0x73: {  	_ =	shalt  }
0x74: {  	_ =	shalt  }
0x75: {  	_ =	shalt  }
0x76: {  	_ =	shalt  }
0x77: {  	_ =	shalt  }
0x78: {  	_ =	shalt  }
0x79: {  	_ =	shalt  }
0x7a: {  	_ =	shalt  }
0x7b: {  	_ =	shalt  }
0x7c: {  	_ =	shalt  }
0x7d: {  	_ =	shalt  }
0x7e: {  	_ =	shalt  }
0x7f: {  	_ =	shalt  }
0x80: {  	_ =	shalt  }
0x81: {  	_ =	shalt  }
0x82: {  	_ =	shalt  }
0x83: {  	_ =	shalt  }
0x84: {  	_ =	shalt  }
0x85: {  	_ =	shalt  }
0x86: {  	_ =	shalt  }
0x87: {  	_ =	shalt  }
.Lfunc_end0:
.L_simem_size_0:
called_computation.2_lowered:
.L_overlay_start_0:
0x88: {  	s2 =	sld [smem:$0x3FD9]  }
0x89: {  	s3 =	sld [smem:$0x3FFE];
	_ =	sdelay $0x1  }
0x8a: {  	s1 =	srdreg.scid  }
0x8b: {  	s0 =	sand.u32 $0x1, s1  }
0x8c: {  	s17 =	sshll.u32 s0, $0xA;
	s2 =	sadd.s32 s3, s2  }
0x8d: {  	s2 =	sadd.s32 s2, s17  }
0x8e: {  	[smem:$0x3FBC] =	sst s2  }
0x8f: {  	_ = 	snop  }
0x90: {  	s2 =	sld [smem:$0x3FD0];
	(tm) =	ssettm $0x1  }
0x91: {  	s18 =	sld [smem:$0x3FFB];
	_ =	sdelay $0x3  }
0x92: {  	_ =	strace s18  }
0x93: {  	s3 =	sld [smem:$0x3FFC];
	_ =	sdelay $0x3  }
0x94: {  	_ =	strace s3  }
0x95: {  	s3 =	sld [smem:$0x3FFD];
	_ =	sdelay $0x3  }
0x96: {  	_ =	strace s3  }
0x97: {  	_ =	strace $0x8FFFFFFF  }
0x98: {  	s19 =	sld [smem:$0x3FDB];
	_ =	sdelay $0x1  }
0x99: {  	s4 =	simm.s32 $_scs_section_size  }
0x9a: {  	s5 =	simm.s32 $_size__tile_overlayer_lowered;
	s6 =	simm.s32 $_tile_overlayer_lowered  }
0x9b: {  	s22 =	simm.s32 $0x1BFF;
	s21 =	sshll.u32 s6, $0x1;
	s3 =	sadd.s32 s4, s19  }
0x9c: {  	s7 =	simm.s32 $0x0;
	s20 =	sshll.u32 s5, $0x1;
	s5 =	sadd.s32 s21, s3  }
0x9d: {  	[timem:s7], [sflag:s22] =	dma.local [hbm:s5], s20  }
0x9e: {  	_ =	swait.ge [sflag:s22], s20  }
0x9f: {  	s4 =	ssub.s32 $0x0, s20;
	[sflag:s22] =	ssyncset.done $0x0  }
0xa0: {  	[sflag:s22] =	ssyncadd.s32 s4;
	_ =	sdelay $0x1  }
0xa1: {  	s23 =	simm.s32 $0x1B8B  }
0xa2: {  	_ =	swait.ge [sflag:s23], $0x1  }
0xa3: {  	[sflag:s23] =	ssyncset.done $0x0  }
0xa4: {  	s25 =	simm.s32 $0x1B8E;
	s24 =	sld [smem:$0x3FFE];
	[sflag:s23] =	ssyncadd.s32 $0xFFFFFFFF  }
0xa5: {  	s26 =	simm.s32 $execute0_lowered;
	[smem:$0x3FD2] =	sst s25  }
0xa6: {  	s5 =	sshll.u32 s26, $0x1;
	_ =	strace $0x8000004C;
	[dreg:$0x1] =	wrdreg $0xFFFFFFFF  }
0xa7: {  	s28 =	simm.s32 $_size_execute0_lowered;
	s3 =	sadd.s32 s3, s5;
	[dreg:$0x0] =	wrdreg $0x0  }
0xa8: {  	s5 =	sshll.u32 s28, $0x1;
	[dreg:$0x2] =	wrdreg s3  }
0xa9: {  	[dreg:$0x3] =	wrdreg s5  }
0xaa: {  	[dreg:$0x4] =	wrdreg $0xC0  }
0xab: {  	_ =	task [dreg:s7], $0x5FFFF  }
0xac: {  	[dreg:$0x1] =	wrdreg $0xFFFFFFFF  }
0xad: {  	[dreg:$0x0] =	wrdreg $0x60  }
0xae: {  	[dreg:$0x2] =	wrdreg s24  }
0xaf: {  	[dreg:$0x3] =	wrdreg s2  }
0xb0: {  	[dreg:$0x4] =	wrdreg $0x84000  }
0xb1: {  	[dreg:$0x5] =	wrdreg $0x124000  }
0xb2: {  	[dreg:$0x6] =	wrdreg $0x9  }
0xb3: {  	_ =	task.clear_ibuf [dreg:s7], $0x7FFFF;
	_ =	strace $0x9000004C  }
0xb4: {  	s29 =	simm.s32 $0x9;
	_ =	strace $0x8000004E  }
0xb5: {  	_ =	swait.ge [sflag:s29], $0x1  }
0xb6: {  	[sflag:s29] =	ssyncadd.s32 $0xFFFFFFFF  }
0xb7: {  	_ =	strace $0x9000004E  }
0xb8: {  	_ =	sfence  }
0xb9: {  	s30 =	sld [smem:$0x0];
	_ =	sdelay $0x2  }
0xba: {  	s31 =	sshll.u32 s1, $0xD;
	s1 =	sshrl.u32 s1, $0x2  }
0xbb: {  	s3 =	sand.u32 $0x4000, s31;
	s1 =	sadd.s32 s1, s30  }
0xbc: {  	s0 =	sor.u32 s3, s0;
	s1 =	sshll.u32 s1, $0x11  }
0xbd: {  	s0 =	sor.u32 s1, s0  }
0xbe: {  	s0 =	sadd.s32 $0x8F2B, s0  }
0xbf: {  	[sflag:s0] =	ssyncadd.remote.s32 $0x1  }
0xc0: {  	_ =	sfence.sel $0xFFFF  }
0xc1: {  	[dreg:$0x0] =	wrdreg $0xFFFFFFFF;
	(pc) =	sbr.abs _section_cstart, $3  }
0xc2: {  	[dreg:$0x1] =	wrdreg $0xFFFFFFFF  }
0xc3: {  	_ =	task.clear_ibuf [dreg:s7], $0x2FFFF;
	_ =	strace $0x9FFFFFFF  }
0xc4: {  	(tm) =	ssettm $0x7FFFFFFF  }
0xc5: {  	_ =	shalt  }
tec
execute0_lowered:
.L_overlay_start_1:
0x0: {  	(tag) =	ssettag $0x1  }
0x1: {  	s0 =	rddreg [dreg:$0x0]  }
0x2: {  	s1 =	rddreg [dreg:$0x1]  }
0x3: {  	s2 =	rddreg [dreg:$0x2]  }
0x4: {  	s3 =	rddreg [dreg:$0x3]  }
0x5: {  	s11 =	stileid.u32;
	s5 =	srdreg.scid;
	s4 =	simm.s32 $0x0  }
0x6: {  	s13 =	simm.s32 $0xD;
	s15 =	simm.s32 $0x100;
	s16 =	simm.s32 $0x80  }
0x7: {  	s17 =	simm.s32 $0x400;
	s25 =	simm.s32 $0x180;
	s26 =	simm.s32 $0x280  }
0x8: {  	s28 =	simm.s32 $0x5;
	s29 =	simm.s32 $0xC;
	s30 =	simm.s32 $0x6400  }
0x9: {  	s31 =	simm.s32 $0x4;
	s7 =	smul.u32 $0xA000, s11;
	s5 =	sand.u32 $0x1, s5  }
0xa: {  	[smem:$0x7FF] =	sst s4;
	s18 =	smul.u32 $0x1400, s11;
	s19 =	sshll.u32 s11, $0x6  }
0xb: {  	s6 =	smul.u32 $0xA0000, s5;
	_ =	strace $0x8000004D;
	[dreg:$0x5] =	wrdreg s25  }
0xc: {  	s5 =	ssub.s32 $0x2, s5;
	[dreg:$0x6] =	wrdreg s26;
	s25 =	simm.s32 $0x4400  }
0xd: {  	s26 =	simm.s32 $0x3;
	s8 =	sshrl.u32 s7, $0x3;
	s9 =	sshrl.u32 s5, $0x1  }
0xe: {  	s10 =	sadd.s32 s7, s2;
	s20 =	sadd.s32 s7, s3;
	s6 =	sadd.s32 s7, s6  }
0xf: {  	s8 =	sadd.s32 s8, s0;
	s5 =	ssub.s32 s5, s9;
	s7 =	sadd.s32 s1, s18  }
0x10: {  	s24 =	sshrl.u32 s10, $0x3;
	s14 =	sshrl.u32 s20, $0x3;
	s18 =	simm.s32 $0x1  }
0x11: {  	s20 =	simm.s32 $0xA;
	s1 =	simm.s32 $0x6;
	s10 =	simm.s32 $0x0  }
0x12: {  	s6 =	sshrl.u32 s6, $0x3;
	s21 =	sadd.s32 $0x2A200, s8;
	[dreg:$0xc] =	wrdreg s24  }
0x13: {  	s22 =	sadd.s32 $0x20, s7;
	s23 =	smax.u32 s5, $0x1;
	[dreg:$0x8] =	wrdreg s21  }
0x14: {  	s24 =	simm.s32 $0xB;
	s5 =	simm.s32 $0x9;
	[dreg:$0x9] =	wrdreg s22  }
0x15: {  	s0 =	sadd.s32 s6, s0;
	[dreg:$0xb] =	wrdreg s23;
	s21 =	simm.s32 $0x2400  }
0x16: {  	s22 =	simm.s32 $0x2;
	s23 =	simm.s32 $0x300;
	s6 =	sadd.s32 $0x2200, s0  }
0x17: {  	s0 =	sadd.s32 $0x3E200, s0;
	[dreg:$0x7] =	wrdreg s6;
	s6 =	sor.u32 $0x1C0D, s19  }
0x18: {  	[dreg:$0xa] =	wrdreg s0;
	s19 =	simm.s32 $0x200;
	s0 =	simm.s32 $0x380  }
.LBB2_1:
0x19: {  	s8 =	rddreg [dreg:$0x7]  }
0x1a: {  	s9 =	rddreg [dreg:$0xc]  }
0x1b: {  	[spmem:s9], [sflag:s6] =	dma.local [hbm:s8], $0x1400  }
0x1c: {  	_ =	swait.ge [sflag:s13], $0x1400  }
0x1d: {  	[sflag:s13] =	ssyncset.done $0x0  }
0x1e: {  	s11 =	rddreg [dreg:$0x8];
	[sflag:s13] =	ssyncadd.s32 $0xFFFFEC00  }
0x1f: {  	[spmem:s14], [sflag:s6] =	dma.local [hbm:s11], $0x1400  }
0x20: {  	_ =	swait.ge [sflag:s13], $0x1400  }
0x21: {  	[sflag:s13] =	ssyncset.done $0x0  }
0x22: {  	[sflag:s13] =	ssyncadd.s32 $0xFFFFEC00  }
0x23: {  	[bflag:$0x0] =	sbarrier.arrive $0xFFFF  }
0x24: {  	[tilespmem:s4], [sflag:$0xD] =	stream.linear.gather [hbm4b:s7+s4], $0x100, $0x38;
	[tilespmem:$0x1C400] =	vst v63  }
0x25: {  	_ =	swait.ge [sflag:s13], $0x100  }
0x26: {  	[sflag:s13] =	ssyncset.done $0x0  }
0x27: {  	s12 =	rddreg [dreg:$0x9];
	[sflag:s13] =	ssyncadd.s32 $0xFFFFFF00  }
0x28: {  	[tilespmem:s15], [sflag:$0xA] =	stream.linear.gather [hbm4b:s12+s4], $0x100, $0x38;
	[tilespmem:$0x1C400] =	vst v63  }
0x29: {  	_ = 	snop  }
0x2a: {  	[tilespmem:s17], [sflag:$0x1] =	stream.indirect.gather [spmem:s2], $0x40, s4, s16, $0xb8;
	[tilespmem:$0x1C400] =	vst v63  }
0x2b: {  	_ =	swait.ge [sflag:s18], $0x2000  }
0x2c: {  	p0 =	por $0x1, $0x1;
	[sflag:s18] =	ssyncset.done $0x0  }
0x2d: {  	s11 =	simm.s32 @!p0 $0x7;
	[sflag:s18] =	ssyncadd.s32 $0xFFFFE000  }
0x2e: {  	[spmem:s3] =	stream.indirect.scatter.add.f32 [tilespmem:s17], [sflag:$0x5], $0x40, s16, s16, $0xb8;
	[tilespmem:$0x1C400] =	vst v63  }
0x2f: {  	_ =	swait.ge @!p0 [sflag:s11], $0x2000  }
0x30: {  	s12 =	sadd.s32 $0x0, s7;
	[sflag:s11] =	ssyncset.done @!p0 $0x0  }
0x31: {  	s9 =	sadd.s32 $0x40, s12;
	[sflag:s11] =	ssyncadd.s32 @!p0 $0xFFFFE000  }
0x32: {  	[tilespmem:s19], [sflag:$0xB] =	stream.linear.gather [hbm4b:s9+s4], $0x100, $0x38;
	[tilespmem:$0x1C400] =	vst v63  }
0x33: {  	_ =	swait.ge [sflag:s20], $0x100  }
0x34: {  	[sflag:s20] =	ssyncset.done $0x0  }
0x35: {  	[sflag:s20] =	ssyncadd.s32 $0xFFFFFF00  }
0x36: {  	[tilespmem:s21], [sflag:$0x2] =	stream.indirect.gather [spmem:s2], $0x40, s15, s16, $0xb8;
	[tilespmem:$0x1C400] =	vst v63  }
0x37: {  	_ =	swait.ge [sflag:s22], $0x2000  }
0x38: {  	[sflag:s22] =	ssyncset.done $0x0  }
0x39: {  	s11 =	simm.s32 @!p0 $0x8;
	s8 =	rddreg [dreg:$0x5];
	[sflag:s22] =	ssyncadd.s32 $0xFFFFE000  }
0x3a: {  	[spmem:s3] =	stream.indirect.scatter.add.f32 [tilespmem:s21], [sflag:$0x6], $0x40, s8, s16, $0xb8;
	[tilespmem:$0x1C400] =	vst v63  }
0x3b: {  	_ =	swait.ge @!p0 [sflag:s11], $0x2000  }
0x3c: {  	[sflag:s11] =	ssyncset.done @!p0 $0x0  }
0x3d: {  	s9 =	sadd.s32 $0x60, s12;
	[sflag:s11] =	ssyncadd.s32 @!p0 $0xFFFFE000  }
0x3e: {  	[tilespmem:s23], [sflag:$0xC] =	stream.linear.gather [hbm4b:s9+s4], $0x100, $0x38;
	[tilespmem:$0x1C400] =	vst v63  }
0x3f: {  	_ =	swait.ge [sflag:s24], $0x100  }
0x40: {  	[sflag:s24] =	ssyncset.done $0x0  }
0x41: {  	[sflag:s24] =	ssyncadd.s32 $0xFFFFFF00  }
0x42: {  	[tilespmem:s25], [sflag:$0x3] =	stream.indirect.gather [spmem:s2], $0x40, s19, s16, $0xb8;
	[tilespmem:$0x1C400] =	vst v63  }
0x43: {  	_ =	swait.ge [sflag:s26], $0x2000  }
0x44: {  	[sflag:s26] =	ssyncset.done $0x0  }
0x45: {  	s8 =	rddreg [dreg:$0x6];
	[sflag:s26] =	ssyncadd.s32 $0xFFFFE000  }
0x46: {  	[spmem:s3] =	stream.indirect.scatter.add.f32 [tilespmem:s25], [sflag:$0x7], $0x40, s8, s16, $0xb8;
	[tilespmem:$0x1C400] =	vst v63  }
0x47: {  	_ =	swait.ge [sflag:s28], $0x2000  }
0x48: {  	[sflag:s28] =	ssyncset.done $0x0  }
0x49: {  	s9 =	sadd.s32 $0x80, s12;
	[sflag:s28] =	ssyncadd.s32 $0xFFFFE000  }
0x4a: {  	[tilespmem:s4], [sflag:$0x9] =	stream.linear.gather [hbm4b:s9+s4], $0x100, $0x38;
	[tilespmem:$0x1C400] =	vst v63  }
0x4b: {  	_ =	swait.ge [sflag:s29], $0x100  }
0x4c: {  	[sflag:s29] =	ssyncset.done $0x0  }
0x4d: {  	[sflag:s29] =	ssyncadd.s32 $0xFFFFFF00  }
0x4e: {  	[tilespmem:s30], [sflag:$0x4] =	stream.indirect.gather [spmem:s2], $0x40, s23, s16, $0xb8;
	[tilespmem:$0x1C400] =	vst v63  }
0x4f: {  	_ =	swait.ge [sflag:s31], $0x2000  }
0x50: {  	[sflag:s31] =	ssyncset.done $0x0  }
0x51: {  	[sflag:s31] =	ssyncadd.s32 $0xFFFFE000  }
0x52: {  	[spmem:s3] =	stream.indirect.scatter.add.f32 [tilespmem:s30], [sflag:$0x8], $0x40, s0, s16, $0xb8;
	[tilespmem:$0x1C400] =	vst v63  }
0x53: {  	_ =	swait.ge [sflag:s1], $0x2000  }
0x54: {  	[sflag:s1] =	ssyncset.done $0x0  }
0x55: {  	s12 =	sadd.s32 $0xA0, s12;
	[sflag:s1] =	ssyncadd.s32 $0xFFFFE000  }
0x56: {  	[tilespmem:s15], [sflag:$0xA] =	stream.linear.gather [hbm4b:s12+s4], $0x100, $0x38;
	[tilespmem:$0x1C400] =	vst v63  }
0x57: {  	_ =	swait.ge [sflag:s5], $0x100  }
0x58: {  	s11 =	simm.s32 $0x80;
	[sflag:s5] =	ssyncset.done $0x0  }
.LBB2_2:
0x59: {  	[sflag:s5] =	ssyncadd.s32 $0xFFFFFF00  }
0x5a: {  	[tilespmem:s17], [sflag:$0x1] =	stream.indirect.gather [spmem:s2], $0x40, s4, s16, $0xb8;
	[tilespmem:$0x1C400] =	vst v63  }
0x5b: {  	s12 =	smov.u32 s11;
	_ =	swait.ge [sflag:s18], $0x2000  }
0x5c: {  	p1 =	seq.s32 s12, $0x0;
	[sflag:s18] =	ssyncset.done $0x0  }
0x5d: {  	s8 =	simm.s32 @!p1 $0x7;
	[sflag:s18] =	ssyncadd.s32 $0xFFFFE000  }
0x5e: {  	[spmem:s3] =	stream.indirect.scatter.add.f32 [tilespmem:s17], [sflag:$0x5], $0x40, s16, s16, $0xb8;
	[tilespmem:$0x1C400] =	vst v63  }
0x5f: {  	_ =	swait.ge @!p1 [sflag:s8], $0x2000  }
0x60: {  	s12 =	sadd.s32 s12, s7;
	[sflag:s8] =	ssyncset.done @!p1 $0x0  }
0x61: {  	s9 =	sadd.s32 $0x40, s12;
	[sflag:s8] =	ssyncadd.s32 @!p1 $0xFFFFE000  }
0x62: {  	[tilespmem:s19], [sflag:$0xB] =	stream.linear.gather [hbm4b:s9+s4], $0x100, $0x38;
	[tilespmem:$0x1C400] =	vst v63  }
0x63: {  	_ =	swait.ge [sflag:s20], $0x100  }
0x64: {  	[sflag:s20] =	ssyncset.done $0x0  }
0x65: {  	[sflag:s20] =	ssyncadd.s32 $0xFFFFFF00  }
0x66: {  	[tilespmem:s21], [sflag:$0x2] =	stream.indirect.gather [spmem:s2], $0x40, s15, s16, $0xb8;
	[tilespmem:$0x1C400] =	vst v63  }
0x67: {  	_ =	swait.ge [sflag:s22], $0x2000  }
0x68: {  	[sflag:s22] =	ssyncset.done $0x0  }
0x69: {  	s9 =	simm.s32 @!p1 $0x8;
	s8 =	rddreg [dreg:$0x5];
	[sflag:s22] =	ssyncadd.s32 $0xFFFFE000  }
0x6a: {  	[spmem:s3] =	stream.indirect.scatter.add.f32 [tilespmem:s21], [sflag:$0x6], $0x40, s8, s16, $0xb8;
	[tilespmem:$0x1C400] =	vst v63  }
0x6b: {  	_ =	swait.ge @!p1 [sflag:s9], $0x2000  }
0x6c: {  	[sflag:s9] =	ssyncset.done @!p1 $0x0  }
0x6d: {  	s8 =	sadd.s32 $0x60, s12;
	[sflag:s9] =	ssyncadd.s32 @!p1 $0xFFFFE000  }
0x6e: {  	[tilespmem:s23], [sflag:$0xC] =	stream.linear.gather [hbm4b:s8+s4], $0x100, $0x38;
	[tilespmem:$0x1C400] =	vst v63  }
0x6f: {  	_ =	swait.ge [sflag:s24], $0x100  }
0x70: {  	[sflag:s24] =	ssyncset.done $0x0  }
0x71: {  	[sflag:s24] =	ssyncadd.s32 $0xFFFFFF00  }
0x72: {  	[tilespmem:s25], [sflag:$0x3] =	stream.indirect.gather [spmem:s2], $0x40, s19, s16, $0xb8;
	[tilespmem:$0x1C400] =	vst v63  }
0x73: {  	_ =	swait.ge [sflag:s26], $0x2000  }
0x74: {  	[sflag:s26] =	ssyncset.done $0x0  }
0x75: {  	s9 =	rddreg [dreg:$0x6];
	[sflag:s26] =	ssyncadd.s32 $0xFFFFE000  }
0x76: {  	[spmem:s3] =	stream.indirect.scatter.add.f32 [tilespmem:s25], [sflag:$0x7], $0x40, s9, s16, $0xb8;
	[tilespmem:$0x1C400] =	vst v63  }
0x77: {  	_ =	swait.ge [sflag:s28], $0x2000  }
0x78: {  	[sflag:s28] =	ssyncset.done $0x0  }
0x79: {  	s9 =	sadd.s32 $0x80, s12;
	[sflag:s28] =	ssyncadd.s32 $0xFFFFE000  }
0x7a: {  	[tilespmem:s4], [sflag:$0x9] =	stream.linear.gather [hbm4b:s9+s4], $0x100, $0x38;
	[tilespmem:$0x1C400] =	vst v63  }
0x7b: {  	_ =	swait.ge [sflag:s29], $0x100  }
0x7c: {  	[sflag:s29] =	ssyncset.done $0x0  }
0x7d: {  	[sflag:s29] =	ssyncadd.s32 $0xFFFFFF00  }
0x7e: {  	[tilespmem:s30], [sflag:$0x4] =	stream.indirect.gather [spmem:s2], $0x40, s23, s16, $0xb8;
	[tilespmem:$0x1C400] =	vst v63  }
0x7f: {  	_ =	swait.ge [sflag:s31], $0x2000  }
0x80: {  	[sflag:s31] =	ssyncset.done $0x0  }
0x81: {  	s11 =	sadd.s32 $0x80, s11;
	[sflag:s31] =	ssyncadd.s32 $0xFFFFE000  }
0x82: {  	[spmem:s3] =	stream.indirect.scatter.add.f32 [tilespmem:s30], [sflag:$0x8], $0x40, s0, s16, $0xb8;
	[tilespmem:$0x1C400] =	vst v63  }
0x83: {  	p0 =	sne.s32 s11, $0x1400;
	_ =	swait.ge [sflag:s1], $0x2000  }
.Ltmp0:
0x84: {  	[sflag:s1] =	ssyncset.done $0x0;
	(pc) =	sbr.rel @p0 .LBB2_2-.Ltmp0, $4  }
0x85: {  	s12 =	sadd.s32 $0xA0, s12;
	[sflag:s1] =	ssyncadd.s32 $0xFFFFE000  }
0x86: {  	[tilespmem:s15], [sflag:$0xA] =	stream.linear.gather [hbm4b:s12+s4], $0x100, $0x38;
	[tilespmem:$0x1C400] =	vst v63  }
0x87: {  	_ =	swait.ge [sflag:s5], $0x100  }
0x88: {  	[sflag:s5] =	ssyncset.done $0x0  }
0x89: {  	[sflag:s5] =	ssyncadd.s32 $0xFFFFFF00;
	s8 =	simm.s32 $0x7  }
0x8a: {  	[tilespmem:s17], [sflag:$0x1] =	stream.indirect.gather [spmem:s2], $0x40, s4, s16, $0xb8;
	[tilespmem:$0x1C400] =	vst v63  }
0x8b: {  	_ =	swait.ge [sflag:s8], $0x2000  }
0x8c: {  	[sflag:s8] =	ssyncset.done $0x0  }
0x8d: {  	s9 =	simm.s32 $0x8;
	[sflag:s8] =	ssyncadd.s32 $0xFFFFE000  }
0x8e: {  	_ =	swait.ge [sflag:s9], $0x2000  }
0x8f: {  	[sflag:s9] =	ssyncset.done $0x0  }
0x90: {  	[sflag:s9] =	ssyncadd.s32 $0xFFFFE000  }
0x91: {  	_ =	swait.ge [sflag:s18], $0x2000  }
0x92: {  	[sflag:s18] =	ssyncset.done $0x0  }
0x93: {  	[sflag:s18] =	ssyncadd.s32 $0xFFFFE000  }
0x94: {  	_ =	swait.ge [sflag:s20], $0x100  }
0x95: {  	[sflag:s20] =	ssyncset.done $0x0  }
0x96: {  	[sflag:s20] =	ssyncadd.s32 $0xFFFFFF00  }
0x97: {  	[bflag:$0x0] =	sbarrier.arrive $0xFFFF  }
0x98: {  	s11 =	rddreg [dreg:$0xa]  }
0x99: {  	[hbm:s11], [sflag:s6] =	dma.local [spmem:s14], $0x1400  }
0x9a: {  	_ =	swait.ge [sflag:s13], $0x1400  }
0x9b: {  	s10 =	sadd.s32 $0x1, s10;
	s12 =	rddreg [dreg:$0xb]  }
0x9c: {  	p0 =	sne.s32 s10, s12  }
.Ltmp1:
0x9d: {  	_ = 	snop;
	(pc) =	sbr.rel @p0 .LBB2_1-.Ltmp1, $3  }
0x9e: {  	_ =	sdelay $0x1  }
0x9f: {  	[sflag:s13] =	ssyncset.done $0x0  }
0xa0: {  	[sflag:s13] =	ssyncadd.s32 $0xFFFFEC00  }
0xa1: {  	_ =	sfence.sel $0x180000  }
0xa2: {  	[bflag:$0x0] =	sbarrier.arrive $0xFFFF  }
0xa3: {  	_ =	strace $0x9000004D  }
0xa4: {  	s0 =	stileid.u32;
	[bflag:$0x2] =	sbarrier.arrive $0xFFFF  }
0xa5: {  	p0 =	sne.s32 s0, $0x0;
	s0 =	rddreg [dreg:$0x4]  }
0xa6: {  	s0 =	sadd.s32 @!p0 $0x100000, s0  }
0xa7: {  	[sflag:s0] =	ssyncadd.tile.s32 @!p0 $0x1;
	_ =	shalt  }
.Lfunc_end2:
_tile_overlayer_lowered:
.L_overlay_start_2:
0xa8: {  	(tag) =	ssettag $0x2  }
0xa9: {  	s0 =	rddreg [dreg:$0x0];
	s2 =	stileid.u32  }
0xaa: {  	s1 =	rddreg [dreg:$0x1];
	p0 =	sne.s32 s2, $0x0  }
0xab: {  	s3 =	rddreg [dreg:$0x2];
	[bflag:$0x3] =	sbarrier.arrive $0xFFFF;
	s2 =	simm.s32 @!p0 $0x1C0D  }
0xac: {  	[timem:s3], [sflag:s2] =	dma.local @!p0 [hbm:s0], s1  }
0xad: {  	s0 =	simm.s32 @!p0 $0xD  }
0xae: {  	_ =	swait.ge @!p0 [sflag:s0], s1  }
0xaf: {  	s1 =	ssub.s32 @!p0 $0x0, s1;
	[sflag:s0] =	ssyncset.done @!p0 $0x0  }
0xb0: {  	[sflag:s0] =	ssyncadd.s32 @!p0 s1  }
0xb1: {  	[bflag:$0x3] =	sbarrier.arrive $0xFFFF  }
0xb2: {  	_ =	shalt  }

// kernel: kernel.8.cloned.1.call-start
scs
__scs_entry_jumppad:
0x0: {  	(pc) =	sbr.rel $0x88, $3  }
0x1: {  	(tag) =	ssettag $0x0;
	lr =	simm.s32 $0x1  }
0x2: {  	[smem:$0x3F95] =	sst lr;
	_ =	strace $0xD0000000  }
0x3: {  	_ = 	snop  }
0x4: {  	_ = 	snop  }
0x5: {  	_ = 	snop  }
0x6: {  	_ = 	snop  }
0x7: {  	_ = 	snop  }
__scs_overlays_trampoline_lowered:
0x8: {  	[smem:$0x3FA4] =	sst s0  }
0x9: {  	[smem:$0x3FA5] =	sst s1  }
0xa: {  	[smem:$0x3FA6] =	sst s2  }
0xb: {  	[smem:$0x3FA7] =	sst s3  }
0xc: {  	[smem:$0x3FA8] =	sst s4  }
0xd: {  	[smem:$0x3FA9] =	sst s5  }
0xe: {  	[smem:$0x3FAA] =	sst s6  }
0xf: {  	[smem:$0x3FAB] =	sst s7  }
0x10: {  	[smem:$0x3FAC] =	sst s8  }
0x11: {  	[smem:$0x3FAD] =	sst s9;
	s0 =	simm.s32 @!p0 $0x0  }
0x12: {  	s1 =	sld [smem:$0x3F93];
	s0 =	simm.s32 @p0 $0x1  }
0x13: {  	[smem:$0x3FAE] =	sst s0;
	s0 =	simm.s32 @!p1 $0x0  }
0x14: {  	s2 =	sld [smem:$0x3F92];
	s0 =	simm.s32 @p1 $0x1  }
0x15: {  	[smem:$0x3FAF] =	sst s0;
	s0 =	simm.s32 @!p2 $0x0  }
0x16: {  	s3 =	sld [smem:$0x3FDB];
	s0 =	simm.s32 @p2 $0x1  }
0x17: {  	s4 =	simm.s32 $0x1BF5;
	[smem:$0x3FB1] =	sst s0  }
0x18: {  	s0 =	sld [smem:$0x3F94];
	_ =	swait.ge [sflag:s4], $0x0  }
0x19: {  	s7 =	sld [smem:$0x3F95]  }
0x1a: {  	s8 =	sadd.s32 $0xFFFFE003, lr  }
0x1b: {  	s9 =	sadd.s32 $0xFFFFFEF7, lr;
	s5 =	simm.s32 $0xFFFFFFFF;
	p2 =	slt.u32 s8, $0xFFFFF086  }
0x1c: {  	p1 =	slt.u32 s9, $0xF7A;
	s5 =	simm.s32 @!p2 $0x0  }
0x1d: {  	s5 =	simm.s32 @p1 $0x1;
	p0 =	seq.s32 s7, s2  }
0x1e: {  	s7 =	smul.u32 @!p0 $0xF7A, s2;
	p2 =	seq.s32 @!p0 s5, $0x0  }
0x1f: {  	s9 =	smul.u32 $0xF7A, s1;
	s8 =	simm.s32 @!p0 $0x1BF5;
	p2 =	por !p2, p0  }
0x20: {  	[sflag:s8] =	ssyncset.s32 @!p0 $0xFFFFF086;
	s6 =	sadd.s32 @!p0 s3, s7;
	s7 =	simm.s32 @!p0 $0x108  }
0x21: {  	s3 =	sadd.s32 s3, s9;
	s6 =	sadd.s32 @!p0 $0x88, s6;
	s7 =	simm.s32 @p2 $0x1082  }
0x22: {  	[simem:s7], [sflag:s8] =	dma.local @!p0 [hbm:s6], $0xF7A  }
0x23: {  	s9 =	sor.u32 $0xD0000000, s2;
	s6 =	simm.s32 $0x108;
	_ =	swait.ge @!p0 [sflag:s8], $0x0  }
0x24: {  	s3 =	sadd.s32 $0x88, s3;
	s6 =	simm.s32 @!p1 $0x1082;
	[sflag:s4] =	ssyncset.s32 $0xFFFFF086  }
0x25: {  	[simem:s6], [sflag:s4] =	dma.local [hbm:s3], $0xF7A  }
0x26: {  	[smem:$0x3F95] =	sst s1;
	(tag) =	ssettag s2;
	_ =	strace s9  }
0x27: {  	s1 =	sld [smem:$0x3FA5]  }
0x28: {  	s2 =	sld [smem:$0x3FA6]  }
0x29: {  	s4 =	sld [smem:$0x3FA8]  }
0x2a: {  	p0 =	seq.s32 s5, $0x0;
	s5 =	sld [smem:$0x3FA9]  }
0x2b: {  	s6 =	sld [smem:$0x3FAA]  }
0x2c: {  	s7 =	sld [smem:$0x3FAB]  }
0x2d: {  	s3 =	simm.s32 $0x108;
	s8 =	sld [smem:$0x3FAC]  }
0x2e: {  	s3 =	simm.s32 @!p0 $0x1082;
	s9 =	sld [smem:$0x3FAD]  }
0x2f: {  	lr =	sadd.s32 s0, s3;
	s0 =	sld [smem:$0x3FA4]  }
0x30: {  	s3 =	sld [smem:$0x3FA7]  }
0x31: {  	[smem:$0x3FB0] =	sst s10  }
0x32: {  	s10 =	sld [smem:$0x3FAE];
	_ =	sdelay $0x3  }
0x33: {  	p0 =	seq.s32 s10, $0x1;
	s10 =	sld [smem:$0x3FB0];
	_ =	sdelay $0x3  }
0x34: {  	[smem:$0x3FB0] =	sst s10  }
0x35: {  	s10 =	sld [smem:$0x3FAF];
	_ =	sdelay $0x3  }
0x36: {  	p1 =	seq.s32 s10, $0x1;
	s10 =	sld [smem:$0x3FB0];
	_ =	sdelay $0x3  }
0x37: {  	[smem:$0x3FB0] =	sst s10  }
0x38: {  	s10 =	sld [smem:$0x3FB1]  }
0x39: {  	_ = 	snop;
	(pc) =	sbr.ind lr, $3  }
0x3a: {  	_ = 	snop  }
0x3b: {  	_ = 	snop  }
0x3c: {  	p2 =	seq.s32 s10, $0x1;
	s10 =	sld [smem:$0x3FB0]  }
0x3d: {  	_ =	shalt  }
0x3e: {  	_ =	shalt  }
0x3f: {  	_ =	shalt  }
0x40: {  	_ =	shalt  }
0x41: {  	_ =	shalt  }
0x42: {  	_ =	shalt  }
0x43: {  	_ =	shalt  }
0x44: {  	_ =	shalt  }
0x45: {  	_ =	shalt  }
0x46: {  	_ =	shalt  }
0x47: {  	_ =	shalt  }
0x48: {  	_ =	shalt  }
0x49: {  	_ =	shalt  }
0x4a: {  	_ =	shalt  }
0x4b: {  	_ =	shalt  }
0x4c: {  	_ =	shalt  }
0x4d: {  	_ =	shalt  }
0x4e: {  	_ =	shalt  }
0x4f: {  	_ =	shalt  }
0x50: {  	_ =	shalt  }
0x51: {  	_ =	shalt  }
0x52: {  	_ =	shalt  }
0x53: {  	_ =	shalt  }
0x54: {  	_ =	shalt  }
0x55: {  	_ =	shalt  }
0x56: {  	_ =	shalt  }
0x57: {  	_ =	shalt  }
0x58: {  	_ =	shalt  }
0x59: {  	_ =	shalt  }
0x5a: {  	_ =	shalt  }
0x5b: {  	_ =	shalt  }
0x5c: {  	_ =	shalt  }
0x5d: {  	_ =	shalt  }
0x5e: {  	_ =	shalt  }
0x5f: {  	_ =	shalt  }
0x60: {  	_ =	shalt  }
0x61: {  	_ =	shalt  }
0x62: {  	_ =	shalt  }
0x63: {  	_ =	shalt  }
0x64: {  	_ =	shalt  }
0x65: {  	_ =	shalt  }
0x66: {  	_ =	shalt  }
0x67: {  	_ =	shalt  }
0x68: {  	_ =	shalt  }
0x69: {  	_ =	shalt  }
0x6a: {  	_ =	shalt  }
0x6b: {  	_ =	shalt  }
0x6c: {  	_ =	shalt  }
0x6d: {  	_ =	shalt  }
0x6e: {  	_ =	shalt  }
0x6f: {  	_ =	shalt  }
0x70: {  	_ =	shalt  }
0x71: {  	_ =	shalt  }
0x72: {  	_ =	shalt  }
0x73: {  	_ =	shalt  }
0x74: {  	_ =	shalt  }
0x75: {  	_ =	shalt  }
0x76: {  	_ =	shalt  }
0x77: {  	_ =	shalt  }
0x78: {  	_ =	shalt  }
0x79: {  	_ =	shalt  }
0x7a: {  	_ =	shalt  }
0x7b: {  	_ =	shalt  }
0x7c: {  	_ =	shalt  }
0x7d: {  	_ =	shalt  }
0x7e: {  	_ =	shalt  }
0x7f: {  	_ =	shalt  }
0x80: {  	_ =	shalt  }
0x81: {  	_ =	shalt  }
0x82: {  	_ =	shalt  }
0x83: {  	_ =	shalt  }
0x84: {  	_ =	shalt  }
0x85: {  	_ =	shalt  }
0x86: {  	_ =	shalt  }
0x87: {  	_ =	shalt  }
.Lfunc_end0:
.L_simem_size_0:
called_computation_lowered:
.L_overlay_start_0:
0x88: {  	s2 =	sld [smem:$0x3FD9]  }
0x89: {  	s3 =	sld [smem:$0x3FFE];
	_ =	sdelay $0x1  }
0x8a: {  	s1 =	srdreg.scid  }
0x8b: {  	s0 =	sand.u32 $0x1, s1  }
0x8c: {  	s16 =	sshll.u32 s0, $0xA;
	s2 =	sadd.s32 s3, s2  }
0x8d: {  	s2 =	sadd.s32 s2, s16  }
0x8e: {  	[smem:$0x3FBC] =	sst s2  }
0x8f: {  	_ = 	snop  }
0x90: {  	(tm) =	ssettm $0x1  }
0x91: {  	s17 =	sld [smem:$0x3FFB];
	_ =	sdelay $0x3  }
0x92: {  	_ =	strace s17  }
0x93: {  	s2 =	sld [smem:$0x3FFC];
	_ =	sdelay $0x3  }
0x94: {  	_ =	strace s2  }
0x95: {  	s2 =	sld [smem:$0x3FFD];
	_ =	sdelay $0x3  }
0x96: {  	_ =	strace s2  }
0x97: {  	_ =	strace $0x8FFFFFFF  }
0x98: {  	s18 =	sld [smem:$0x3FDB];
	_ =	sdelay $0x1  }
0x99: {  	s19 =	simm.s32 $_scs_section_size  }
0x9a: {  	s4 =	simm.s32 $_size__tile_overlayer_lowered;
	s5 =	simm.s32 $_tile_overlayer_lowered  }
0x9b: {  	s22 =	simm.s32 $0x1BFF;
	s21 =	sshll.u32 s5, $0x1;
	s2 =	sadd.s32 s19, s18  }
0x9c: {  	s6 =	simm.s32 $0x0;
	s20 =	sshll.u32 s4, $0x1;
	s4 =	sadd.s32 s21, s2  }
0x9d: {  	[timem:s6], [sflag:s22] =	dma.local [hbm:s4], s20  }
0x9e: {  	_ =	swait.ge [sflag:s22], s20  }
0x9f: {  	s3 =	ssub.s32 $0x0, s20;
	[sflag:s22] =	ssyncset.done $0x0  }
0xa0: {  	[sflag:s22] =	ssyncadd.s32 s3;
	_ =	sdelay $0x1  }
0xa1: {  	s23 =	simm.s32 $0x1B8B  }
0xa2: {  	_ =	swait.ge [sflag:s23], $0x1  }
0xa3: {  	[sflag:s23] =	ssyncset.done $0x0  }
0xa4: {  	s25 =	simm.s32 $0x1B8E;
	s24 =	sld [smem:$0x3FFE];
	[sflag:s23] =	ssyncadd.s32 $0xFFFFFFFF  }
0xa5: {  	s26 =	simm.s32 $execute0_lowered;
	[smem:$0x3FD2] =	sst s25  }
0xa6: {  	s4 =	sshll.u32 s26, $0x1;
	_ =	strace $0x80000046;
	[dreg:$0x1] =	wrdreg $0xFFFFFFFF  }
0xa7: {  	s28 =	simm.s32 $_size_execute0_lowered;
	s2 =	sadd.s32 s2, s4;
	[dreg:$0x0] =	wrdreg $0x0  }
0xa8: {  	s4 =	sshll.u32 s28, $0x1;
	[dreg:$0x2] =	wrdreg s2  }
0xa9: {  	[dreg:$0x3] =	wrdreg s4  }
0xaa: {  	[dreg:$0x4] =	wrdreg $0xC0  }
0xab: {  	_ =	task [dreg:s6], $0x5FFFF  }
0xac: {  	[dreg:$0x1] =	wrdreg $0xFFFFFFFF  }
0xad: {  	[dreg:$0x0] =	wrdreg $0x60  }
0xae: {  	[dreg:$0x2] =	wrdreg s24  }
0xaf: {  	[dreg:$0x3] =	wrdreg $0x50800  }
0xb0: {  	[dreg:$0x4] =	wrdreg $0x53000  }
0xb1: {  	[dreg:$0x5] =	wrdreg $0x9  }
0xb2: {  	_ =	task.clear_ibuf [dreg:s6], $0x6FFFF;
	_ =	strace $0x90000046  }
0xb3: {  	s29 =	simm.s32 $0x9;
	_ =	strace $0x80000048  }
0xb4: {  	_ =	swait.ge [sflag:s29], $0x1  }
0xb5: {  	[sflag:s29] =	ssyncadd.s32 $0xFFFFFFFF  }
0xb6: {  	_ =	strace $0x90000048  }
0xb7: {  	_ =	sfence  }
0xb8: {  	s30 =	sld [smem:$0x0];
	_ =	sdelay $0x2  }
0xb9: {  	s31 =	sshll.u32 s1, $0xD;
	s1 =	sshrl.u32 s1, $0x2  }
0xba: {  	s3 =	sand.u32 $0x4000, s31;
	s1 =	sadd.s32 s1, s30  }
0xbb: {  	s0 =	sor.u32 s3, s0;
	s1 =	sshll.u32 s1, $0x11  }
0xbc: {  	s0 =	sor.u32 s1, s0  }
0xbd: {  	s0 =	sadd.s32 $0x8F2B, s0  }
0xbe: {  	[sflag:s0] =	ssyncadd.remote.s32 $0x1  }
0xbf: {  	_ =	sfence.sel $0xFFFF  }
0xc0: {  	[dreg:$0x0] =	wrdreg $0xFFFFFFFF;
	(pc) =	sbr.abs _section_cstart, $3  }
0xc1: {  	[dreg:$0x1] =	wrdreg $0xFFFFFFFF  }
0xc2: {  	_ =	task.clear_ibuf [dreg:s6], $0x2FFFF;
	_ =	strace $0x9FFFFFFF  }
0xc3: {  	(tm) =	ssettm $0x7FFFFFFF  }
tec
execute0_lowered:
.L_overlay_start_1:
0x0: {  	(tag) =	ssettag $0x1  }
0x1: {  	s6 =	rddreg [dreg:$0x0]  }
0x2: {  	s2 =	rddreg [dreg:$0x1];
	s1 =	srdreg.scid  }
0x3: {  	s0 =	stileid.u32;
	s3 =	rddreg [dreg:$0x2];
	s4 =	simm.s32 $0x0  }
0x4: {  	s11 =	simm.s32 $0x1C42;
	s12 =	simm.s32 $0x2;
	s13 =	simm.s32 $0x80  }
0x5: {  	s14 =	simm.s32 $0x5000;
	s15 =	simm.s32 $0x100;
	s16 =	simm.s32 $0x180  }
0x6: {  	s17 =	simm.s32 $0x200;
	s18 =	simm.s32 $0x280;
	s19 =	simm.s32 $0x300  }
0x7: {  	s20 =	simm.s32 $0x380;
	s21 =	simm.s32 $0x1;
	s24 =	simm.s32 $0x1C02  }
0x8: {  	s25 =	simm.s32 $0x0;
	s5 =	sand.u32 $0x1, s1;
	s1 =	rddreg [dreg:$0x3]  }
0x9: {  	s7 =	sshll.u32 s0, $0x1;
	[smem:$0x7FF] =	sst s4;
	p0 =	sne.s32 s0, $0x0  }
0xa: {  	p1 =	seq.s32 s0, $0x1;
	s23 =	sshrl.u32 s2, $0x3;
	s7 =	sor.u32 s5, s7  }
0xb: {  	_ =	strace $0x80000047;
	s8 =	smul.u32 $0xA00, s5;
	s9 =	ssub.s32 $0x2, s5  }
0xc: {  	s5 =	sadd.s32 $0x16400, s6;
	s7 =	smul.u32 $0xA00, s7;
	s10 =	sshrl.u32 s9, $0x1  }
0xd: {  	s22 =	sshrl.u32 @!p0 s2, $0x3;
	s8 =	sadd.s32 s8, s6;
	s9 =	ssub.s32 s9, s10  }
0xe: {  	s10 =	sshrl.u32 s3, $0x3;
	s7 =	sadd.s32 s7, s6;
	s9 =	smax.u32 s9, $0x1  }
0xf: {  	v0 =	vimm.f32 $1.000000000e+00;
	s6 =	sadd.s32 $0x2200, s7;
	s7 =	sadd.s32 $0x16A00, s8;
	s8 =	sadd.s32 $0x16A10, s8  }
.LBB2_1:
0x10: {  	[tilespmem:$0x5000] =	vst v0  }
0x11: {  	[tilespmem:$0x5010] =	vst v0  }
0x12: {  	[tilespmem:$0x5020] =	vst v0  }
.Ltmp0:
0x13: {  	[tilespmem:$0x5030] =	vst v0;
	(pc) =	sbr.rel @p1 .LBB2_4-.Ltmp0, $4  }
0x14: {  	[tilespmem:$0x5040] =	vst v0  }
0x15: {  	[tilespmem:$0x5050] =	vst v0  }
0x16: {  	[tilespmem:$0x5060] =	vst v0  }
0x17: {  	[tilespmem:$0x5070] =	vst v0  }
.Ltmp1:
0x18: {  	(pc) =	sbr.rel @p0 .LBB2_6-.Ltmp1, $2  }
0x19: {  	_ =	sdelay $0x2  }
0x1a: {  	p2 =	por $0x0, $0x0  }
.Ltmp2:
0x1b: {  	(pc) =	sbr.rel .LBB2_5-.Ltmp2, $2  }
0x1c: {  	_ =	sdelay $0x2  }
0x1d: {  	[spmem:s23], [sflag:s24] =	dma.local [hbm:s5], $0x500  }
.LBB2_4:
0x1e: {  	[spmem:s10], [sflag:s11] =	dma.local [hbm:s5], $0x500  }
.LBB2_5:
0x1f: {  	_ =	swait.ge [sflag:s12], $0x500  }
0x20: {  	[sflag:s12] =	ssyncset.done $0x0  }
0x21: {  	p2 =	por p0, p0;
	[sflag:s12] =	ssyncadd.s32 $0xFFFFFB00  }
.LBB2_6:
0x22: {  	[bflag:$0x0] =	sbarrier.arrive $0xFFFF  }
0x23: {  	[tilespmem:s4], [sflag:$0x2] =	stream.linear.gather [hbm4b:s6+s4], $0x5000, $0x38;
	[tilespmem:$0x5580] =	vst v63  }
0x24: {  	_ =	swait.ge [sflag:s12], $0x5000  }
0x25: {  	[sflag:s12] =	ssyncset.done $0x0  }
0x26: {  	[sflag:s12] =	ssyncadd.s32 $0xFFFFB000  }
0x27: {  	[spmem:s2] =	stream.indirect.scatter.add.f32 [tilespmem:s14], [sflag:$0x1], $0x1, s4, s13, $0xb8;
	[tilespmem:$0x5580] =	vst v63  }
0x28: {  	_ = 	snop  }
0x29: {  	[spmem:s3] =	stream.indirect.scatter.add.f32 [tilespmem:s14], [sflag:$0x1], $0x1, s13, s13, $0xb8;
	[tilespmem:$0x5580] =	vst v63  }
0x2a: {  	_ = 	snop  }
0x2b: {  	[spmem:s2] =	stream.indirect.scatter.add.f32 [tilespmem:s14], [sflag:$0x1], $0x1, s15, s13, $0xb8;
	[tilespmem:$0x5580] =	vst v63  }
0x2c: {  	_ = 	snop  }
0x2d: {  	[spmem:s3] =	stream.indirect.scatter.add.f32 [tilespmem:s14], [sflag:$0x1], $0x1, s16, s13, $0xb8;
	[tilespmem:$0x5580] =	vst v63  }
0x2e: {  	_ = 	snop  }
0x2f: {  	[spmem:s2] =	stream.indirect.scatter.add.f32 [tilespmem:s14], [sflag:$0x1], $0x1, s17, s13, $0xb8;
	[tilespmem:$0x5580] =	vst v63  }
0x30: {  	_ = 	snop  }
0x31: {  	[spmem:s3] =	stream.indirect.scatter.add.f32 [tilespmem:s14], [sflag:$0x1], $0x1, s18, s13, $0xb8;
	[tilespmem:$0x5580] =	vst v63  }
0x32: {  	_ = 	snop  }
0x33: {  	[spmem:s2] =	stream.indirect.scatter.add.f32 [tilespmem:s14], [sflag:$0x1], $0x1, s19, s13, $0xb8;
	[tilespmem:$0x5580] =	vst v63  }
0x34: {  	_ = 	snop  }
0x35: {  	[spmem:s3] =	stream.indirect.scatter.add.f32 [tilespmem:s14], [sflag:$0x1], $0x1, s20, s13, $0xb8;
	[tilespmem:$0x5580] =	vst v63  }
0x36: {  	s26 =	simm.s32 $0x400  }
0x37: {  	[spmem:s2] =	stream.indirect.scatter.add.f32 [tilespmem:s14], [sflag:$0x1], $0x1, s26, s13, $0xb8;
	[tilespmem:$0x5580] =	vst v63  }
0x38: {  	s31 =	simm.s32 $0x480  }
0x39: {  	[spmem:s3] =	stream.indirect.scatter.add.f32 [tilespmem:s14], [sflag:$0x1], $0x1, s31, s13, $0xb8;
	[tilespmem:$0x5580] =	vst v63  }
0x3a: {  	_ =	swait.ge [sflag:s21], $0x80  }
0x3b: {  	[sflag:s21] =	ssyncset.done $0x0  }
0x3c: {  	[sflag:s21] =	ssyncadd.s32 $0xFFFFFF80  }
0x3d: {  	_ =	swait.ge [sflag:s21], $0x80  }
0x3e: {  	s28 =	simm.s32 $0xFFFED800;
	s26 =	simm.s32 $0xFFFFB500;
	[sflag:s21] =	ssyncset.done $0x0  }
.LBB2_7:
0x3f: {  	s29 =	sadd.s32 $0x5000, s26  }
0x40: {  	[sflag:s21] =	ssyncadd.s32 $0xFFFFFF80;
	s30 =	smov.u32 s28;
	s31 =	sadd.s32 $0x400, s28  }
0x41: {  	[spmem:s2] =	stream.indirect.scatter.add.f32 [tilespmem:s14], [sflag:$0x1], $0x1, s29, s13, $0xb8;
	[tilespmem:$0x5580] =	vst v63  }
0x42: {  	p3 =	sne.s32 s28, $0xFFFFFC00;
	s26 =	sadd.s32 $0x5080, s26  }
0x43: {  	[spmem:s3] =	stream.indirect.scatter.add.f32 [tilespmem:s14], [sflag:$0x1], $0x1, s26, s13, $0xb8;
	[tilespmem:$0x5580] =	vst v63  }
.Ltmp3:
0x44: {  	_ =	swait.ge [sflag:s21], $0x80;
	(pc) =	sbr.rel @p3 .LBB2_7-.Ltmp3, $4  }
0x45: {  	[sflag:s21] =	ssyncset.done $0x0  }
0x46: {  	[sflag:s21] =	ssyncadd.s32 $0xFFFFFF80  }
0x47: {  	_ =	swait.ge [sflag:s21], $0x80  }
0x48: {  	s28 =	smov.u32 s31;
	s26 =	sshra.s32 s30, $0x2;
	[sflag:s21] =	ssyncset.done $0x0  }
0x49: {  	s28 =	sadd.s32 $0x5000, s26;
	[sflag:s21] =	ssyncadd.s32 $0xFFFFFF80  }
0x4a: {  	[spmem:s2] =	stream.indirect.scatter.add.f32 [tilespmem:s14], [sflag:$0x1], $0x1, s28, s13, $0xb8;
	[tilespmem:$0x5580] =	vst v63  }
0x4b: {  	s31 =	sadd.s32 $0x5080, s26  }
0x4c: {  	[spmem:s3] =	stream.indirect.scatter.add.f32 [tilespmem:s14], [sflag:$0x1], $0x1, s31, s13, $0xb8;
	[tilespmem:$0x5580] =	vst v63  }
0x4d: {  	_ =	swait.ge [sflag:s21], $0x80  }
0x4e: {  	[sflag:s21] =	ssyncset.done $0x0  }
0x4f: {  	[sflag:s21] =	ssyncadd.s32 $0xFFFFFF80  }
0x50: {  	_ =	swait.ge [sflag:s21], $0x80  }
0x51: {  	[sflag:s21] =	ssyncset.done $0x0  }
0x52: {  	[sflag:s21] =	ssyncadd.s32 $0xFFFFFF80  }
0x53: {  	_ =	swait.ge [sflag:s21], $0x80  }
0x54: {  	[sflag:s21] =	ssyncset.done $0x0  }
0x55: {  	[sflag:s21] =	ssyncadd.s32 $0xFFFFFF80  }
0x56: {  	_ =	swait.ge [sflag:s21], $0x80  }
0x57: {  	[sflag:s21] =	ssyncset.done $0x0  }
0x58: {  	[sflag:s21] =	ssyncadd.s32 $0xFFFFFF80  }
0x59: {  	_ =	swait.ge [sflag:s21], $0x80  }
0x5a: {  	[sflag:s21] =	ssyncset.done $0x0  }
0x5b: {  	[sflag:s21] =	ssyncadd.s32 $0xFFFFFF80  }
0x5c: {  	_ =	swait.ge [sflag:s21], $0x80  }
0x5d: {  	[sflag:s21] =	ssyncset.done $0x0  }
0x5e: {  	[sflag:s21] =	ssyncadd.s32 $0xFFFFFF80  }
0x5f: {  	_ =	swait.ge [sflag:s21], $0x80  }
0x60: {  	[sflag:s21] =	ssyncset.done $0x0  }
0x61: {  	[sflag:s21] =	ssyncadd.s32 $0xFFFFFF80  }
0x62: {  	_ =	swait.ge [sflag:s21], $0x80  }
0x63: {  	[sflag:s21] =	ssyncset.done $0x0  }
0x64: {  	[sflag:s21] =	ssyncadd.s32 $0xFFFFFF80  }
0x65: {  	_ =	swait.ge [sflag:s21], $0x80  }
0x66: {  	[sflag:s21] =	ssyncset.done $0x0  }
0x67: {  	[sflag:s21] =	ssyncadd.s32 $0xFFFFFF80  }
0x68: {  	_ =	swait.ge [sflag:s21], $0x80  }
0x69: {  	s26 =	simm.s32 @!p0 $0x1;
	[sflag:s21] =	ssyncset.done $0x0  }
0x6a: {  	s29 =	simm.s32 @!p0 $0x10;
	s30 =	simm.s32 @!p0 $0x1C02;
	[sflag:s21] =	ssyncadd.s32 $0xFFFFFF80  }
0x6b: {  	s25 =	sadd.s32 $0x1, s25;
	s28 =	simm.s32 @!p0 $0x20;
	[bflag:$0x0] =	sbarrier.arrive $0xFFFF  }
0x6c: {  	[hbm:s7@s28], [sflag:s30] =	dma.strided @!p0 [spmem:s22@s29], $0x500, s26, $0x10   }
0x6d: {  	p3 =	sne.s32 s25, s9;
	s26 =	simm.s32 @!p0 $0x2  }
0x6e: {  	s31 =	simm.s32 @p2 $0x10;
	s28 =	sshll.u32 @p2 s0, $0x6;
	_ =	swait.ge @!p0 [sflag:s26], $0x500  }
0x6f: {  	s29 =	simm.s32 @p2 $0x1;
	s30 =	simm.s32 @p2 $0x20;
	[sflag:s26] =	ssyncset.done @!p0 $0x0  }
0x70: {  	[sflag:s26] =	ssyncadd.s32 @!p0 $0xFFFFFB00;
	s26 =	sor.u32 @p2 $0x1C02, s28;
	s28 =	sshrl.u32 @p2 s3, $0x3  }
0x71: {  	[hbm:s8@s30], [sflag:s26] =	dma.strided @p2 [spmem:s28@s31], $0x500, s29, $0x10   }
.Ltmp4:
0x72: {  	_ = 	snop;
	(pc) =	sbr.rel @p3 .LBB2_1-.Ltmp4, $4  }
0x73: {  	s26 =	simm.s32 @p2 $0x2  }
0x74: {  	_ =	swait.ge @p2 [sflag:s26], $0x500  }
0x75: {  	[sflag:s26] =	ssyncset.done @p2 $0x0  }
0x76: {  	[sflag:s26] =	ssyncadd.s32 @p2 $0xFFFFFB00  }
0x77: {  	_ =	sfence.sel $0x180000  }
0x78: {  	[bflag:$0x0] =	sbarrier.arrive $0xFFFF  }
0x79: {  	p0 =	sne.s32 s0, $0x0;
	_ =	strace $0x90000047  }
0x7a: {  	s0 =	sadd.s32 @!p0 $0x100000, s1;
	[bflag:$0x2] =	sbarrier.arrive $0xFFFF  }
0x7b: {  	[sflag:s0] =	ssyncadd.tile.s32 @!p0 $0x1;
	_ =	shalt  }
.Lfunc_end2:
_tile_overlayer_lowered:
.L_overlay_start_2:
0x7c: {  	(tag) =	ssettag $0x2  }
0x7d: {  	s0 =	rddreg [dreg:$0x0];
	s2 =	stileid.u32  }
0x7e: {  	s1 =	rddreg [dreg:$0x1];
	p0 =	sne.s32 s2, $0x0  }
0x7f: {  	s3 =	rddreg [dreg:$0x2];
	[bflag:$0x3] =	sbarrier.arrive $0xFFFF;
	s2 =	simm.s32 @!p0 $0x1C02  }
0x80: {  	[timem:s3], [sflag:s2] =	dma.local @!p0 [hbm:s0], s1  }
0x81: {  	s0 =	simm.s32 @!p0 $0x2  }
0x82: {  	_ =	swait.ge @!p0 [sflag:s0], s1  }
0x83: {  	s1 =	ssub.s32 @!p0 $0x0, s1;
	[sflag:s0] =	ssyncset.done @!p0 $0x0  }
0x84: {  	[sflag:s0] =	ssyncadd.s32 @!p0 s1  }
0x85: {  	[bflag:$0x3] =	sbarrier.arrive $0xFFFF  }
0x86: {  	_ =	shalt  }

</sc_bundles>
